<compile_context>
chip_gen: v7x
topology: tpu7x:2x2x1
jax: 0.10.2.dev20260603
libtpu: 0.0.44.dev20260713+nightly
codegen_flags: <defaults>
</compile_context>

<pallas_src>
import functools

import jax
import jax.numpy as jnp
from jax import lax
from jax.experimental import pallas as pl
from jax.experimental.pallas import tpu as pltpu
from jax.experimental.pallas import tpu_sc as plsc

_NC = 2
_NS = 16
_NW = _NC * _NS
_CH = 125


def _mesh():
    return plsc.VectorSubcoreMesh(core_axis_name="c", subcore_axis_name="s")


def _sc_degree(n, col3, zeros_n):
    nw, nch, ch = col3.shape
    ones_len = ((ch + 15) // 16) * 16

    def body(col_hbm, zero_hbm, out_hbm, col_v, ones_v, acc, sem):
        c = lax.axis_index("c")
        s = lax.axis_index("s")
        wid = s * _NC + c
        one16 = jnp.full((16,), 1.0, jnp.float32)
        for k in range(ones_len // 16):
            ones_v[pl.ds(16 * k, 16)] = one16

        @pl.when(s == 0)
        def _zero():
            pltpu.sync_copy(zero_hbm, acc)

        pltpu.async_copy(col_hbm.at[wid], col_v, sem).wait()
        plsc.subcore_barrier()

        def step(j, carry):
            pltpu.sync_copy(ones_v.at[pl.ds(0, ch)], acc.at[col_v.at[j]], add=True)
            return carry

        lax.fori_loop(0, nch, step, 0)
        plsc.subcore_barrier()

        @pl.when(s == 0)
        def _out():
            pltpu.sync_copy(acc, out_hbm.at[c])

    return pl.kernel(
        body,
        out_type=jax.ShapeDtypeStruct((_NC, n), jnp.float32),
        mesh=_mesh(),
        scratch_types=[
            pltpu.VMEM((nch, ch), jnp.int32),
            pltpu.VMEM((ones_len,), jnp.float32),
            pltpu.VMEM_SHARED((n,), jnp.float32),
            pltpu.SemaphoreType.DMA,
        ],
    )(col3, zeros_n)


def _sc_aggregate(n, d, zs, row3, col3, zeros_blk):
    nw, nch, ch = row3.shape
    base = (n // _NS) & ~7
    last = n - base * (_NS - 1)

    rps = n // _NS

    def body(zs_hbm, row_hbm, col_hbm, zero_hbm, out_hbm, row_v, col_v,
             gb0, gb1, gb2, gb3, acc, sm0, sm1, sm2, sm3):
        c = lax.axis_index("c")
        s = lax.axis_index("s")
        wid = s * _NC + c
        gbufs = (gb0, gb1, gb2, gb3)
        sems = (sm0, sm1, sm2, sm3)

        pltpu.async_copy(zero_hbm, gb0, sm0).wait()
        for i in range(rps // ch + (1 if rps % ch else 0)):
            span = min(ch, rps - i * ch)
            pltpu.sync_copy(
                gb0.at[pl.ds(0, span)],
                acc.at[pl.ds(s * rps + i * ch, span)],
            )

        pltpu.async_copy(row_hbm.at[wid], row_v, sm1).wait()
        pltpu.async_copy(col_hbm.at[wid], col_v, sm1).wait()
        plsc.subcore_barrier()

        for k in range(3):
            pltpu.async_copy(zs_hbm.at[row_v.at[k]], gbufs[k], sems[k])

        def step(t, c2):
            j0 = 4 * t
            for k in range(4):
                pltpu.make_async_copy(zs_hbm.at[row_v.at[j0 + k]], gbufs[k], sems[k]).wait()
                pltpu.sync_copy(gbufs[k], acc.at[col_v.at[j0 + k]], add=True)
                nxt = j0 + k + 3
                kn = (k + 3) % 4

                @pl.when(nxt < nch)
                def _issue(nxt=nxt, kn=kn):
                    pltpu.async_copy(zs_hbm.at[row_v.at[nxt]], gbufs[kn], sems[kn])

            return c2

        lax.fori_loop(0, nch // 4, step, 0)
        plsc.subcore_barrier()

        @pl.when(s < _NS - 1)
        def _out_main():
            pltpu.sync_copy(acc.at[pl.ds(s * base, base)], out_hbm.at[c, pl.ds(s * base, base)])

        @pl.when(s == _NS - 1)
        def _out_last():
            pltpu.sync_copy(
                acc.at[pl.ds(base * (_NS - 1), last)],
                out_hbm.at[c, pl.ds(base * (_NS - 1), last)],
            )

    dt = zs.dtype
    return pl.kernel(
        body,
        out_type=jax.ShapeDtypeStruct((_NC, n, d), dt),
        mesh=_mesh(),
        compiler_params=pltpu.CompilerParams(use_tc_tiling_on_sc=False),
        scratch_types=[
            pltpu.VMEM((nch, ch), jnp.int32),
            pltpu.VMEM((nch, ch), jnp.int32),
            pltpu.VMEM((ch, d), dt),
            pltpu.VMEM((ch, d), dt),
            pltpu.VMEM((ch, d), dt),
            pltpu.VMEM((ch, d), dt),
            pltpu.VMEM_SHARED((n, d), dt),
            pltpu.SemaphoreType.DMA,
            pltpu.SemaphoreType.DMA,
            pltpu.SemaphoreType.DMA,
            pltpu.SemaphoreType.DMA,
        ],
    )(zs, row3, col3, zeros_blk)


def _tc(fn, out_shape, *args):
    return pl.pallas_call(fn, out_shape=out_shape)(*args)


def _tc_stage_in(degT, x, W1, b1r):
    def body(deg_ref, x_ref, w1_ref, b1_ref, zs1_ref, dis_ref):
        deg = deg_ref[:, 0:1] + deg_ref[:, 1:2] + 1.0
        dis = lax.rsqrt(deg)
        dis_ref[...] = dis
        zs1_ref[...] = (dis * (
            jnp.dot(x_ref[...], w1_ref[...], preferred_element_type=jnp.float32)
            + b1_ref[...]
        )).astype(zs1_ref.dtype)

    n = x.shape[0]
    dh = W1.shape[1]
    return _tc(
        body,
        (
            jax.ShapeDtypeStruct((n, dh), jnp.bfloat16),
            jax.ShapeDtypeStruct((n, 1), jnp.float32),
        ),
        degT, x, W1, b1r,
    )


def _tc_stage_mid(aggp, zs_prev, dis, W, br):
    def body(agg_ref, zs_ref, dis_ref, w_ref, b_ref, out_ref):
        dis = dis_ref[...]
        tot = (agg_ref[0].astype(jnp.float32) + agg_ref[1].astype(jnp.float32)
               + zs_ref[...].astype(jnp.float32))
        h = jnp.maximum(dis * tot, 0.0)
        out_ref[...] = (dis * (
            jnp.dot(h, w_ref[...], preferred_element_type=jnp.float32) + b_ref[...]
        )).astype(out_ref.dtype)

    n = zs_prev.shape[0]
    dout = W.shape[1]
    return _tc(
        body,
        jax.ShapeDtypeStruct((n, dout), jnp.bfloat16),
        aggp, zs_prev, dis, W, br,
    )


def _tc_stage_out(aggp, zs3, dis, Wo, bor):
    def body(agg_ref, zs_ref, dis_ref, wo_ref, b_ref, out_ref):
        h = dis_ref[...] * (agg_ref[0].astype(jnp.float32)
                            + agg_ref[1].astype(jnp.float32)
                            + zs_ref[...].astype(jnp.float32))
        out_ref[...] = (
            jnp.dot(h, wo_ref[...], preferred_element_type=jnp.float32) + b_ref[...]
        )

    n = zs3.shape[0]
    df = Wo.shape[1]
    return _tc(
        body,
        jax.ShapeDtypeStruct((n, df), jnp.float32),
        aggp, zs3, dis, Wo, bor,
    )


def kernel(x, edge_index, W1, b1, W2, b2, W3, b3, Wo, bo):
    n, din = x.shape
    e = edge_index.shape[1]
    ew = e // _NW
    nch = ew // _CH
    assert ew * _NW == e and nch * _CH == ew

    row3 = edge_index[0].reshape(_NW, nch, _CH)
    col3 = edge_index[1].reshape(_NW, nch, _CH)
    zeros_n = jnp.zeros((n,), jnp.float32)

    zeros_blk = jnp.zeros((_CH, W1.shape[1]), jnp.bfloat16)
    b1r = b1.reshape(1, -1)
    b2r = b2.reshape(1, -1)
    b3r = b3.reshape(1, -1)
    bor = bo.reshape(1, -1)

    deg2 = _sc_degree(n, col3, zeros_n)
    zs1, dis = _tc_stage_in(deg2.T, x, W1, b1r)
    agg1 = _sc_aggregate(n, W1.shape[1], zs1, row3, col3, zeros_blk)
    zs2 = _tc_stage_mid(agg1, zs1, dis, W2, b2r)
    agg2 = _sc_aggregate(n, W2.shape[1], zs2, row3, col3, zeros_blk)
    zs3 = _tc_stage_mid(agg2, zs2, dis, W3, b3r)
    agg3 = _sc_aggregate(n, W3.shape[1], zs3, row3, col3, zeros_blk)
    return _tc_stage_out(agg3, zs3, dis, Wo, bor)

# --- scband reference (transcript-rebuilt; emitter-appended) ---
"""Pipeline reference for scband-net-51908974739547 (READ-ONLY COPY).

The authoritative reference and input builder live on the scoring server;
editing this copy changes nothing except your own understanding.
"""

import jax, jax.numpy as jnp
import numpy as np

N = 10000
E = 320000
D_IN = 128
D_HID = 128
D_OUT = 128
D_FINAL = 64


def setup_inputs(seed: int = 0) -> dict:
    key = jax.random.key(seed)
    ks = jax.random.split(key, 12)
    x = jax.random.normal(ks[0], (N, D_IN), dtype=jnp.float32)
    edge_index = jax.random.randint(ks[1], (2, E), 0, N, dtype=jnp.int32)
    def lin(kw, kb, fan_in, fan_out):
        bound = 1.0 / np.sqrt(fan_in)
        W = jax.random.uniform(kw, (fan_in, fan_out), dtype=jnp.float32, minval=-bound, maxval=bound)
        b = jax.random.uniform(kb, (fan_out,), dtype=jnp.float32, minval=-bound, maxval=bound)
        return W, b
    W1, b1 = lin(ks[2], ks[3], D_IN, D_HID)
    W2, b2 = lin(ks[4], ks[5], D_HID, D_HID)
    W3, b3 = lin(ks[6], ks[7], D_HID, D_OUT)
    Wo, bo = lin(ks[8], ks[9], D_OUT, D_FINAL)
    return {"x": x, "edge_index": edge_index, "W1": W1, "b1": b1, "W2": W2, "b2": b2, "W3": W3, "b3": b3, "Wo": Wo, "bo": bo}


def reference(x, edge_index, W1, b1, W2, b2, W3, b3, Wo, bo):
    n = x.shape[0]
    loops = jnp.arange(n, dtype=edge_index.dtype)
    ei = jnp.concatenate([edge_index, jnp.stack([loops, loops])], axis=1)
    row, col = ei[0], ei[1]

    def gcn_conv(h, W, b):
        h = h @ W + b
        deg = jnp.zeros((n,), dtype=h.dtype).at[col].add(jnp.ones_like(col, dtype=h.dtype))
        deg_inv_sqrt = jnp.where(deg > 0, deg ** -0.5, 0.0)
        norm = deg_inv_sqrt[row] * deg_inv_sqrt[col]
        msg = norm[:, None] * h[row]
        return jax.ops.segment_sum(msg, col, num_segments=n)

    h = jax.nn.relu(gcn_conv(x, W1, b1))
    h = jax.nn.relu(gcn_conv(h, W2, b2))
    out = gcn_conv(h, W3, b3)
    return out @ Wo + bo

if __name__ == "__main__":
    import jax
    _d = setup_inputs()
    print(jax.jit(kernel)(*tuple(_d.values())))

</pallas_src>

<mosaic_0001>
#map = affine_map<(d0, d1) -> (0, 0)>
#map1 = affine_map<(d0, d1) -> (0, 0, 0)>
module attributes {stable_mosaic.version = 14 : i64} {
  func.func @body(%arg0: i32, %arg1: i32, %arg2: memref<10000x128xbf16, #tpu.memory_space<hbm>>, %arg3: memref<32x80x125xi32, #tpu.memory_space<hbm>>, %arg4: memref<32x80x125xi32, #tpu.memory_space<hbm>>, %arg5: memref<125x128xbf16, #tpu.memory_space<hbm>>, %arg6: memref<2x10000x128xbf16, #tpu.memory_space<hbm>>, %arg7: memref<80x125xi32, #tpu.memory_space<vmem>>, %arg8: memref<80x125xi32, #tpu.memory_space<vmem>>, %arg9: memref<125x128xbf16, #tpu.memory_space<vmem>>, %arg10: memref<125x128xbf16, #tpu.memory_space<vmem>>, %arg11: memref<125x128xbf16, #tpu.memory_space<vmem>>, %arg12: memref<125x128xbf16, #tpu.memory_space<vmem>>, %arg13: memref<10000x128xbf16, #tpu.memory_space<vmem_shared>>, %arg14: memref<!tpu.dma_semaphore, #tpu.memory_space<semaphore_mem>>, %arg15: memref<!tpu.dma_semaphore, #tpu.memory_space<semaphore_mem>>, %arg16: memref<!tpu.dma_semaphore, #tpu.memory_space<semaphore_mem>>, %arg17: memref<!tpu.dma_semaphore, #tpu.memory_space<semaphore_mem>>) attributes {dimension_semantics = [#tpu.dimension_semantics<core_parallel>, #tpu.dimension_semantics<subcore_parallel>], iteration_bounds = array<i64: 2, 16>, scalar_prefetch = 0 : i64, scratch_operands = 11 : i64, tpu.core_type = #tpu.core_type<sc_vector_subcore>, window_params = [{transform_indices = #map}, {transform_indices = #map1}, {transform_indices = #map1}, {transform_indices = #map}, {transform_indices = #map1}]} {
    %mul3A = arith.constant 2 : i32
    %mul3A_0 = arith.muli %arg1, %mul3A : i32
    %add3A = arith.addi %mul3A_0, %arg0 : i32
    tpu.enqueue_dma source(%arg5 : memref<125x128xbf16, #tpu.memory_space<hbm>>) target(%arg9 : memref<125x128xbf16, #tpu.memory_space<vmem>>) target_semaphore(%arg14 : memref<!tpu.dma_semaphore, #tpu.memory_space<semaphore_mem>>)
    tpu.wait_dma2 semaphore(%arg14 : memref<!tpu.dma_semaphore, #tpu.memory_space<semaphore_mem>>) src(%arg5 : memref<125x128xbf16, #tpu.memory_space<hbm>>) dst(%arg9 : memref<125x128xbf16, #tpu.memory_space<vmem>>)
    %mul3A_1 = arith.constant 625 : i32
    %mul3A_2 = arith.muli %arg1, %mul3A_1 : i32
    %add3A_3 = arith.constant 0 : i32
    %add3A_4 = arith.addi %mul3A_2, %add3A_3 : i32
    "tpu.region"() ({
      %run_scoped3A = tpu.sem_alloc : memref<!tpu.dma_semaphore, #tpu.memory_space<semaphore_mem>>
      %dma_start3A_84 = arith.constant 0 : i32
      %dma_start3A_85 = arith.constant 0 : i32
      %dma_start3A_86 = tpu.memref_slice %arg9[%dma_start3A_84, %dma_start3A_85] : memref<125x128xbf16, #tpu.memory_space<vmem>> -> memref<125x128xbf16, #tpu.memory_space<vmem>>
      %dma_start3A_87 = arith.constant 0 : i32
      %dma_start3A_88 = tpu.memref_slice %arg13[%add3A_4, %dma_start3A_87] : memref<10000x128xbf16, #tpu.memory_space<vmem_shared>> -> memref<125x128xbf16, #tpu.memory_space<vmem_shared>>
      %dma_start3A_89 = arith.constant 0 : i32
      %dma_start3A_90 = tpu.memref_slice %arg13[%add3A_4, %dma_start3A_89] : memref<10000x128xbf16, #tpu.memory_space<vmem_shared>> -> memref<125x128xbf16, #tpu.memory_space<vmem_shared>>
      %dma_start3A_91 = arith.constant 0 : i32
      %dma_start3A_92 = arith.constant 0 : i32
      %dma_start3A_93 = tpu.memref_slice %arg9[%dma_start3A_91, %dma_start3A_92] : memref<125x128xbf16, #tpu.memory_space<vmem>> -> memref<125x128xbf16, #tpu.memory_space<vmem>>
      tpu.enqueue_dma source(%dma_start3A_93 : memref<125x128xbf16, #tpu.memory_space<vmem>>) target(%dma_start3A_90 : memref<125x128xbf16, #tpu.memory_space<vmem_shared>>) target_semaphore(%run_scoped3A : memref<!tpu.dma_semaphore, #tpu.memory_space<semaphore_mem>>)
      %dma_wait3A_94 = arith.constant 0 : i32
      %dma_wait3A_95 = arith.constant 0 : i32
      %dma_wait3A_96 = tpu.memref_slice %arg9[%dma_wait3A_94, %dma_wait3A_95] : memref<125x128xbf16, #tpu.memory_space<vmem>> -> memref<125x128xbf16, #tpu.memory_space<vmem>>
      %dma_wait3A_97 = arith.constant 0 : i32
      %dma_wait3A_98 = tpu.memref_slice %arg13[%add3A_4, %dma_wait3A_97] : memref<10000x128xbf16, #tpu.memory_space<vmem_shared>> -> memref<125x128xbf16, #tpu.memory_space<vmem_shared>>
      %dma_wait3A_99 = arith.constant 0 : i32
      %dma_wait3A_100 = tpu.memref_slice %arg13[%add3A_4, %dma_wait3A_99] : memref<10000x128xbf16, #tpu.memory_space<vmem_shared>> -> memref<125x128xbf16, #tpu.memory_space<vmem_shared>>
      %dma_wait3A_101 = arith.constant 0 : i32
      %dma_wait3A_102 = arith.constant 0 : i32
      %dma_wait3A_103 = tpu.memref_slice %arg9[%dma_wait3A_101, %dma_wait3A_102] : memref<125x128xbf16, #tpu.memory_space<vmem>> -> memref<125x128xbf16, #tpu.memory_space<vmem>>
      tpu.wait_dma2 semaphore(%run_scoped3A : memref<!tpu.dma_semaphore, #tpu.memory_space<semaphore_mem>>) src(%dma_wait3A_103 : memref<125x128xbf16, #tpu.memory_space<vmem>>) dst(%dma_wait3A_100 : memref<125x128xbf16, #tpu.memory_space<vmem_shared>>)
      tpu.yield
    }) : () -> ()
    %mul3A_5 = arith.constant 625 : i32
    %mul3A_6 = arith.muli %arg1, %mul3A_5 : i32
    %add3A_7 = arith.constant 125 : i32
    %add3A_8 = arith.addi %mul3A_6, %add3A_7 : i32
    "tpu.region"() ({
      %run_scoped3A = tpu.sem_alloc : memref<!tpu.dma_semaphore, #tpu.memory_space<semaphore_mem>>
      %dma_start3A_84 = arith.constant 0 : i32
      %dma_start3A_85 = arith.constant 0 : i32
      %dma_start3A_86 = tpu.memref_slice %arg9[%dma_start3A_84, %dma_start3A_85] : memref<125x128xbf16, #tpu.memory_space<vmem>> -> memref<125x128xbf16, #tpu.memory_space<vmem>>
      %dma_start3A_87 = arith.constant 0 : i32
      %dma_start3A_88 = tpu.memref_slice %arg13[%add3A_8, %dma_start3A_87] : memref<10000x128xbf16, #tpu.memory_space<vmem_shared>> -> memref<125x128xbf16, #tpu.memory_space<vmem_shared>>
      %dma_start3A_89 = arith.constant 0 : i32
      %dma_start3A_90 = tpu.memref_slice %arg13[%add3A_8, %dma_start3A_89] : memref<10000x128xbf16, #tpu.memory_space<vmem_shared>> -> memref<125x128xbf16, #tpu.memory_space<vmem_shared>>
      %dma_start3A_91 = arith.constant 0 : i32
      %dma_start3A_92 = arith.constant 0 : i32
      %dma_start3A_93 = tpu.memref_slice %arg9[%dma_start3A_91, %dma_start3A_92] : memref<125x128xbf16, #tpu.memory_space<vmem>> -> memref<125x128xbf16, #tpu.memory_space<vmem>>
      tpu.enqueue_dma source(%dma_start3A_93 : memref<125x128xbf16, #tpu.memory_space<vmem>>) target(%dma_start3A_90 : memref<125x128xbf16, #tpu.memory_space<vmem_shared>>) target_semaphore(%run_scoped3A : memref<!tpu.dma_semaphore, #tpu.memory_space<semaphore_mem>>)
      %dma_wait3A_94 = arith.constant 0 : i32
      %dma_wait3A_95 = arith.constant 0 : i32
      %dma_wait3A_96 = tpu.memref_slice %arg9[%dma_wait3A_94, %dma_wait3A_95] : memref<125x128xbf16, #tpu.memory_space<vmem>> -> memref<125x128xbf16, #tpu.memory_space<vmem>>
      %dma_wait3A_97 = arith.constant 0 : i32
      %dma_wait3A_98 = tpu.memref_slice %arg13[%add3A_8, %dma_wait3A_97] : memref<10000x128xbf16, #tpu.memory_space<vmem_shared>> -> memref<125x128xbf16, #tpu.memory_space<vmem_shared>>
      %dma_wait3A_99 = arith.constant 0 : i32
      %dma_wait3A_100 = tpu.memref_slice %arg13[%add3A_8, %dma_wait3A_99] : memref<10000x128xbf16, #tpu.memory_space<vmem_shared>> -> memref<125x128xbf16, #tpu.memory_space<vmem_shared>>
      %dma_wait3A_101 = arith.constant 0 : i32
      %dma_wait3A_102 = arith.constant 0 : i32
      %dma_wait3A_103 = tpu.memref_slice %arg9[%dma_wait3A_101, %dma_wait3A_102] : memref<125x128xbf16, #tpu.memory_space<vmem>> -> memref<125x128xbf16, #tpu.memory_space<vmem>>
      tpu.wait_dma2 semaphore(%run_scoped3A : memref<!tpu.dma_semaphore, #tpu.memory_space<semaphore_mem>>) src(%dma_wait3A_103 : memref<125x128xbf16, #tpu.memory_space<vmem>>) dst(%dma_wait3A_100 : memref<125x128xbf16, #tpu.memory_space<vmem_shared>>)
      tpu.yield
    }) : () -> ()
    %mul3A_9 = arith.constant 625 : i32
    %mul3A_10 = arith.muli %arg1, %mul3A_9 : i32
    %add3A_11 = arith.constant 250 : i32
    %add3A_12 = arith.addi %mul3A_10, %add3A_11 : i32
    "tpu.region"() ({
      %run_scoped3A = tpu.sem_alloc : memref<!tpu.dma_semaphore, #tpu.memory_space<semaphore_mem>>
      %dma_start3A_84 = arith.constant 0 : i32
      %dma_start3A_85 = arith.constant 0 : i32
      %dma_start3A_86 = tpu.memref_slice %arg9[%dma_start3A_84, %dma_start3A_85] : memref<125x128xbf16, #tpu.memory_space<vmem>> -> memref<125x128xbf16, #tpu.memory_space<vmem>>
      %dma_start3A_87 = arith.constant 0 : i32
      %dma_start3A_88 = tpu.memref_slice %arg13[%add3A_12, %dma_start3A_87] : memref<10000x128xbf16, #tpu.memory_space<vmem_shared>> -> memref<125x128xbf16, #tpu.memory_space<vmem_shared>>
      %dma_start3A_89 = arith.constant 0 : i32
      %dma_start3A_90 = tpu.memref_slice %arg13[%add3A_12, %dma_start3A_89] : memref<10000x128xbf16, #tpu.memory_space<vmem_shared>> -> memref<125x128xbf16, #tpu.memory_space<vmem_shared>>
      %dma_start3A_91 = arith.constant 0 : i32
      %dma_start3A_92 = arith.constant 0 : i32
      %dma_start3A_93 = tpu.memref_slice %arg9[%dma_start3A_91, %dma_start3A_92] : memref<125x128xbf16, #tpu.memory_space<vmem>> -> memref<125x128xbf16, #tpu.memory_space<vmem>>
      tpu.enqueue_dma source(%dma_start3A_93 : memref<125x128xbf16, #tpu.memory_space<vmem>>) target(%dma_start3A_90 : memref<125x128xbf16, #tpu.memory_space<vmem_shared>>) target_semaphore(%run_scoped3A : memref<!tpu.dma_semaphore, #tpu.memory_space<semaphore_mem>>)
      %dma_wait3A_94 = arith.constant 0 : i32
      %dma_wait3A_95 = arith.constant 0 : i32
      %dma_wait3A_96 = tpu.memref_slice %arg9[%dma_wait3A_94, %dma_wait3A_95] : memref<125x128xbf16, #tpu.memory_space<vmem>> -> memref<125x128xbf16, #tpu.memory_space<vmem>>
      %dma_wait3A_97 = arith.constant 0 : i32
      %dma_wait3A_98 = tpu.memref_slice %arg13[%add3A_12, %dma_wait3A_97] : memref<10000x128xbf16, #tpu.memory_space<vmem_shared>> -> memref<125x128xbf16, #tpu.memory_space<vmem_shared>>
      %dma_wait3A_99 = arith.constant 0 : i32
      %dma_wait3A_100 = tpu.memref_slice %arg13[%add3A_12, %dma_wait3A_99] : memref<10000x128xbf16, #tpu.memory_space<vmem_shared>> -> memref<125x128xbf16, #tpu.memory_space<vmem_shared>>
      %dma_wait3A_101 = arith.constant 0 : i32
      %dma_wait3A_102 = arith.constant 0 : i32
      %dma_wait3A_103 = tpu.memref_slice %arg9[%dma_wait3A_101, %dma_wait3A_102] : memref<125x128xbf16, #tpu.memory_space<vmem>> -> memref<125x128xbf16, #tpu.memory_space<vmem>>
      tpu.wait_dma2 semaphore(%run_scoped3A : memref<!tpu.dma_semaphore, #tpu.memory_space<semaphore_mem>>) src(%dma_wait3A_103 : memref<125x128xbf16, #tpu.memory_space<vmem>>) dst(%dma_wait3A_100 : memref<125x128xbf16, #tpu.memory_space<vmem_shared>>)
      tpu.yield
    }) : () -> ()
    %mul3A_13 = arith.constant 625 : i32
    %mul3A_14 = arith.muli %arg1, %mul3A_13 : i32
    %add3A_15 = arith.constant 375 : i32
    %add3A_16 = arith.addi %mul3A_14, %add3A_15 : i32
    "tpu.region"() ({
      %run_scoped3A = tpu.sem_alloc : memref<!tpu.dma_semaphore, #tpu.memory_space<semaphore_mem>>
      %dma_start3A_84 = arith.constant 0 : i32
      %dma_start3A_85 = arith.constant 0 : i32
      %dma_start3A_86 = tpu.memref_slice %arg9[%dma_start3A_84, %dma_start3A_85] : memref<125x128xbf16, #tpu.memory_space<vmem>> -> memref<125x128xbf16, #tpu.memory_space<vmem>>
      %dma_start3A_87 = arith.constant 0 : i32
      %dma_start3A_88 = tpu.memref_slice %arg13[%add3A_16, %dma_start3A_87] : memref<10000x128xbf16, #tpu.memory_space<vmem_shared>> -> memref<125x128xbf16, #tpu.memory_space<vmem_shared>>
      %dma_start3A_89 = arith.constant 0 : i32
      %dma_start3A_90 = tpu.memref_slice %arg13[%add3A_16, %dma_start3A_89] : memref<10000x128xbf16, #tpu.memory_space<vmem_shared>> -> memref<125x128xbf16, #tpu.memory_space<vmem_shared>>
      %dma_start3A_91 = arith.constant 0 : i32
      %dma_start3A_92 = arith.constant 0 : i32
      %dma_start3A_93 = tpu.memref_slice %arg9[%dma_start3A_91, %dma_start3A_92] : memref<125x128xbf16, #tpu.memory_space<vmem>> -> memref<125x128xbf16, #tpu.memory_space<vmem>>
      tpu.enqueue_dma source(%dma_start3A_93 : memref<125x128xbf16, #tpu.memory_space<vmem>>) target(%dma_start3A_90 : memref<125x128xbf16, #tpu.memory_space<vmem_shared>>) target_semaphore(%run_scoped3A : memref<!tpu.dma_semaphore, #tpu.memory_space<semaphore_mem>>)
      %dma_wait3A_94 = arith.constant 0 : i32
      %dma_wait3A_95 = arith.constant 0 : i32
      %dma_wait3A_96 = tpu.memref_slice %arg9[%dma_wait3A_94, %dma_wait3A_95] : memref<125x128xbf16, #tpu.memory_space<vmem>> -> memref<125x128xbf16, #tpu.memory_space<vmem>>
      %dma_wait3A_97 = arith.constant 0 : i32
      %dma_wait3A_98 = tpu.memref_slice %arg13[%add3A_16, %dma_wait3A_97] : memref<10000x128xbf16, #tpu.memory_space<vmem_shared>> -> memref<125x128xbf16, #tpu.memory_space<vmem_shared>>
      %dma_wait3A_99 = arith.constant 0 : i32
      %dma_wait3A_100 = tpu.memref_slice %arg13[%add3A_16, %dma_wait3A_99] : memref<10000x128xbf16, #tpu.memory_space<vmem_shared>> -> memref<125x128xbf16, #tpu.memory_space<vmem_shared>>
      %dma_wait3A_101 = arith.constant 0 : i32
      %dma_wait3A_102 = arith.constant 0 : i32
      %dma_wait3A_103 = tpu.memref_slice %arg9[%dma_wait3A_101, %dma_wait3A_102] : memref<125x128xbf16, #tpu.memory_space<vmem>> -> memref<125x128xbf16, #tpu.memory_space<vmem>>
      tpu.wait_dma2 semaphore(%run_scoped3A : memref<!tpu.dma_semaphore, #tpu.memory_space<semaphore_mem>>) src(%dma_wait3A_103 : memref<125x128xbf16, #tpu.memory_space<vmem>>) dst(%dma_wait3A_100 : memref<125x128xbf16, #tpu.memory_space<vmem_shared>>)
      tpu.yield
    }) : () -> ()
    %mul3A_17 = arith.constant 625 : i32
    %mul3A_18 = arith.muli %arg1, %mul3A_17 : i32
    %add3A_19 = arith.constant 500 : i32
    %add3A_20 = arith.addi %mul3A_18, %add3A_19 : i32
    "tpu.region"() ({
      %run_scoped3A = tpu.sem_alloc : memref<!tpu.dma_semaphore, #tpu.memory_space<semaphore_mem>>
      %dma_start3A_84 = arith.constant 0 : i32
      %dma_start3A_85 = arith.constant 0 : i32
      %dma_start3A_86 = tpu.memref_slice %arg9[%dma_start3A_84, %dma_start3A_85] : memref<125x128xbf16, #tpu.memory_space<vmem>> -> memref<125x128xbf16, #tpu.memory_space<vmem>>
      %dma_start3A_87 = arith.constant 0 : i32
      %dma_start3A_88 = tpu.memref_slice %arg13[%add3A_20, %dma_start3A_87] : memref<10000x128xbf16, #tpu.memory_space<vmem_shared>> -> memref<125x128xbf16, #tpu.memory_space<vmem_shared>>
      %dma_start3A_89 = arith.constant 0 : i32
      %dma_start3A_90 = tpu.memref_slice %arg13[%add3A_20, %dma_start3A_89] : memref<10000x128xbf16, #tpu.memory_space<vmem_shared>> -> memref<125x128xbf16, #tpu.memory_space<vmem_shared>>
      %dma_start3A_91 = arith.constant 0 : i32
      %dma_start3A_92 = arith.constant 0 : i32
      %dma_start3A_93 = tpu.memref_slice %arg9[%dma_start3A_91, %dma_start3A_92] : memref<125x128xbf16, #tpu.memory_space<vmem>> -> memref<125x128xbf16, #tpu.memory_space<vmem>>
      tpu.enqueue_dma source(%dma_start3A_93 : memref<125x128xbf16, #tpu.memory_space<vmem>>) target(%dma_start3A_90 : memref<125x128xbf16, #tpu.memory_space<vmem_shared>>) target_semaphore(%run_scoped3A : memref<!tpu.dma_semaphore, #tpu.memory_space<semaphore_mem>>)
      %dma_wait3A_94 = arith.constant 0 : i32
      %dma_wait3A_95 = arith.constant 0 : i32
      %dma_wait3A_96 = tpu.memref_slice %arg9[%dma_wait3A_94, %dma_wait3A_95] : memref<125x128xbf16, #tpu.memory_space<vmem>> -> memref<125x128xbf16, #tpu.memory_space<vmem>>
      %dma_wait3A_97 = arith.constant 0 : i32
      %dma_wait3A_98 = tpu.memref_slice %arg13[%add3A_20, %dma_wait3A_97] : memref<10000x128xbf16, #tpu.memory_space<vmem_shared>> -> memref<125x128xbf16, #tpu.memory_space<vmem_shared>>
      %dma_wait3A_99 = arith.constant 0 : i32
      %dma_wait3A_100 = tpu.memref_slice %arg13[%add3A_20, %dma_wait3A_99] : memref<10000x128xbf16, #tpu.memory_space<vmem_shared>> -> memref<125x128xbf16, #tpu.memory_space<vmem_shared>>
      %dma_wait3A_101 = arith.constant 0 : i32
      %dma_wait3A_102 = arith.constant 0 : i32
      %dma_wait3A_103 = tpu.memref_slice %arg9[%dma_wait3A_101, %dma_wait3A_102] : memref<125x128xbf16, #tpu.memory_space<vmem>> -> memref<125x128xbf16, #tpu.memory_space<vmem>>
      tpu.wait_dma2 semaphore(%run_scoped3A : memref<!tpu.dma_semaphore, #tpu.memory_space<semaphore_mem>>) src(%dma_wait3A_103 : memref<125x128xbf16, #tpu.memory_space<vmem>>) dst(%dma_wait3A_100 : memref<125x128xbf16, #tpu.memory_space<vmem_shared>>)
      tpu.yield
    }) : () -> ()
    %dma_start3A = arith.constant 0 : i32
    %dma_start3A_21 = arith.constant 0 : i32
    %dma_start3A_22 = tpu.memref_slice %arg3[%add3A, %dma_start3A, %dma_start3A_21] : memref<32x80x125xi32, #tpu.memory_space<hbm>> -> memref<1x80x125xi32, #tpu.memory_space<hbm>>
    %dma_start3A_23 = tpu.memref_squeeze %dma_start3A_22 : memref<1x80x125xi32, #tpu.memory_space<hbm>> -> memref<80x125xi32, #tpu.memory_space<hbm>>
    %dma_start3A_24 = arith.constant 0 : i32
    %dma_start3A_25 = arith.constant 0 : i32
    %dma_start3A_26 = tpu.memref_slice %arg3[%add3A, %dma_start3A_24, %dma_start3A_25] : memref<32x80x125xi32, #tpu.memory_space<hbm>> -> memref<1x80x125xi32, #tpu.memory_space<hbm>>
    %dma_start3A_27 = tpu.memref_squeeze %dma_start3A_26 : memref<1x80x125xi32, #tpu.memory_space<hbm>> -> memref<80x125xi32, #tpu.memory_space<hbm>>
    tpu.enqueue_dma source(%dma_start3A_27 : memref<80x125xi32, #tpu.memory_space<hbm>>) target(%arg7 : memref<80x125xi32, #tpu.memory_space<vmem>>) target_semaphore(%arg15 : memref<!tpu.dma_semaphore, #tpu.memory_space<semaphore_mem>>)
    %dma_wait3A = arith.constant 0 : i32
    %dma_wait3A_28 = arith.constant 0 : i32
    %dma_wait3A_29 = tpu.memref_slice %arg3[%add3A, %dma_wait3A, %dma_wait3A_28] : memref<32x80x125xi32, #tpu.memory_space<hbm>> -> memref<1x80x125xi32, #tpu.memory_space<hbm>>
    %dma_wait3A_30 = tpu.memref_squeeze %dma_wait3A_29 : memref<1x80x125xi32, #tpu.memory_space<hbm>> -> memref<80x125xi32, #tpu.memory_space<hbm>>
    %dma_wait3A_31 = arith.constant 0 : i32
    %dma_wait3A_32 = arith.constant 0 : i32
    %dma_wait3A_33 = tpu.memref_slice %arg3[%add3A, %dma_wait3A_31, %dma_wait3A_32] : memref<32x80x125xi32, #tpu.memory_space<hbm>> -> memref<1x80x125xi32, #tpu.memory_space<hbm>>
    %dma_wait3A_34 = tpu.memref_squeeze %dma_wait3A_33 : memref<1x80x125xi32, #tpu.memory_space<hbm>> -> memref<80x125xi32, #tpu.memory_space<hbm>>
    tpu.wait_dma2 semaphore(%arg15 : memref<!tpu.dma_semaphore, #tpu.memory_space<semaphore_mem>>) src(%dma_wait3A_34 : memref<80x125xi32, #tpu.memory_space<hbm>>) dst(%arg7 : memref<80x125xi32, #tpu.memory_space<vmem>>)
    %dma_start3A_35 = arith.constant 0 : i32
    %dma_start3A_36 = arith.constant 0 : i32
    %dma_start3A_37 = tpu.memref_slice %arg4[%add3A, %dma_start3A_35, %dma_start3A_36] : memref<32x80x125xi32, #tpu.memory_space<hbm>> -> memref<1x80x125xi32, #tpu.memory_space<hbm>>
    %dma_start3A_38 = tpu.memref_squeeze %dma_start3A_37 : memref<1x80x125xi32, #tpu.memory_space<hbm>> -> memref<80x125xi32, #tpu.memory_space<hbm>>
    %dma_start3A_39 = arith.constant 0 : i32
    %dma_start3A_40 = arith.constant 0 : i32
    %dma_start3A_41 = tpu.memref_slice %arg4[%add3A, %dma_start3A_39, %dma_start3A_40] : memref<32x80x125xi32, #tpu.memory_space<hbm>> -> memref<1x80x125xi32, #tpu.memory_space<hbm>>
    %dma_start3A_42 = tpu.memref_squeeze %dma_start3A_41 : memref<1x80x125xi32, #tpu.memory_space<hbm>> -> memref<80x125xi32, #tpu.memory_space<hbm>>
    tpu.enqueue_dma source(%dma_start3A_42 : memref<80x125xi32, #tpu.memory_space<hbm>>) target(%arg8 : memref<80x125xi32, #tpu.memory_space<vmem>>) target_semaphore(%arg15 : memref<!tpu.dma_semaphore, #tpu.memory_space<semaphore_mem>>)
    %dma_wait3A_43 = arith.constant 0 : i32
    %dma_wait3A_44 = arith.constant 0 : i32
    %dma_wait3A_45 = tpu.memref_slice %arg4[%add3A, %dma_wait3A_43, %dma_wait3A_44] : memref<32x80x125xi32, #tpu.memory_space<hbm>> -> memref<1x80x125xi32, #tpu.memory_space<hbm>>
    %dma_wait3A_46 = tpu.memref_squeeze %dma_wait3A_45 : memref<1x80x125xi32, #tpu.memory_space<hbm>> -> memref<80x125xi32, #tpu.memory_space<hbm>>
    %dma_wait3A_47 = arith.constant 0 : i32
    %dma_wait3A_48 = arith.constant 0 : i32
    %dma_wait3A_49 = tpu.memref_slice %arg4[%add3A, %dma_wait3A_47, %dma_wait3A_48] : memref<32x80x125xi32, #tpu.memory_space<hbm>> -> memref<1x80x125xi32, #tpu.memory_space<hbm>>
    %dma_wait3A_50 = tpu.memref_squeeze %dma_wait3A_49 : memref<1x80x125xi32, #tpu.memory_space<hbm>> -> memref<80x125xi32, #tpu.memory_space<hbm>>
    tpu.wait_dma2 semaphore(%arg15 : memref<!tpu.dma_semaphore, #tpu.memory_space<semaphore_mem>>) src(%dma_wait3A_50 : memref<80x125xi32, #tpu.memory_space<hbm>>) dst(%arg8 : memref<80x125xi32, #tpu.memory_space<vmem>>)
    %barrier3A = arith.constant 0 : index
    tpu.barrier barrier_id(%barrier3A)
    %dma_start3A_51 = arith.constant 0 : i32
    %dma_start3A_52 = arith.constant 0 : i32
    %dma_start3A_53 = tpu.memref_slice %arg7[%dma_start3A_51, %dma_start3A_52] : memref<80x125xi32, #tpu.memory_space<vmem>> -> memref<1x125xi32, #tpu.memory_space<vmem>>
    %dma_start3A_54 = tpu.memref_squeeze %dma_start3A_53 : memref<1x125xi32, #tpu.memory_space<vmem>> -> memref<125xi32, #tpu.memory_space<vmem>>
    %dma_start3A_55 = arith.constant 0 : i32
    %dma_start3A_56 = arith.constant 0 : i32
    %dma_start3A_57 = tpu.memref_slice %arg2[%dma_start3A_55, %dma_start3A_56] : memref<10000x128xbf16, #tpu.memory_space<hbm>> -> memref<10000x128xbf16, #tpu.memory_space<hbm>>
    tpu.enqueue_indirect_dma source(%dma_start3A_57 : memref<10000x128xbf16, #tpu.memory_space<hbm>>) target(%arg9 : memref<125x128xbf16, #tpu.memory_space<vmem>>) offsets(%dma_start3A_54 : memref<125xi32, #tpu.memory_space<vmem>>) semaphore(%arg14 : memref<!tpu.dma_semaphore, #tpu.memory_space<semaphore_mem>>)
    %dma_start3A_58 = arith.constant 1 : i32
    %dma_start3A_59 = arith.constant 0 : i32
    %dma_start3A_60 = tpu.memref_slice %arg7[%dma_start3A_58, %dma_start3A_59] : memref<80x125xi32, #tpu.memory_space<vmem>> -> memref<1x125xi32, #tpu.memory_space<vmem>>
    %dma_start3A_61 = tpu.memref_squeeze %dma_start3A_60 : memref<1x125xi32, #tpu.memory_space<vmem>> -> memref<125xi32, #tpu.memory_space<vmem>>
    %dma_start3A_62 = arith.constant 0 : i32
    %dma_start3A_63 = arith.constant 0 : i32
    %dma_start3A_64 = tpu.memref_slice %arg2[%dma_start3A_62, %dma_start3A_63] : memref<10000x128xbf16, #tpu.memory_space<hbm>> -> memref<10000x128xbf16, #tpu.memory_space<hbm>>
    tpu.enqueue_indirect_dma source(%dma_start3A_64 : memref<10000x128xbf16, #tpu.memory_space<hbm>>) target(%arg10 : memref<125x128xbf16, #tpu.memory_space<vmem>>) offsets(%dma_start3A_61 : memref<125xi32, #tpu.memory_space<vmem>>) semaphore(%arg15 : memref<!tpu.dma_semaphore, #tpu.memory_space<semaphore_mem>>)
    %dma_start3A_65 = arith.constant 2 : i32
    %dma_start3A_66 = arith.constant 0 : i32
    %dma_start3A_67 = tpu.memref_slice %arg7[%dma_start3A_65, %dma_start3A_66] : memref<80x125xi32, #tpu.memory_space<vmem>> -> memref<1x125xi32, #tpu.memory_space<vmem>>
    %dma_start3A_68 = tpu.memref_squeeze %dma_start3A_67 : memref<1x125xi32, #tpu.memory_space<vmem>> -> memref<125xi32, #tpu.memory_space<vmem>>
    %dma_start3A_69 = arith.constant 0 : i32
    %dma_start3A_70 = arith.constant 0 : i32
    %dma_start3A_71 = tpu.memref_slice %arg2[%dma_start3A_69, %dma_start3A_70] : memref<10000x128xbf16, #tpu.memory_space<hbm>> -> memref<10000x128xbf16, #tpu.memory_space<hbm>>
    tpu.enqueue_indirect_dma source(%dma_start3A_71 : memref<10000x128xbf16, #tpu.memory_space<hbm>>) target(%arg11 : memref<125x128xbf16, #tpu.memory_space<vmem>>) offsets(%dma_start3A_68 : memref<125xi32, #tpu.memory_space<vmem>>) semaphore(%arg16 : memref<!tpu.dma_semaphore, #tpu.memory_space<semaphore_mem>>)
    %scan3A = arith.constant 0 : i32
    %scan3A_72 = arith.constant 0 : i32
    %scan3A_73 = arith.constant 20 : i32
    %scan3A_74 = arith.addi %scan3A_72, %scan3A_73 : i32
    %scan3A_75 = arith.constant 1 : i32
    scf.for %scan3A_84 = %scan3A_72 to %scan3A_74 step %scan3A_75  : i32 {
      %mul3A_85 = arith.constant 4 : i32
      %mul3A_86 = arith.muli %mul3A_85, %scan3A_84 : i32
      %add3A_87 = arith.constant 0 : i32
      %add3A_88 = arith.addi %mul3A_86, %add3A_87 : i32
      %dma_wait3A_89 = arith.constant 0 : i32
      %dma_wait3A_90 = tpu.memref_slice %arg7[%add3A_88, %dma_wait3A_89] : memref<80x125xi32, #tpu.memory_space<vmem>> -> memref<1x125xi32, #tpu.memory_space<vmem>>
      %dma_wait3A_91 = tpu.memref_squeeze %dma_wait3A_90 : memref<1x125xi32, #tpu.memory_space<vmem>> -> memref<125xi32, #tpu.memory_space<vmem>>
      %dma_wait3A_92 = arith.constant 0 : i32
      %dma_wait3A_93 = arith.constant 0 : i32
      %dma_wait3A_94 = tpu.memref_slice %arg2[%dma_wait3A_92, %dma_wait3A_93] : memref<10000x128xbf16, #tpu.memory_space<hbm>> -> memref<10000x128xbf16, #tpu.memory_space<hbm>>
      tpu.wait_indirect_dma semaphore(%arg14 : memref<!tpu.dma_semaphore, #tpu.memory_space<semaphore_mem>>) src(%dma_wait3A_94 : memref<10000x128xbf16, #tpu.memory_space<hbm>>) dst(%arg9 : memref<125x128xbf16, #tpu.memory_space<vmem>>)
      %add3A_95 = arith.constant 0 : i32
      %add3A_96 = arith.addi %mul3A_86, %add3A_95 : i32
      "tpu.region"() ({
        %run_scoped3A = tpu.sem_alloc : memref<!tpu.dma_semaphore, #tpu.memory_space<semaphore_mem>>
        %dma_start3A_163 = arith.constant 0 : i32
        %dma_start3A_164 = tpu.memref_slice %arg8[%add3A_96, %dma_start3A_163] : memref<80x125xi32, #tpu.memory_space<vmem>> -> memref<1x125xi32, #tpu.memory_space<vmem>>
        %dma_start3A_165 = tpu.memref_squeeze %dma_start3A_164 : memref<1x125xi32, #tpu.memory_space<vmem>> -> memref<125xi32, #tpu.memory_space<vmem>>
        %dma_start3A_166 = arith.constant 0 : i32
        %dma_start3A_167 = arith.constant 0 : i32
        %dma_start3A_168 = tpu.memref_slice %arg13[%dma_start3A_166, %dma_start3A_167] : memref<10000x128xbf16, #tpu.memory_space<vmem_shared>> -> memref<10000x128xbf16, #tpu.memory_space<vmem_shared>>
        tpu.enqueue_indirect_dma source(%arg9 : memref<125x128xbf16, #tpu.memory_space<vmem>>) target(%dma_start3A_168 : memref<10000x128xbf16, #tpu.memory_space<vmem_shared>>) offsets(%dma_start3A_165 : memref<125xi32, #tpu.memory_space<vmem>>) semaphore(%run_scoped3A : memref<!tpu.dma_semaphore, #tpu.memory_space<semaphore_mem>>) {add = true}
        %dma_wait3A_169 = arith.constant 0 : i32
        %dma_wait3A_170 = tpu.memref_slice %arg8[%add3A_96, %dma_wait3A_169] : memref<80x125xi32, #tpu.memory_space<vmem>> -> memref<1x125xi32, #tpu.memory_space<vmem>>
        %dma_wait3A_171 = tpu.memref_squeeze %dma_wait3A_170 : memref<1x125xi32, #tpu.memory_space<vmem>> -> memref<125xi32, #tpu.memory_space<vmem>>
        %dma_wait3A_172 = arith.constant 0 : i32
        %dma_wait3A_173 = arith.constant 0 : i32
        %dma_wait3A_174 = tpu.memref_slice %arg13[%dma_wait3A_172, %dma_wait3A_173] : memref<10000x128xbf16, #tpu.memory_space<vmem_shared>> -> memref<10000x128xbf16, #tpu.memory_space<vmem_shared>>
        tpu.wait_indirect_dma semaphore(%run_scoped3A : memref<!tpu.dma_semaphore, #tpu.memory_space<semaphore_mem>>) src(%arg9 : memref<125x128xbf16, #tpu.memory_space<vmem>>) dst(%dma_wait3A_174 : memref<10000x128xbf16, #tpu.memory_space<vmem_shared>>)
        tpu.yield
      }) : () -> ()
      %add3A_97 = arith.constant 0 : i32
      %add3A_98 = arith.addi %mul3A_86, %add3A_97 : i32
      %add3A_99 = arith.constant 3 : i32
      %add3A_100 = arith.addi %add3A_98, %add3A_99 : i32
      %lt3A_101 = arith.constant 80 : i32
      %lt3A_102 = arith.cmpi slt, %add3A_100, %lt3A_101 : i32
      %convert_element_type3A_103 = arith.extui %lt3A_102 : i1 to i32
      %cond3A_104 = arith.constant 0 : i32
      %cond3A_105 = arith.cmpi ne, %convert_element_type3A_103, %cond3A_104 : i32
      scf.if %cond3A_105 {
        %dma_start3A_163 = arith.constant 0 : i32
        %dma_start3A_164 = tpu.memref_slice %arg7[%add3A_100, %dma_start3A_163] : memref<80x125xi32, #tpu.memory_space<vmem>> -> memref<1x125xi32, #tpu.memory_space<vmem>>
        %dma_start3A_165 = tpu.memref_squeeze %dma_start3A_164 : memref<1x125xi32, #tpu.memory_space<vmem>> -> memref<125xi32, #tpu.memory_space<vmem>>
        %dma_start3A_166 = arith.constant 0 : i32
        %dma_start3A_167 = arith.constant 0 : i32
        %dma_start3A_168 = tpu.memref_slice %arg2[%dma_start3A_166, %dma_start3A_167] : memref<10000x128xbf16, #tpu.memory_space<hbm>> -> memref<10000x128xbf16, #tpu.memory_space<hbm>>
        tpu.enqueue_indirect_dma source(%dma_start3A_168 : memref<10000x128xbf16, #tpu.memory_space<hbm>>) target(%arg12 : memref<125x128xbf16, #tpu.memory_space<vmem>>) offsets(%dma_start3A_165 : memref<125xi32, #tpu.memory_space<vmem>>) semaphore(%arg17 : memref<!tpu.dma_semaphore, #tpu.memory_space<semaphore_mem>>)
      } else {
      }
      %add3A_106 = arith.constant 1 : i32
      %add3A_107 = arith.addi %mul3A_86, %add3A_106 : i32
      %dma_wait3A_108 = arith.constant 0 : i32
      %dma_wait3A_109 = tpu.memref_slice %arg7[%add3A_107, %dma_wait3A_108] : memref<80x125xi32, #tpu.memory_space<vmem>> -> memref<1x125xi32, #tpu.memory_space<vmem>>
      %dma_wait3A_110 = tpu.memref_squeeze %dma_wait3A_109 : memref<1x125xi32, #tpu.memory_space<vmem>> -> memref<125xi32, #tpu.memory_space<vmem>>
      %dma_wait3A_111 = arith.constant 0 : i32
      %dma_wait3A_112 = arith.constant 0 : i32
      %dma_wait3A_113 = tpu.memref_slice %arg2[%dma_wait3A_111, %dma_wait3A_112] : memref<10000x128xbf16, #tpu.memory_space<hbm>> -> memref<10000x128xbf16, #tpu.memory_space<hbm>>
      tpu.wait_indirect_dma semaphore(%arg15 : memref<!tpu.dma_semaphore, #tpu.memory_space<semaphore_mem>>) src(%dma_wait3A_113 : memref<10000x128xbf16, #tpu.memory_space<hbm>>) dst(%arg10 : memref<125x128xbf16, #tpu.memory_space<vmem>>)
      %add3A_114 = arith.constant 1 : i32
      %add3A_115 = arith.addi %mul3A_86, %add3A_114 : i32
      "tpu.region"() ({
        %run_scoped3A = tpu.sem_alloc : memref<!tpu.dma_semaphore, #tpu.memory_space<semaphore_mem>>
        %dma_start3A_163 = arith.constant 0 : i32
        %dma_start3A_164 = tpu.memref_slice %arg8[%add3A_115, %dma_start3A_163] : memref<80x125xi32, #tpu.memory_space<vmem>> -> memref<1x125xi32, #tpu.memory_space<vmem>>
        %dma_start3A_165 = tpu.memref_squeeze %dma_start3A_164 : memref<1x125xi32, #tpu.memory_space<vmem>> -> memref<125xi32, #tpu.memory_space<vmem>>
        %dma_start3A_166 = arith.constant 0 : i32
        %dma_start3A_167 = arith.constant 0 : i32
        %dma_start3A_168 = tpu.memref_slice %arg13[%dma_start3A_166, %dma_start3A_167] : memref<10000x128xbf16, #tpu.memory_space<vmem_shared>> -> memref<10000x128xbf16, #tpu.memory_space<vmem_shared>>
        tpu.enqueue_indirect_dma source(%arg10 : memref<125x128xbf16, #tpu.memory_space<vmem>>) target(%dma_start3A_168 : memref<10000x128xbf16, #tpu.memory_space<vmem_shared>>) offsets(%dma_start3A_165 : memref<125xi32, #tpu.memory_space<vmem>>) semaphore(%run_scoped3A : memref<!tpu.dma_semaphore, #tpu.memory_space<semaphore_mem>>) {add = true}
        %dma_wait3A_169 = arith.constant 0 : i32
        %dma_wait3A_170 = tpu.memref_slice %arg8[%add3A_115, %dma_wait3A_169] : memref<80x125xi32, #tpu.memory_space<vmem>> -> memref<1x125xi32, #tpu.memory_space<vmem>>
        %dma_wait3A_171 = tpu.memref_squeeze %dma_wait3A_170 : memref<1x125xi32, #tpu.memory_space<vmem>> -> memref<125xi32, #tpu.memory_space<vmem>>
        %dma_wait3A_172 = arith.constant 0 : i32
        %dma_wait3A_173 = arith.constant 0 : i32
        %dma_wait3A_174 = tpu.memref_slice %arg13[%dma_wait3A_172, %dma_wait3A_173] : memref<10000x128xbf16, #tpu.memory_space<vmem_shared>> -> memref<10000x128xbf16, #tpu.memory_space<vmem_shared>>
        tpu.wait_indirect_dma semaphore(%run_scoped3A : memref<!tpu.dma_semaphore, #tpu.memory_space<semaphore_mem>>) src(%arg10 : memref<125x128xbf16, #tpu.memory_space<vmem>>) dst(%dma_wait3A_174 : memref<10000x128xbf16, #tpu.memory_space<vmem_shared>>)
        tpu.yield
      }) : () -> ()
      %add3A_116 = arith.constant 1 : i32
      %add3A_117 = arith.addi %mul3A_86, %add3A_116 : i32
      %add3A_118 = arith.constant 3 : i32
      %add3A_119 = arith.addi %add3A_117, %add3A_118 : i32
      %lt3A_120 = arith.constant 80 : i32
      %lt3A_121 = arith.cmpi slt, %add3A_119, %lt3A_120 : i32
      %convert_element_type3A_122 = arith.extui %lt3A_121 : i1 to i32
      %cond3A_123 = arith.constant 0 : i32
      %cond3A_124 = arith.cmpi ne, %convert_element_type3A_122, %cond3A_123 : i32
      scf.if %cond3A_124 {
        %dma_start3A_163 = arith.constant 0 : i32
        %dma_start3A_164 = tpu.memref_slice %arg7[%add3A_119, %dma_start3A_163] : memref<80x125xi32, #tpu.memory_space<vmem>> -> memref<1x125xi32, #tpu.memory_space<vmem>>
        %dma_start3A_165 = tpu.memref_squeeze %dma_start3A_164 : memref<1x125xi32, #tpu.memory_space<vmem>> -> memref<125xi32, #tpu.memory_space<vmem>>
        %dma_start3A_166 = arith.constant 0 : i32
        %dma_start3A_167 = arith.constant 0 : i32
        %dma_start3A_168 = tpu.memref_slice %arg2[%dma_start3A_166, %dma_start3A_167] : memref<10000x128xbf16, #tpu.memory_space<hbm>> -> memref<10000x128xbf16, #tpu.memory_space<hbm>>
        tpu.enqueue_indirect_dma source(%dma_start3A_168 : memref<10000x128xbf16, #tpu.memory_space<hbm>>) target(%arg9 : memref<125x128xbf16, #tpu.memory_space<vmem>>) offsets(%dma_start3A_165 : memref<125xi32, #tpu.memory_space<vmem>>) semaphore(%arg14 : memref<!tpu.dma_semaphore, #tpu.memory_space<semaphore_mem>>)
      } else {
      }
      %add3A_125 = arith.constant 2 : i32
      %add3A_126 = arith.addi %mul3A_86, %add3A_125 : i32
      %dma_wait3A_127 = arith.constant 0 : i32
      %dma_wait3A_128 = tpu.memref_slice %arg7[%add3A_126, %dma_wait3A_127] : memref<80x125xi32, #tpu.memory_space<vmem>> -> memref<1x125xi32, #tpu.memory_space<vmem>>
      %dma_wait3A_129 = tpu.memref_squeeze %dma_wait3A_128 : memref<1x125xi32, #tpu.memory_space<vmem>> -> memref<125xi32, #tpu.memory_space<vmem>>
      %dma_wait3A_130 = arith.constant 0 : i32
      %dma_wait3A_131 = arith.constant 0 : i32
      %dma_wait3A_132 = tpu.memref_slice %arg2[%dma_wait3A_130, %dma_wait3A_131] : memref<10000x128xbf16, #tpu.memory_space<hbm>> -> memref<10000x128xbf16, #tpu.memory_space<hbm>>
      tpu.wait_indirect_dma semaphore(%arg16 : memref<!tpu.dma_semaphore, #tpu.memory_space<semaphore_mem>>) src(%dma_wait3A_132 : memref<10000x128xbf16, #tpu.memory_space<hbm>>) dst(%arg11 : memref<125x128xbf16, #tpu.memory_space<vmem>>)
      %add3A_133 = arith.constant 2 : i32
      %add3A_134 = arith.addi %mul3A_86, %add3A_133 : i32
      "tpu.region"() ({
        %run_scoped3A = tpu.sem_alloc : memref<!tpu.dma_semaphore, #tpu.memory_space<semaphore_mem>>
        %dma_start3A_163 = arith.constant 0 : i32
        %dma_start3A_164 = tpu.memref_slice %arg8[%add3A_134, %dma_start3A_163] : memref<80x125xi32, #tpu.memory_space<vmem>> -> memref<1x125xi32, #tpu.memory_space<vmem>>
        %dma_start3A_165 = tpu.memref_squeeze %dma_start3A_164 : memref<1x125xi32, #tpu.memory_space<vmem>> -> memref<125xi32, #tpu.memory_space<vmem>>
        %dma_start3A_166 = arith.constant 0 : i32
        %dma_start3A_167 = arith.constant 0 : i32
        %dma_start3A_168 = tpu.memref_slice %arg13[%dma_start3A_166, %dma_start3A_167] : memref<10000x128xbf16, #tpu.memory_space<vmem_shared>> -> memref<10000x128xbf16, #tpu.memory_space<vmem_shared>>
        tpu.enqueue_indirect_dma source(%arg11 : memref<125x128xbf16, #tpu.memory_space<vmem>>) target(%dma_start3A_168 : memref<10000x128xbf16, #tpu.memory_space<vmem_shared>>) offsets(%dma_start3A_165 : memref<125xi32, #tpu.memory_space<vmem>>) semaphore(%run_scoped3A : memref<!tpu.dma_semaphore, #tpu.memory_space<semaphore_mem>>) {add = true}
        %dma_wait3A_169 = arith.constant 0 : i32
        %dma_wait3A_170 = tpu.memref_slice %arg8[%add3A_134, %dma_wait3A_169] : memref<80x125xi32, #tpu.memory_space<vmem>> -> memref<1x125xi32, #tpu.memory_space<vmem>>
        %dma_wait3A_171 = tpu.memref_squeeze %dma_wait3A_170 : memref<1x125xi32, #tpu.memory_space<vmem>> -> memref<125xi32, #tpu.memory_space<vmem>>
        %dma_wait3A_172 = arith.constant 0 : i32
        %dma_wait3A_173 = arith.constant 0 : i32
        %dma_wait3A_174 = tpu.memref_slice %arg13[%dma_wait3A_172, %dma_wait3A_173] : memref<10000x128xbf16, #tpu.memory_space<vmem_shared>> -> memref<10000x128xbf16, #tpu.memory_space<vmem_shared>>
        tpu.wait_indirect_dma semaphore(%run_scoped3A : memref<!tpu.dma_semaphore, #tpu.memory_space<semaphore_mem>>) src(%arg11 : memref<125x128xbf16, #tpu.memory_space<vmem>>) dst(%dma_wait3A_174 : memref<10000x128xbf16, #tpu.memory_space<vmem_shared>>)
        tpu.yield
      }) : () -> ()
      %add3A_135 = arith.constant 2 : i32
      %add3A_136 = arith.addi %mul3A_86, %add3A_135 : i32
      %add3A_137 = arith.constant 3 : i32
      %add3A_138 = arith.addi %add3A_136, %add3A_137 : i32
      %lt3A_139 = arith.constant 80 : i32
      %lt3A_140 = arith.cmpi slt, %add3A_138, %lt3A_139 : i32
      %convert_element_type3A_141 = arith.extui %lt3A_140 : i1 to i32
      %cond3A_142 = arith.constant 0 : i32
      %cond3A_143 = arith.cmpi ne, %convert_element_type3A_141, %cond3A_142 : i32
      scf.if %cond3A_143 {
        %dma_start3A_163 = arith.constant 0 : i32
        %dma_start3A_164 = tpu.memref_slice %arg7[%add3A_138, %dma_start3A_163] : memref<80x125xi32, #tpu.memory_space<vmem>> -> memref<1x125xi32, #tpu.memory_space<vmem>>
        %dma_start3A_165 = tpu.memref_squeeze %dma_start3A_164 : memref<1x125xi32, #tpu.memory_space<vmem>> -> memref<125xi32, #tpu.memory_space<vmem>>
        %dma_start3A_166 = arith.constant 0 : i32
        %dma_start3A_167 = arith.constant 0 : i32
        %dma_start3A_168 = tpu.memref_slice %arg2[%dma_start3A_166, %dma_start3A_167] : memref<10000x128xbf16, #tpu.memory_space<hbm>> -> memref<10000x128xbf16, #tpu.memory_space<hbm>>
        tpu.enqueue_indirect_dma source(%dma_start3A_168 : memref<10000x128xbf16, #tpu.memory_space<hbm>>) target(%arg10 : memref<125x128xbf16, #tpu.memory_space<vmem>>) offsets(%dma_start3A_165 : memref<125xi32, #tpu.memory_space<vmem>>) semaphore(%arg15 : memref<!tpu.dma_semaphore, #tpu.memory_space<semaphore_mem>>)
      } else {
      }
      %add3A_144 = arith.constant 3 : i32
      %add3A_145 = arith.addi %mul3A_86, %add3A_144 : i32
      %dma_wait3A_146 = arith.constant 0 : i32
      %dma_wait3A_147 = tpu.memref_slice %arg7[%add3A_145, %dma_wait3A_146] : memref<80x125xi32, #tpu.memory_space<vmem>> -> memref<1x125xi32, #tpu.memory_space<vmem>>
      %dma_wait3A_148 = tpu.memref_squeeze %dma_wait3A_147 : memref<1x125xi32, #tpu.memory_space<vmem>> -> memref<125xi32, #tpu.memory_space<vmem>>
      %dma_wait3A_149 = arith.constant 0 : i32
      %dma_wait3A_150 = arith.constant 0 : i32
      %dma_wait3A_151 = tpu.memref_slice %arg2[%dma_wait3A_149, %dma_wait3A_150] : memref<10000x128xbf16, #tpu.memory_space<hbm>> -> memref<10000x128xbf16, #tpu.memory_space<hbm>>
      tpu.wait_indirect_dma semaphore(%arg17 : memref<!tpu.dma_semaphore, #tpu.memory_space<semaphore_mem>>) src(%dma_wait3A_151 : memref<10000x128xbf16, #tpu.memory_space<hbm>>) dst(%arg12 : memref<125x128xbf16, #tpu.memory_space<vmem>>)
      %add3A_152 = arith.constant 3 : i32
      %add3A_153 = arith.addi %mul3A_86, %add3A_152 : i32
      "tpu.region"() ({
        %run_scoped3A = tpu.sem_alloc : memref<!tpu.dma_semaphore, #tpu.memory_space<semaphore_mem>>
        %dma_start3A_163 = arith.constant 0 : i32
        %dma_start3A_164 = tpu.memref_slice %arg8[%add3A_153, %dma_start3A_163] : memref<80x125xi32, #tpu.memory_space<vmem>> -> memref<1x125xi32, #tpu.memory_space<vmem>>
        %dma_start3A_165 = tpu.memref_squeeze %dma_start3A_164 : memref<1x125xi32, #tpu.memory_space<vmem>> -> memref<125xi32, #tpu.memory_space<vmem>>
        %dma_start3A_166 = arith.constant 0 : i32
        %dma_start3A_167 = arith.constant 0 : i32
        %dma_start3A_168 = tpu.memref_slice %arg13[%dma_start3A_166, %dma_start3A_167] : memref<10000x128xbf16, #tpu.memory_space<vmem_shared>> -> memref<10000x128xbf16, #tpu.memory_space<vmem_shared>>
        tpu.enqueue_indirect_dma source(%arg12 : memref<125x128xbf16, #tpu.memory_space<vmem>>) target(%dma_start3A_168 : memref<10000x128xbf16, #tpu.memory_space<vmem_shared>>) offsets(%dma_start3A_165 : memref<125xi32, #tpu.memory_space<vmem>>) semaphore(%run_scoped3A : memref<!tpu.dma_semaphore, #tpu.memory_space<semaphore_mem>>) {add = true}
        %dma_wait3A_169 = arith.constant 0 : i32
        %dma_wait3A_170 = tpu.memref_slice %arg8[%add3A_153, %dma_wait3A_169] : memref<80x125xi32, #tpu.memory_space<vmem>> -> memref<1x125xi32, #tpu.memory_space<vmem>>
        %dma_wait3A_171 = tpu.memref_squeeze %dma_wait3A_170 : memref<1x125xi32, #tpu.memory_space<vmem>> -> memref<125xi32, #tpu.memory_space<vmem>>
        %dma_wait3A_172 = arith.constant 0 : i32
        %dma_wait3A_173 = arith.constant 0 : i32
        %dma_wait3A_174 = tpu.memref_slice %arg13[%dma_wait3A_172, %dma_wait3A_173] : memref<10000x128xbf16, #tpu.memory_space<vmem_shared>> -> memref<10000x128xbf16, #tpu.memory_space<vmem_shared>>
        tpu.wait_indirect_dma semaphore(%run_scoped3A : memref<!tpu.dma_semaphore, #tpu.memory_space<semaphore_mem>>) src(%arg12 : memref<125x128xbf16, #tpu.memory_space<vmem>>) dst(%dma_wait3A_174 : memref<10000x128xbf16, #tpu.memory_space<vmem_shared>>)
        tpu.yield
      }) : () -> ()
      %add3A_154 = arith.constant 3 : i32
      %add3A_155 = arith.addi %mul3A_86, %add3A_154 : i32
      %add3A_156 = arith.constant 3 : i32
      %add3A_157 = arith.addi %add3A_155, %add3A_156 : i32
      %lt3A_158 = arith.constant 80 : i32
      %lt3A_159 = arith.cmpi slt, %add3A_157, %lt3A_158 : i32
      %convert_element_type3A_160 = arith.extui %lt3A_159 : i1 to i32
      %cond3A_161 = arith.constant 0 : i32
      %cond3A_162 = arith.cmpi ne, %convert_element_type3A_160, %cond3A_161 : i32
      scf.if %cond3A_162 {
        %dma_start3A_163 = arith.constant 0 : i32
        %dma_start3A_164 = tpu.memref_slice %arg7[%add3A_157, %dma_start3A_163] : memref<80x125xi32, #tpu.memory_space<vmem>> -> memref<1x125xi32, #tpu.memory_space<vmem>>
        %dma_start3A_165 = tpu.memref_squeeze %dma_start3A_164 : memref<1x125xi32, #tpu.memory_space<vmem>> -> memref<125xi32, #tpu.memory_space<vmem>>
        %dma_start3A_166 = arith.constant 0 : i32
        %dma_start3A_167 = arith.constant 0 : i32
        %dma_start3A_168 = tpu.memref_slice %arg2[%dma_start3A_166, %dma_start3A_167] : memref<10000x128xbf16, #tpu.memory_space<hbm>> -> memref<10000x128xbf16, #tpu.memory_space<hbm>>
        tpu.enqueue_indirect_dma source(%dma_start3A_168 : memref<10000x128xbf16, #tpu.memory_space<hbm>>) target(%arg11 : memref<125x128xbf16, #tpu.memory_space<vmem>>) offsets(%dma_start3A_165 : memref<125xi32, #tpu.memory_space<vmem>>) semaphore(%arg16 : memref<!tpu.dma_semaphore, #tpu.memory_space<semaphore_mem>>)
      } else {
      }
    }
    %scan3A_76 = arith.constant 20 : i32
    %barrier3A_77 = arith.constant 0 : index
    tpu.barrier barrier_id(%barrier3A_77)
    %lt3A = arith.constant 15 : i32
    %lt3A_78 = arith.cmpi slt, %arg1, %lt3A : i32
    %convert_element_type3A = arith.extui %lt3A_78 : i1 to i32
    %cond3A = arith.constant 0 : i32
    %cond3A_79 = arith.cmpi ne, %convert_element_type3A, %cond3A : i32
    scf.if %cond3A_79 {
      %mul3A_84 = arith.constant 624 : i32
      %mul3A_85 = arith.muli %arg1, %mul3A_84 : i32
      %mul3A_86 = arith.constant 624 : i32
      %mul3A_87 = arith.muli %arg1, %mul3A_86 : i32
      "tpu.region"() ({
        %run_scoped3A = tpu.sem_alloc : memref<!tpu.dma_semaphore, #tpu.memory_space<semaphore_mem>>
        %dma_start3A_88 = arith.constant 0 : i32
        %dma_start3A_89 = tpu.memref_slice %arg6[%arg0, %mul3A_87, %dma_start3A_88] : memref<2x10000x128xbf16, #tpu.memory_space<hbm>> -> memref<1x624x128xbf16, #tpu.memory_space<hbm>>
        %dma_start3A_90 = tpu.memref_squeeze %dma_start3A_89 : memref<1x624x128xbf16, #tpu.memory_space<hbm>> -> memref<624x128xbf16, #tpu.memory_space<hbm>>
        %dma_start3A_91 = arith.constant 0 : i32
        %dma_start3A_92 = tpu.memref_slice %arg13[%mul3A_85, %dma_start3A_91] : memref<10000x128xbf16, #tpu.memory_space<vmem_shared>> -> memref<624x128xbf16, #tpu.memory_space<vmem_shared>>
        tpu.enqueue_dma source(%dma_start3A_92 : memref<624x128xbf16, #tpu.memory_space<vmem_shared>>) target(%dma_start3A_90 : memref<624x128xbf16, #tpu.memory_space<hbm>>) target_semaphore(%run_scoped3A : memref<!tpu.dma_semaphore, #tpu.memory_space<semaphore_mem>>)
        %dma_wait3A_93 = arith.constant 0 : i32
        %dma_wait3A_94 = tpu.memref_slice %arg6[%arg0, %mul3A_87, %dma_wait3A_93] : memref<2x10000x128xbf16, #tpu.memory_space<hbm>> -> memref<1x624x128xbf16, #tpu.memory_space<hbm>>
        %dma_wait3A_95 = tpu.memref_squeeze %dma_wait3A_94 : memref<1x624x128xbf16, #tpu.memory_space<hbm>> -> memref<624x128xbf16, #tpu.memory_space<hbm>>
        %dma_wait3A_96 = arith.constant 0 : i32
        %dma_wait3A_97 = tpu.memref_slice %arg13[%mul3A_85, %dma_wait3A_96] : memref<10000x128xbf16, #tpu.memory_space<vmem_shared>> -> memref<624x128xbf16, #tpu.memory_space<vmem_shared>>
        tpu.wait_dma2 semaphore(%run_scoped3A : memref<!tpu.dma_semaphore, #tpu.memory_space<semaphore_mem>>) src(%dma_wait3A_97 : memref<624x128xbf16, #tpu.memory_space<vmem_shared>>) dst(%dma_wait3A_95 : memref<624x128xbf16, #tpu.memory_space<hbm>>)
        tpu.yield
      }) : () -> ()
    } else {
    }
    %eq3A = arith.constant 15 : i32
    %eq3A_80 = arith.cmpi eq, %arg1, %eq3A : i32
    %convert_element_type3A_81 = arith.extui %eq3A_80 : i1 to i32
    %cond3A_82 = arith.constant 0 : i32
    %cond3A_83 = arith.cmpi ne, %convert_element_type3A_81, %cond3A_82 : i32
    scf.if %cond3A_83 {
      "tpu.region"() ({
        %run_scoped3A = tpu.sem_alloc : memref<!tpu.dma_semaphore, #tpu.memory_space<semaphore_mem>>
        %dma_start3A_84 = arith.constant 9360 : i32
        %dma_start3A_85 = arith.constant 0 : i32
        %dma_start3A_86 = tpu.memref_slice %arg6[%arg0, %dma_start3A_84, %dma_start3A_85] : memref<2x10000x128xbf16, #tpu.memory_space<hbm>> -> memref<1x640x128xbf16, #tpu.memory_space<hbm>>
        %dma_start3A_87 = tpu.memref_squeeze %dma_start3A_86 : memref<1x640x128xbf16, #tpu.memory_space<hbm>> -> memref<640x128xbf16, #tpu.memory_space<hbm>>
        %dma_start3A_88 = arith.constant 9360 : i32
        %dma_start3A_89 = arith.constant 0 : i32
        %dma_start3A_90 = tpu.memref_slice %arg13[%dma_start3A_88, %dma_start3A_89] : memref<10000x128xbf16, #tpu.memory_space<vmem_shared>> -> memref<640x128xbf16, #tpu.memory_space<vmem_shared>>
        tpu.enqueue_dma source(%dma_start3A_90 : memref<640x128xbf16, #tpu.memory_space<vmem_shared>>) target(%dma_start3A_87 : memref<640x128xbf16, #tpu.memory_space<hbm>>) target_semaphore(%run_scoped3A : memref<!tpu.dma_semaphore, #tpu.memory_space<semaphore_mem>>)
        %dma_wait3A_91 = arith.constant 9360 : i32
        %dma_wait3A_92 = arith.constant 0 : i32
        %dma_wait3A_93 = tpu.memref_slice %arg6[%arg0, %dma_wait3A_91, %dma_wait3A_92] : memref<2x10000x128xbf16, #tpu.memory_space<hbm>> -> memref<1x640x128xbf16, #tpu.memory_space<hbm>>
        %dma_wait3A_94 = tpu.memref_squeeze %dma_wait3A_93 : memref<1x640x128xbf16, #tpu.memory_space<hbm>> -> memref<640x128xbf16, #tpu.memory_space<hbm>>
        %dma_wait3A_95 = arith.constant 9360 : i32
        %dma_wait3A_96 = arith.constant 0 : i32
        %dma_wait3A_97 = tpu.memref_slice %arg13[%dma_wait3A_95, %dma_wait3A_96] : memref<10000x128xbf16, #tpu.memory_space<vmem_shared>> -> memref<640x128xbf16, #tpu.memory_space<vmem_shared>>
        tpu.wait_dma2 semaphore(%run_scoped3A : memref<!tpu.dma_semaphore, #tpu.memory_space<semaphore_mem>>) src(%dma_wait3A_97 : memref<640x128xbf16, #tpu.memory_space<vmem_shared>>) dst(%dma_wait3A_94 : memref<640x128xbf16, #tpu.memory_space<hbm>>)
        tpu.yield
      }) : () -> ()
    } else {
    }
    return
  }
}

#map = affine_map<(d0, d1) -> (0, 0)>
#map1 = affine_map<(d0, d1) -> (0, 0, 0)>
module attributes {stable_mosaic.version = 14 : i64} {
  func.func @body(%arg0: i32, %arg1: i32, %arg2: memref<10000x128xbf16, #tpu.memory_space<hbm>>, %arg3: memref<32x80x125xi32, #tpu.memory_space<hbm>>, %arg4: memref<32x80x125xi32, #tpu.memory_space<hbm>>, %arg5: memref<125x128xbf16, #tpu.memory_space<hbm>>, %arg6: memref<2x10000x128xbf16, #tpu.memory_space<hbm>>, %arg7: memref<80x125xi32, #tpu.memory_space<vmem>>, %arg8: memref<80x125xi32, #tpu.memory_space<vmem>>, %arg9: memref<125x128xbf16, #tpu.memory_space<vmem>>, %arg10: memref<125x128xbf16, #tpu.memory_space<vmem>>, %arg11: memref<125x128xbf16, #tpu.memory_space<vmem>>, %arg12: memref<125x128xbf16, #tpu.memory_space<vmem>>, %arg13: memref<10000x128xbf16, #tpu.memory_space<vmem_shared>>, %arg14: memref<!tpu.dma_semaphore, #tpu.memory_space<semaphore_mem>>, %arg15: memref<!tpu.dma_semaphore, #tpu.memory_space<semaphore_mem>>, %arg16: memref<!tpu.dma_semaphore, #tpu.memory_space<semaphore_mem>>, %arg17: memref<!tpu.dma_semaphore, #tpu.memory_space<semaphore_mem>>) attributes {dimension_semantics = [#tpu.dimension_semantics<core_parallel>, #tpu.dimension_semantics<subcore_parallel>], iteration_bounds = array<i64: 2, 16>, scalar_prefetch = 0 : i64, scratch_operands = 11 : i64, tpu.core_type = #tpu.core_type<sc_vector_subcore>, window_params = [{transform_indices = #map}, {transform_indices = #map1}, {transform_indices = #map1}, {transform_indices = #map}, {transform_indices = #map1}]} {
    %mul3A = arith.constant 2 : i32
    %mul3A_0 = arith.muli %arg1, %mul3A : i32
    %add3A = arith.addi %mul3A_0, %arg0 : i32
    tpu.enqueue_dma source(%arg5 : memref<125x128xbf16, #tpu.memory_space<hbm>>) target(%arg9 : memref<125x128xbf16, #tpu.memory_space<vmem>>) target_semaphore(%arg14 : memref<!tpu.dma_semaphore, #tpu.memory_space<semaphore_mem>>)
    tpu.wait_dma2 semaphore(%arg14 : memref<!tpu.dma_semaphore, #tpu.memory_space<semaphore_mem>>) src(%arg5 : memref<125x128xbf16, #tpu.memory_space<hbm>>) dst(%arg9 : memref<125x128xbf16, #tpu.memory_space<vmem>>)
    %mul3A_1 = arith.constant 625 : i32
    %mul3A_2 = arith.muli %arg1, %mul3A_1 : i32
    %add3A_3 = arith.constant 0 : i32
    %add3A_4 = arith.addi %mul3A_2, %add3A_3 : i32
    "tpu.region"() ({
      %run_scoped3A = tpu.sem_alloc : memref<!tpu.dma_semaphore, #tpu.memory_space<semaphore_mem>>
      %dma_start3A_84 = arith.constant 0 : i32
      %dma_start3A_85 = arith.constant 0 : i32
      %dma_start3A_86 = tpu.memref_slice %arg9[%dma_start3A_84, %dma_start3A_85] : memref<125x128xbf16, #tpu.memory_space<vmem>> -> memref<125x128xbf16, #tpu.memory_space<vmem>>
      %dma_start3A_87 = arith.constant 0 : i32
      %dma_start3A_88 = tpu.memref_slice %arg13[%add3A_4, %dma_start3A_87] : memref<10000x128xbf16, #tpu.memory_space<vmem_shared>> -> memref<125x128xbf16, #tpu.memory_space<vmem_shared>>
      %dma_start3A_89 = arith.constant 0 : i32
      %dma_start3A_90 = tpu.memref_slice %arg13[%add3A_4, %dma_start3A_89] : memref<10000x128xbf16, #tpu.memory_space<vmem_shared>> -> memref<125x128xbf16, #tpu.memory_space<vmem_shared>>
      %dma_start3A_91 = arith.constant 0 : i32
      %dma_start3A_92 = arith.constant 0 : i32
      %dma_start3A_93 = tpu.memref_slice %arg9[%dma_start3A_91, %dma_start3A_92] : memref<125x128xbf16, #tpu.memory_space<vmem>> -> memref<125x128xbf16, #tpu.memory_space<vmem>>
      tpu.enqueue_dma source(%dma_start3A_93 : memref<125x128xbf16, #tpu.memory_space<vmem>>) target(%dma_start3A_90 : memref<125x128xbf16, #tpu.memory_space<vmem_shared>>) target_semaphore(%run_scoped3A : memref<!tpu.dma_semaphore, #tpu.memory_space<semaphore_mem>>)
      %dma_wait3A_94 = arith.constant 0 : i32
      %dma_wait3A_95 = arith.constant 0 : i32
      %dma_wait3A_96 = tpu.memref_slice %arg9[%dma_wait3A_94, %dma_wait3A_95] : memref<125x128xbf16, #tpu.memory_space<vmem>> -> memref<125x128xbf16, #tpu.memory_space<vmem>>
      %dma_wait3A_97 = arith.constant 0 : i32
      %dma_wait3A_98 = tpu.memref_slice %arg13[%add3A_4, %dma_wait3A_97] : memref<10000x128xbf16, #tpu.memory_space<vmem_shared>> -> memref<125x128xbf16, #tpu.memory_space<vmem_shared>>
      %dma_wait3A_99 = arith.constant 0 : i32
      %dma_wait3A_100 = tpu.memref_slice %arg13[%add3A_4, %dma_wait3A_99] : memref<10000x128xbf16, #tpu.memory_space<vmem_shared>> -> memref<125x128xbf16, #tpu.memory_space<vmem_shared>>
      %dma_wait3A_101 = arith.constant 0 : i32
      %dma_wait3A_102 = arith.constant 0 : i32
      %dma_wait3A_103 = tpu.memref_slice %arg9[%dma_wait3A_101, %dma_wait3A_102] : memref<125x128xbf16, #tpu.memory_space<vmem>> -> memref<125x128xbf16, #tpu.memory_space<vmem>>
      tpu.wait_dma2 semaphore(%run_scoped3A : memref<!tpu.dma_semaphore, #tpu.memory_space<semaphore_mem>>) src(%dma_wait3A_103 : memref<125x128xbf16, #tpu.memory_space<vmem>>) dst(%dma_wait3A_100 : memref<125x128xbf16, #tpu.memory_space<vmem_shared>>)
      tpu.yield
    }) : () -> ()
    %mul3A_5 = arith.constant 625 : i32
    %mul3A_6 = arith.muli %arg1, %mul3A_5 : i32
    %add3A_7 = arith.constant 125 : i32
    %add3A_8 = arith.addi %mul3A_6, %add3A_7 : i32
    "tpu.region"() ({
      %run_scoped3A = tpu.sem_alloc : memref<!tpu.dma_semaphore, #tpu.memory_space<semaphore_mem>>
      %dma_start3A_84 = arith.constant 0 : i32
      %dma_start3A_85 = arith.constant 0 : i32
      %dma_start3A_86 = tpu.memref_slice %arg9[%dma_start3A_84, %dma_start3A_85] : memref<125x128xbf16, #tpu.memory_space<vmem>> -> memref<125x128xbf16, #tpu.memory_space<vmem>>
      %dma_start3A_87 = arith.constant 0 : i32
      %dma_start3A_88 = tpu.memref_slice %arg13[%add3A_8, %dma_start3A_87] : memref<10000x128xbf16, #tpu.memory_space<vmem_shared>> -> memref<125x128xbf16, #tpu.memory_space<vmem_shared>>
      %dma_start3A_89 = arith.constant 0 : i32
      %dma_start3A_90 = tpu.memref_slice %arg13[%add3A_8, %dma_start3A_89] : memref<10000x128xbf16, #tpu.memory_space<vmem_shared>> -> memref<125x128xbf16, #tpu.memory_space<vmem_shared>>
      %dma_start3A_91 = arith.constant 0 : i32
      %dma_start3A_92 = arith.constant 0 : i32
      %dma_start3A_93 = tpu.memref_slice %arg9[%dma_start3A_91, %dma_start3A_92] : memref<125x128xbf16, #tpu.memory_space<vmem>> -> memref<125x128xbf16, #tpu.memory_space<vmem>>
      tpu.enqueue_dma source(%dma_start3A_93 : memref<125x128xbf16, #tpu.memory_space<vmem>>) target(%dma_start3A_90 : memref<125x128xbf16, #tpu.memory_space<vmem_shared>>) target_semaphore(%run_scoped3A : memref<!tpu.dma_semaphore, #tpu.memory_space<semaphore_mem>>)
      %dma_wait3A_94 = arith.constant 0 : i32
      %dma_wait3A_95 = arith.constant 0 : i32
      %dma_wait3A_96 = tpu.memref_slice %arg9[%dma_wait3A_94, %dma_wait3A_95] : memref<125x128xbf16, #tpu.memory_space<vmem>> -> memref<125x128xbf16, #tpu.memory_space<vmem>>
      %dma_wait3A_97 = arith.constant 0 : i32
      %dma_wait3A_98 = tpu.memref_slice %arg13[%add3A_8, %dma_wait3A_97] : memref<10000x128xbf16, #tpu.memory_space<vmem_shared>> -> memref<125x128xbf16, #tpu.memory_space<vmem_shared>>
      %dma_wait3A_99 = arith.constant 0 : i32
      %dma_wait3A_100 = tpu.memref_slice %arg13[%add3A_8, %dma_wait3A_99] : memref<10000x128xbf16, #tpu.memory_space<vmem_shared>> -> memref<125x128xbf16, #tpu.memory_space<vmem_shared>>
      %dma_wait3A_101 = arith.constant 0 : i32
      %dma_wait3A_102 = arith.constant 0 : i32
      %dma_wait3A_103 = tpu.memref_slice %arg9[%dma_wait3A_101, %dma_wait3A_102] : memref<125x128xbf16, #tpu.memory_space<vmem>> -> memref<125x128xbf16, #tpu.memory_space<vmem>>
      tpu.wait_dma2 semaphore(%run_scoped3A : memref<!tpu.dma_semaphore, #tpu.memory_space<semaphore_mem>>) src(%dma_wait3A_103 : memref<125x128xbf16, #tpu.memory_space<vmem>>) dst(%dma_wait3A_100 : memref<125x128xbf16, #tpu.memory_space<vmem_shared>>)
      tpu.yield
    }) : () -> ()
    %mul3A_9 = arith.constant 625 : i32
    %mul3A_10 = arith.muli %arg1, %mul3A_9 : i32
    %add3A_11 = arith.constant 250 : i32
    %add3A_12 = arith.addi %mul3A_10, %add3A_11 : i32
    "tpu.region"() ({
      %run_scoped3A = tpu.sem_alloc : memref<!tpu.dma_semaphore, #tpu.memory_space<semaphore_mem>>
      %dma_start3A_84 = arith.constant 0 : i32
      %dma_start3A_85 = arith.constant 0 : i32
      %dma_start3A_86 = tpu.memref_slice %arg9[%dma_start3A_84, %dma_start3A_85] : memref<125x128xbf16, #tpu.memory_space<vmem>> -> memref<125x128xbf16, #tpu.memory_space<vmem>>
      %dma_start3A_87 = arith.constant 0 : i32
      %dma_start3A_88 = tpu.memref_slice %arg13[%add3A_12, %dma_start3A_87] : memref<10000x128xbf16, #tpu.memory_space<vmem_shared>> -> memref<125x128xbf16, #tpu.memory_space<vmem_shared>>
      %dma_start3A_89 = arith.constant 0 : i32
      %dma_start3A_90 = tpu.memref_slice %arg13[%add3A_12, %dma_start3A_89] : memref<10000x128xbf16, #tpu.memory_space<vmem_shared>> -> memref<125x128xbf16, #tpu.memory_space<vmem_shared>>
      %dma_start3A_91 = arith.constant 0 : i32
      %dma_start3A_92 = arith.constant 0 : i32
      %dma_start3A_93 = tpu.memref_slice %arg9[%dma_start3A_91, %dma_start3A_92] : memref<125x128xbf16, #tpu.memory_space<vmem>> -> memref<125x128xbf16, #tpu.memory_space<vmem>>
      tpu.enqueue_dma source(%dma_start3A_93 : memref<125x128xbf16, #tpu.memory_space<vmem>>) target(%dma_start3A_90 : memref<125x128xbf16, #tpu.memory_space<vmem_shared>>) target_semaphore(%run_scoped3A : memref<!tpu.dma_semaphore, #tpu.memory_space<semaphore_mem>>)
      %dma_wait3A_94 = arith.constant 0 : i32
      %dma_wait3A_95 = arith.constant 0 : i32
      %dma_wait3A_96 = tpu.memref_slice %arg9[%dma_wait3A_94, %dma_wait3A_95] : memref<125x128xbf16, #tpu.memory_space<vmem>> -> memref<125x128xbf16, #tpu.memory_space<vmem>>
      %dma_wait3A_97 = arith.constant 0 : i32
      %dma_wait3A_98 = tpu.memref_slice %arg13[%add3A_12, %dma_wait3A_97] : memref<10000x128xbf16, #tpu.memory_space<vmem_shared>> -> memref<125x128xbf16, #tpu.memory_space<vmem_shared>>
      %dma_wait3A_99 = arith.constant 0 : i32
      %dma_wait3A_100 = tpu.memref_slice %arg13[%add3A_12, %dma_wait3A_99] : memref<10000x128xbf16, #tpu.memory_space<vmem_shared>> -> memref<125x128xbf16, #tpu.memory_space<vmem_shared>>
      %dma_wait3A_101 = arith.constant 0 : i32
      %dma_wait3A_102 = arith.constant 0 : i32
      %dma_wait3A_103 = tpu.memref_slice %arg9[%dma_wait3A_101, %dma_wait3A_102] : memref<125x128xbf16, #tpu.memory_space<vmem>> -> memref<125x128xbf16, #tpu.memory_space<vmem>>
      tpu.wait_dma2 semaphore(%run_scoped3A : memref<!tpu.dma_semaphore, #tpu.memory_space<semaphore_mem>>) src(%dma_wait3A_103 : memref<125x128xbf16, #tpu.memory_space<vmem>>) dst(%dma_wait3A_100 : memref<125x128xbf16, #tpu.memory_space<vmem_shared>>)
      tpu.yield
    }) : () -> ()
    %mul3A_13 = arith.constant 625 : i32
    %mul3A_14 = arith.muli %arg1, %mul3A_13 : i32
    %add3A_15 = arith.constant 375 : i32
    %add3A_16 = arith.addi %mul3A_14, %add3A_15 : i32
    "tpu.region"() ({
      %run_scoped3A = tpu.sem_alloc : memref<!tpu.dma_semaphore, #tpu.memory_space<semaphore_mem>>
      %dma_start3A_84 = arith.constant 0 : i32
      %dma_start3A_85 = arith.constant 0 : i32
      %dma_start3A_86 = tpu.memref_slice %arg9[%dma_start3A_84, %dma_start3A_85] : memref<125x128xbf16, #tpu.memory_space<vmem>> -> memref<125x128xbf16, #tpu.memory_space<vmem>>
      %dma_start3A_87 = arith.constant 0 : i32
      %dma_start3A_88 = tpu.memref_slice %arg13[%add3A_16, %dma_start3A_87] : memref<10000x128xbf16, #tpu.memory_space<vmem_shared>> -> memref<125x128xbf16, #tpu.memory_space<vmem_shared>>
      %dma_start3A_89 = arith.constant 0 : i32
      %dma_start3A_90 = tpu.memref_slice %arg13[%add3A_16, %dma_start3A_89] : memref<10000x128xbf16, #tpu.memory_space<vmem_shared>> -> memref<125x128xbf16, #tpu.memory_space<vmem_shared>>
      %dma_start3A_91 = arith.constant 0 : i32
      %dma_start3A_92 = arith.constant 0 : i32
      %dma_start3A_93 = tpu.memref_slice %arg9[%dma_start3A_91, %dma_start3A_92] : memref<125x128xbf16, #tpu.memory_space<vmem>> -> memref<125x128xbf16, #tpu.memory_space<vmem>>
      tpu.enqueue_dma source(%dma_start3A_93 : memref<125x128xbf16, #tpu.memory_space<vmem>>) target(%dma_start3A_90 : memref<125x128xbf16, #tpu.memory_space<vmem_shared>>) target_semaphore(%run_scoped3A : memref<!tpu.dma_semaphore, #tpu.memory_space<semaphore_mem>>)
      %dma_wait3A_94 = arith.constant 0 : i32
      %dma_wait3A_95 = arith.constant 0 : i32
      %dma_wait3A_96 = tpu.memref_slice %arg9[%dma_wait3A_94, %dma_wait3A_95] : memref<125x128xbf16, #tpu.memory_space<vmem>> -> memref<125x128xbf16, #tpu.memory_space<vmem>>
      %dma_wait3A_97 = arith.constant 0 : i32
      %dma_wait3A_98 = tpu.memref_slice %arg13[%add3A_16, %dma_wait3A_97] : memref<10000x128xbf16, #tpu.memory_space<vmem_shared>> -> memref<125x128xbf16, #tpu.memory_space<vmem_shared>>
      %dma_wait3A_99 = arith.constant 0 : i32
      %dma_wait3A_100 = tpu.memref_slice %arg13[%add3A_16, %dma_wait3A_99] : memref<10000x128xbf16, #tpu.memory_space<vmem_shared>> -> memref<125x128xbf16, #tpu.memory_space<vmem_shared>>
      %dma_wait3A_101 = arith.constant 0 : i32
      %dma_wait3A_102 = arith.constant 0 : i32
      %dma_wait3A_103 = tpu.memref_slice %arg9[%dma_wait3A_101, %dma_wait3A_102] : memref<125x128xbf16, #tpu.memory_space<vmem>> -> memref<125x128xbf16, #tpu.memory_space<vmem>>
      tpu.wait_dma2 semaphore(%run_scoped3A : memref<!tpu.dma_semaphore, #tpu.memory_space<semaphore_mem>>) src(%dma_wait3A_103 : memref<125x128xbf16, #tpu.memory_space<vmem>>) dst(%dma_wait3A_100 : memref<125x128xbf16, #tpu.memory_space<vmem_shared>>)
      tpu.yield
    }) : () -> ()
    %mul3A_17 = arith.constant 625 : i32
    %mul3A_18 = arith.muli %arg1, %mul3A_17 : i32
    %add3A_19 = arith.constant 500 : i32
    %add3A_20 = arith.addi %mul3A_18, %add3A_19 : i32
    "tpu.region"() ({
      %run_scoped3A = tpu.sem_alloc : memref<!tpu.dma_semaphore, #tpu.memory_space<semaphore_mem>>
      %dma_start3A_84 = arith.constant 0 : i32
      %dma_start3A_85 = arith.constant 0 : i32
      %dma_start3A_86 = tpu.memref_slice %arg9[%dma_start3A_84, %dma_start3A_85] : memref<125x128xbf16, #tpu.memory_space<vmem>> -> memref<125x128xbf16, #tpu.memory_space<vmem>>
      %dma_start3A_87 = arith.constant 0 : i32
      %dma_start3A_88 = tpu.memref_slice %arg13[%add3A_20, %dma_start3A_87] : memref<10000x128xbf16, #tpu.memory_space<vmem_shared>> -> memref<125x128xbf16, #tpu.memory_space<vmem_shared>>
      %dma_start3A_89 = arith.constant 0 : i32
      %dma_start3A_90 = tpu.memref_slice %arg13[%add3A_20, %dma_start3A_89] : memref<10000x128xbf16, #tpu.memory_space<vmem_shared>> -> memref<125x128xbf16, #tpu.memory_space<vmem_shared>>
      %dma_start3A_91 = arith.constant 0 : i32
      %dma_start3A_92 = arith.constant 0 : i32
      %dma_start3A_93 = tpu.memref_slice %arg9[%dma_start3A_91, %dma_start3A_92] : memref<125x128xbf16, #tpu.memory_space<vmem>> -> memref<125x128xbf16, #tpu.memory_space<vmem>>
      tpu.enqueue_dma source(%dma_start3A_93 : memref<125x128xbf16, #tpu.memory_space<vmem>>) target(%dma_start3A_90 : memref<125x128xbf16, #tpu.memory_space<vmem_shared>>) target_semaphore(%run_scoped3A : memref<!tpu.dma_semaphore, #tpu.memory_space<semaphore_mem>>)
      %dma_wait3A_94 = arith.constant 0 : i32
      %dma_wait3A_95 = arith.constant 0 : i32
      %dma_wait3A_96 = tpu.memref_slice %arg9[%dma_wait3A_94, %dma_wait3A_95] : memref<125x128xbf16, #tpu.memory_space<vmem>> -> memref<125x128xbf16, #tpu.memory_space<vmem>>
      %dma_wait3A_97 = arith.constant 0 : i32
      %dma_wait3A_98 = tpu.memref_slice %arg13[%add3A_20, %dma_wait3A_97] : memref<10000x128xbf16, #tpu.memory_space<vmem_shared>> -> memref<125x128xbf16, #tpu.memory_space<vmem_shared>>
      %dma_wait3A_99 = arith.constant 0 : i32
      %dma_wait3A_100 = tpu.memref_slice %arg13[%add3A_20, %dma_wait3A_99] : memref<10000x128xbf16, #tpu.memory_space<vmem_shared>> -> memref<125x128xbf16, #tpu.memory_space<vmem_shared>>
      %dma_wait3A_101 = arith.constant 0 : i32
      %dma_wait3A_102 = arith.constant 0 : i32
      %dma_wait3A_103 = tpu.memref_slice %arg9[%dma_wait3A_101, %dma_wait3A_102] : memref<125x128xbf16, #tpu.memory_space<vmem>> -> memref<125x128xbf16, #tpu.memory_space<vmem>>
      tpu.wait_dma2 semaphore(%run_scoped3A : memref<!tpu.dma_semaphore, #tpu.memory_space<semaphore_mem>>) src(%dma_wait3A_103 : memref<125x128xbf16, #tpu.memory_space<vmem>>) dst(%dma_wait3A_100 : memref<125x128xbf16, #tpu.memory_space<vmem_shared>>)
      tpu.yield
    }) : () -> ()
    %dma_start3A = arith.constant 0 : i32
    %dma_start3A_21 = arith.constant 0 : i32
    %dma_start3A_22 = tpu.memref_slice %arg3[%add3A, %dma_start3A, %dma_start3A_21] : memref<32x80x125xi32, #tpu.memory_space<hbm>> -> memref<1x80x125xi32, #tpu.memory_space<hbm>>
    %dma_start3A_23 = tpu.memref_squeeze %dma_start3A_22 : memref<1x80x125xi32, #tpu.memory_space<hbm>> -> memref<80x125xi32, #tpu.memory_space<hbm>>
    %dma_start3A_24 = arith.constant 0 : i32
    %dma_start3A_25 = arith.constant 0 : i32
    %dma_start3A_26 = tpu.memref_slice %arg3[%add3A, %dma_start3A_24, %dma_start3A_25] : memref<32x80x125xi32, #tpu.memory_space<hbm>> -> memref<1x80x125xi32, #tpu.memory_space<hbm>>
    %dma_start3A_27 = tpu.memref_squeeze %dma_start3A_26 : memref<1x80x125xi32, #tpu.memory_space<hbm>> -> memref<80x125xi32, #tpu.memory_space<hbm>>
    tpu.enqueue_dma source(%dma_start3A_27 : memref<80x125xi32, #tpu.memory_space<hbm>>) target(%arg7 : memref<80x125xi32, #tpu.memory_space<vmem>>) target_semaphore(%arg15 : memref<!tpu.dma_semaphore, #tpu.memory_space<semaphore_mem>>)
    %dma_wait3A = arith.constant 0 : i32
    %dma_wait3A_28 = arith.constant 0 : i32
    %dma_wait3A_29 = tpu.memref_slice %arg3[%add3A, %dma_wait3A, %dma_wait3A_28] : memref<32x80x125xi32, #tpu.memory_space<hbm>> -> memref<1x80x125xi32, #tpu.memory_space<hbm>>
    %dma_wait3A_30 = tpu.memref_squeeze %dma_wait3A_29 : memref<1x80x125xi32, #tpu.memory_space<hbm>> -> memref<80x125xi32, #tpu.memory_space<hbm>>
    %dma_wait3A_31 = arith.constant 0 : i32
    %dma_wait3A_32 = arith.constant 0 : i32
    %dma_wait3A_33 = tpu.memref_slice %arg3[%add3A, %dma_wait3A_31, %dma_wait3A_32] : memref<32x80x125xi32, #tpu.memory_space<hbm>> -> memref<1x80x125xi32, #tpu.memory_space<hbm>>
    %dma_wait3A_34 = tpu.memref_squeeze %dma_wait3A_33 : memref<1x80x125xi32, #tpu.memory_space<hbm>> -> memref<80x125xi32, #tpu.memory_space<hbm>>
    tpu.wait_dma2 semaphore(%arg15 : memref<!tpu.dma_semaphore, #tpu.memory_space<semaphore_mem>>) src(%dma_wait3A_34 : memref<80x125xi32, #tpu.memory_space<hbm>>) dst(%arg7 : memref<80x125xi32, #tpu.memory_space<vmem>>)
    %dma_start3A_35 = arith.constant 0 : i32
    %dma_start3A_36 = arith.constant 0 : i32
    %dma_start3A_37 = tpu.memref_slice %arg4[%add3A, %dma_start3A_35, %dma_start3A_36] : memref<32x80x125xi32, #tpu.memory_space<hbm>> -> memref<1x80x125xi32, #tpu.memory_space<hbm>>
    %dma_start3A_38 = tpu.memref_squeeze %dma_start3A_37 : memref<1x80x125xi32, #tpu.memory_space<hbm>> -> memref<80x125xi32, #tpu.memory_space<hbm>>
    %dma_start3A_39 = arith.constant 0 : i32
    %dma_start3A_40 = arith.constant 0 : i32
    %dma_start3A_41 = tpu.memref_slice %arg4[%add3A, %dma_start3A_39, %dma_start3A_40] : memref<32x80x125xi32, #tpu.memory_space<hbm>> -> memref<1x80x125xi32, #tpu.memory_space<hbm>>
    %dma_start3A_42 = tpu.memref_squeeze %dma_start3A_41 : memref<1x80x125xi32, #tpu.memory_space<hbm>> -> memref<80x125xi32, #tpu.memory_space<hbm>>
    tpu.enqueue_dma source(%dma_start3A_42 : memref<80x125xi32, #tpu.memory_space<hbm>>) target(%arg8 : memref<80x125xi32, #tpu.memory_space<vmem>>) target_semaphore(%arg15 : memref<!tpu.dma_semaphore, #tpu.memory_space<semaphore_mem>>)
    %dma_wait3A_43 = arith.constant 0 : i32
    %dma_wait3A_44 = arith.constant 0 : i32
    %dma_wait3A_45 = tpu.memref_slice %arg4[%add3A, %dma_wait3A_43, %dma_wait3A_44] : memref<32x80x125xi32, #tpu.memory_space<hbm>> -> memref<1x80x125xi32, #tpu.memory_space<hbm>>
    %dma_wait3A_46 = tpu.memref_squeeze %dma_wait3A_45 : memref<1x80x125xi32, #tpu.memory_space<hbm>> -> memref<80x125xi32, #tpu.memory_space<hbm>>
    %dma_wait3A_47 = arith.constant 0 : i32
    %dma_wait3A_48 = arith.constant 0 : i32
    %dma_wait3A_49 = tpu.memref_slice %arg4[%add3A, %dma_wait3A_47, %dma_wait3A_48] : memref<32x80x125xi32, #tpu.memory_space<hbm>> -> memref<1x80x125xi32, #tpu.memory_space<hbm>>
    %dma_wait3A_50 = tpu.memref_squeeze %dma_wait3A_49 : memref<1x80x125xi32, #tpu.memory_space<hbm>> -> memref<80x125xi32, #tpu.memory_space<hbm>>
    tpu.wait_dma2 semaphore(%arg15 : memref<!tpu.dma_semaphore, #tpu.memory_space<semaphore_mem>>) src(%dma_wait3A_50 : memref<80x125xi32, #tpu.memory_space<hbm>>) dst(%arg8 : memref<80x125xi32, #tpu.memory_space<vmem>>)
    %barrier3A = arith.constant 0 : index
    tpu.barrier barrier_id(%barrier3A)
    %dma_start3A_51 = arith.constant 0 : i32
    %dma_start3A_52 = arith.constant 0 : i32
    %dma_start3A_53 = tpu.memref_slice %arg7[%dma_start3A_51, %dma_start3A_52] : memref<80x125xi32, #tpu.memory_space<vmem>> -> memref<1x125xi32, #tpu.memory_space<vmem>>
    %dma_start3A_54 = tpu.memref_squeeze %dma_start3A_53 : memref<1x125xi32, #tpu.memory_space<vmem>> -> memref<125xi32, #tpu.memory_space<vmem>>
    %dma_start3A_55 = arith.constant 0 : i32
    %dma_start3A_56 = arith.constant 0 : i32
    %dma_start3A_57 = tpu.memref_slice %arg2[%dma_start3A_55, %dma_start3A_56] : memref<10000x128xbf16, #tpu.memory_space<hbm>> -> memref<10000x128xbf16, #tpu.memory_space<hbm>>
    tpu.enqueue_indirect_dma source(%dma_start3A_57 : memref<10000x128xbf16, #tpu.memory_space<hbm>>) target(%arg9 : memref<125x128xbf16, #tpu.memory_space<vmem>>) offsets(%dma_start3A_54 : memref<125xi32, #tpu.memory_space<vmem>>) semaphore(%arg14 : memref<!tpu.dma_semaphore, #tpu.memory_space<semaphore_mem>>)
    %dma_start3A_58 = arith.constant 1 : i32
    %dma_start3A_59 = arith.constant 0 : i32
    %dma_start3A_60 = tpu.memref_slice %arg7[%dma_start3A_58, %dma_start3A_59] : memref<80x125xi32, #tpu.memory_space<vmem>> -> memref<1x125xi32, #tpu.memory_space<vmem>>
    %dma_start3A_61 = tpu.memref_squeeze %dma_start3A_60 : memref<1x125xi32, #tpu.memory_space<vmem>> -> memref<125xi32, #tpu.memory_space<vmem>>
    %dma_start3A_62 = arith.constant 0 : i32
    %dma_start3A_63 = arith.constant 0 : i32
    %dma_start3A_64 = tpu.memref_slice %arg2[%dma_start3A_62, %dma_start3A_63] : memref<10000x128xbf16, #tpu.memory_space<hbm>> -> memref<10000x128xbf16, #tpu.memory_space<hbm>>
    tpu.enqueue_indirect_dma source(%dma_start3A_64 : memref<10000x128xbf16, #tpu.memory_space<hbm>>) target(%arg10 : memref<125x128xbf16, #tpu.memory_space<vmem>>) offsets(%dma_start3A_61 : memref<125xi32, #tpu.memory_space<vmem>>) semaphore(%arg15 : memref<!tpu.dma_semaphore, #tpu.memory_space<semaphore_mem>>)
    %dma_start3A_65 = arith.constant 2 : i32
    %dma_start3A_66 = arith.constant 0 : i32
    %dma_start3A_67 = tpu.memref_slice %arg7[%dma_start3A_65, %dma_start3A_66] : memref<80x125xi32, #tpu.memory_space<vmem>> -> memref<1x125xi32, #tpu.memory_space<vmem>>
    %dma_start3A_68 = tpu.memref_squeeze %dma_start3A_67 : memref<1x125xi32, #tpu.memory_space<vmem>> -> memref<125xi32, #tpu.memory_space<vmem>>
    %dma_start3A_69 = arith.constant 0 : i32
    %dma_start3A_70 = arith.constant 0 : i32
    %dma_start3A_71 = tpu.memref_slice %arg2[%dma_start3A_69, %dma_start3A_70] : memref<10000x128xbf16, #tpu.memory_space<hbm>> -> memref<10000x128xbf16, #tpu.memory_space<hbm>>
    tpu.enqueue_indirect_dma source(%dma_start3A_71 : memref<10000x128xbf16, #tpu.memory_space<hbm>>) target(%arg11 : memref<125x128xbf16, #tpu.memory_space<vmem>>) offsets(%dma_start3A_68 : memref<125xi32, #tpu.memory_space<vmem>>) semaphore(%arg16 : memref<!tpu.dma_semaphore, #tpu.memory_space<semaphore_mem>>)
    %scan3A = arith.constant 0 : i32
    %scan3A_72 = arith.constant 0 : i32
    %scan3A_73 = arith.constant 20 : i32
    %scan3A_74 = arith.addi %scan3A_72, %scan3A_73 : i32
    %scan3A_75 = arith.constant 1 : i32
    scf.for %scan3A_84 = %scan3A_72 to %scan3A_74 step %scan3A_75  : i32 {
      %mul3A_85 = arith.constant 4 : i32
      %mul3A_86 = arith.muli %mul3A_85, %scan3A_84 : i32
      %add3A_87 = arith.constant 0 : i32
      %add3A_88 = arith.addi %mul3A_86, %add3A_87 : i32
      %dma_wait3A_89 = arith.constant 0 : i32
      %dma_wait3A_90 = tpu.memref_slice %arg7[%add3A_88, %dma_wait3A_89] : memref<80x125xi32, #tpu.memory_space<vmem>> -> memref<1x125xi32, #tpu.memory_space<vmem>>
      %dma_wait3A_91 = tpu.memref_squeeze %dma_wait3A_90 : memref<1x125xi32, #tpu.memory_space<vmem>> -> memref<125xi32, #tpu.memory_space<vmem>>
      %dma_wait3A_92 = arith.constant 0 : i32
      %dma_wait3A_93 = arith.constant 0 : i32
      %dma_wait3A_94 = tpu.memref_slice %arg2[%dma_wait3A_92, %dma_wait3A_93] : memref<10000x128xbf16, #tpu.memory_space<hbm>> -> memref<10000x128xbf16, #tpu.memory_space<hbm>>
      tpu.wait_indirect_dma semaphore(%arg14 : memref<!tpu.dma_semaphore, #tpu.memory_space<semaphore_mem>>) src(%dma_wait3A_94 : memref<10000x128xbf16, #tpu.memory_space<hbm>>) dst(%arg9 : memref<125x128xbf16, #tpu.memory_space<vmem>>)
      %add3A_95 = arith.constant 0 : i32
      %add3A_96 = arith.addi %mul3A_86, %add3A_95 : i32
      "tpu.region"() ({
        %run_scoped3A = tpu.sem_alloc : memref<!tpu.dma_semaphore, #tpu.memory_space<semaphore_mem>>
        %dma_start3A_163 = arith.constant 0 : i32
        %dma_start3A_164 = tpu.memref_slice %arg8[%add3A_96, %dma_start3A_163] : memref<80x125xi32, #tpu.memory_space<vmem>> -> memref<1x125xi32, #tpu.memory_space<vmem>>
        %dma_start3A_165 = tpu.memref_squeeze %dma_start3A_164 : memref<1x125xi32, #tpu.memory_space<vmem>> -> memref<125xi32, #tpu.memory_space<vmem>>
        %dma_start3A_166 = arith.constant 0 : i32
        %dma_start3A_167 = arith.constant 0 : i32
        %dma_start3A_168 = tpu.memref_slice %arg13[%dma_start3A_166, %dma_start3A_167] : memref<10000x128xbf16, #tpu.memory_space<vmem_shared>> -> memref<10000x128xbf16, #tpu.memory_space<vmem_shared>>
        tpu.enqueue_indirect_dma source(%arg9 : memref<125x128xbf16, #tpu.memory_space<vmem>>) target(%dma_start3A_168 : memref<10000x128xbf16, #tpu.memory_space<vmem_shared>>) offsets(%dma_start3A_165 : memref<125xi32, #tpu.memory_space<vmem>>) semaphore(%run_scoped3A : memref<!tpu.dma_semaphore, #tpu.memory_space<semaphore_mem>>) {add = true}
        %dma_wait3A_169 = arith.constant 0 : i32
        %dma_wait3A_170 = tpu.memref_slice %arg8[%add3A_96, %dma_wait3A_169] : memref<80x125xi32, #tpu.memory_space<vmem>> -> memref<1x125xi32, #tpu.memory_space<vmem>>
        %dma_wait3A_171 = tpu.memref_squeeze %dma_wait3A_170 : memref<1x125xi32, #tpu.memory_space<vmem>> -> memref<125xi32, #tpu.memory_space<vmem>>
        %dma_wait3A_172 = arith.constant 0 : i32
        %dma_wait3A_173 = arith.constant 0 : i32
        %dma_wait3A_174 = tpu.memref_slice %arg13[%dma_wait3A_172, %dma_wait3A_173] : memref<10000x128xbf16, #tpu.memory_space<vmem_shared>> -> memref<10000x128xbf16, #tpu.memory_space<vmem_shared>>
        tpu.wait_indirect_dma semaphore(%run_scoped3A : memref<!tpu.dma_semaphore, #tpu.memory_space<semaphore_mem>>) src(%arg9 : memref<125x128xbf16, #tpu.memory_space<vmem>>) dst(%dma_wait3A_174 : memref<10000x128xbf16, #tpu.memory_space<vmem_shared>>)
        tpu.yield
      }) : () -> ()
      %add3A_97 = arith.constant 0 : i32
      %add3A_98 = arith.addi %mul3A_86, %add3A_97 : i32
      %add3A_99 = arith.constant 3 : i32
      %add3A_100 = arith.addi %add3A_98, %add3A_99 : i32
      %lt3A_101 = arith.constant 80 : i32
      %lt3A_102 = arith.cmpi slt, %add3A_100, %lt3A_101 : i32
      %convert_element_type3A_103 = arith.extui %lt3A_102 : i1 to i32
      %cond3A_104 = arith.constant 0 : i32
      %cond3A_105 = arith.cmpi ne, %convert_element_type3A_103, %cond3A_104 : i32
      scf.if %cond3A_105 {
        %dma_start3A_163 = arith.constant 0 : i32
        %dma_start3A_164 = tpu.memref_slice %arg7[%add3A_100, %dma_start3A_163] : memref<80x125xi32, #tpu.memory_space<vmem>> -> memref<1x125xi32, #tpu.memory_space<vmem>>
        %dma_start3A_165 = tpu.memref_squeeze %dma_start3A_164 : memref<1x125xi32, #tpu.memory_space<vmem>> -> memref<125xi32, #tpu.memory_space<vmem>>
        %dma_start3A_166 = arith.constant 0 : i32
        %dma_start3A_167 = arith.constant 0 : i32
        %dma_start3A_168 = tpu.memref_slice %arg2[%dma_start3A_166, %dma_start3A_167] : memref<10000x128xbf16, #tpu.memory_space<hbm>> -> memref<10000x128xbf16, #tpu.memory_space<hbm>>
        tpu.enqueue_indirect_dma source(%dma_start3A_168 : memref<10000x128xbf16, #tpu.memory_space<hbm>>) target(%arg12 : memref<125x128xbf16, #tpu.memory_space<vmem>>) offsets(%dma_start3A_165 : memref<125xi32, #tpu.memory_space<vmem>>) semaphore(%arg17 : memref<!tpu.dma_semaphore, #tpu.memory_space<semaphore_mem>>)
      } else {
      }
      %add3A_106 = arith.constant 1 : i32
      %add3A_107 = arith.addi %mul3A_86, %add3A_106 : i32
      %dma_wait3A_108 = arith.constant 0 : i32
      %dma_wait3A_109 = tpu.memref_slice %arg7[%add3A_107, %dma_wait3A_108] : memref<80x125xi32, #tpu.memory_space<vmem>> -> memref<1x125xi32, #tpu.memory_space<vmem>>
      %dma_wait3A_110 = tpu.memref_squeeze %dma_wait3A_109 : memref<1x125xi32, #tpu.memory_space<vmem>> -> memref<125xi32, #tpu.memory_space<vmem>>
      %dma_wait3A_111 = arith.constant 0 : i32
      %dma_wait3A_112 = arith.constant 0 : i32
      %dma_wait3A_113 = tpu.memref_slice %arg2[%dma_wait3A_111, %dma_wait3A_112] : memref<10000x128xbf16, #tpu.memory_space<hbm>> -> memref<10000x128xbf16, #tpu.memory_space<hbm>>
      tpu.wait_indirect_dma semaphore(%arg15 : memref<!tpu.dma_semaphore, #tpu.memory_space<semaphore_mem>>) src(%dma_wait3A_113 : memref<10000x128xbf16, #tpu.memory_space<hbm>>) dst(%arg10 : memref<125x128xbf16, #tpu.memory_space<vmem>>)
      %add3A_114 = arith.constant 1 : i32
      %add3A_115 = arith.addi %mul3A_86, %add3A_114 : i32
      "tpu.region"() ({
        %run_scoped3A = tpu.sem_alloc : memref<!tpu.dma_semaphore, #tpu.memory_space<semaphore_mem>>
        %dma_start3A_163 = arith.constant 0 : i32
        %dma_start3A_164 = tpu.memref_slice %arg8[%add3A_115, %dma_start3A_163] : memref<80x125xi32, #tpu.memory_space<vmem>> -> memref<1x125xi32, #tpu.memory_space<vmem>>
        %dma_start3A_165 = tpu.memref_squeeze %dma_start3A_164 : memref<1x125xi32, #tpu.memory_space<vmem>> -> memref<125xi32, #tpu.memory_space<vmem>>
        %dma_start3A_166 = arith.constant 0 : i32
        %dma_start3A_167 = arith.constant 0 : i32
        %dma_start3A_168 = tpu.memref_slice %arg13[%dma_start3A_166, %dma_start3A_167] : memref<10000x128xbf16, #tpu.memory_space<vmem_shared>> -> memref<10000x128xbf16, #tpu.memory_space<vmem_shared>>
        tpu.enqueue_indirect_dma source(%arg10 : memref<125x128xbf16, #tpu.memory_space<vmem>>) target(%dma_start3A_168 : memref<10000x128xbf16, #tpu.memory_space<vmem_shared>>) offsets(%dma_start3A_165 : memref<125xi32, #tpu.memory_space<vmem>>) semaphore(%run_scoped3A : memref<!tpu.dma_semaphore, #tpu.memory_space<semaphore_mem>>) {add = true}
        %dma_wait3A_169 = arith.constant 0 : i32
        %dma_wait3A_170 = tpu.memref_slice %arg8[%add3A_115, %dma_wait3A_169] : memref<80x125xi32, #tpu.memory_space<vmem>> -> memref<1x125xi32, #tpu.memory_space<vmem>>
        %dma_wait3A_171 = tpu.memref_squeeze %dma_wait3A_170 : memref<1x125xi32, #tpu.memory_space<vmem>> -> memref<125xi32, #tpu.memory_space<vmem>>
        %dma_wait3A_172 = arith.constant 0 : i32
        %dma_wait3A_173 = arith.constant 0 : i32
        %dma_wait3A_174 = tpu.memref_slice %arg13[%dma_wait3A_172, %dma_wait3A_173] : memref<10000x128xbf16, #tpu.memory_space<vmem_shared>> -> memref<10000x128xbf16, #tpu.memory_space<vmem_shared>>
        tpu.wait_indirect_dma semaphore(%run_scoped3A : memref<!tpu.dma_semaphore, #tpu.memory_space<semaphore_mem>>) src(%arg10 : memref<125x128xbf16, #tpu.memory_space<vmem>>) dst(%dma_wait3A_174 : memref<10000x128xbf16, #tpu.memory_space<vmem_shared>>)
        tpu.yield
      }) : () -> ()
      %add3A_116 = arith.constant 1 : i32
      %add3A_117 = arith.addi %mul3A_86, %add3A_116 : i32
      %add3A_118 = arith.constant 3 : i32
      %add3A_119 = arith.addi %add3A_117, %add3A_118 : i32
      %lt3A_120 = arith.constant 80 : i32
      %lt3A_121 = arith.cmpi slt, %add3A_119, %lt3A_120 : i32
      %convert_element_type3A_122 = arith.extui %lt3A_121 : i1 to i32
      %cond3A_123 = arith.constant 0 : i32
      %cond3A_124 = arith.cmpi ne, %convert_element_type3A_122, %cond3A_123 : i32
      scf.if %cond3A_124 {
        %dma_start3A_163 = arith.constant 0 : i32
        %dma_start3A_164 = tpu.memref_slice %arg7[%add3A_119, %dma_start3A_163] : memref<80x125xi32, #tpu.memory_space<vmem>> -> memref<1x125xi32, #tpu.memory_space<vmem>>
        %dma_start3A_165 = tpu.memref_squeeze %dma_start3A_164 : memref<1x125xi32, #tpu.memory_space<vmem>> -> memref<125xi32, #tpu.memory_space<vmem>>
        %dma_start3A_166 = arith.constant 0 : i32
        %dma_start3A_167 = arith.constant 0 : i32
        %dma_start3A_168 = tpu.memref_slice %arg2[%dma_start3A_166, %dma_start3A_167] : memref<10000x128xbf16, #tpu.memory_space<hbm>> -> memref<10000x128xbf16, #tpu.memory_space<hbm>>
        tpu.enqueue_indirect_dma source(%dma_start3A_168 : memref<10000x128xbf16, #tpu.memory_space<hbm>>) target(%arg9 : memref<125x128xbf16, #tpu.memory_space<vmem>>) offsets(%dma_start3A_165 : memref<125xi32, #tpu.memory_space<vmem>>) semaphore(%arg14 : memref<!tpu.dma_semaphore, #tpu.memory_space<semaphore_mem>>)
      } else {
      }
      %add3A_125 = arith.constant 2 : i32
      %add3A_126 = arith.addi %mul3A_86, %add3A_125 : i32
      %dma_wait3A_127 = arith.constant 0 : i32
      %dma_wait3A_128 = tpu.memref_slice %arg7[%add3A_126, %dma_wait3A_127] : memref<80x125xi32, #tpu.memory_space<vmem>> -> memref<1x125xi32, #tpu.memory_space<vmem>>
      %dma_wait3A_129 = tpu.memref_squeeze %dma_wait3A_128 : memref<1x125xi32, #tpu.memory_space<vmem>> -> memref<125xi32, #tpu.memory_space<vmem>>
      %dma_wait3A_130 = arith.constant 0 : i32
      %dma_wait3A_131 = arith.constant 0 : i32
      %dma_wait3A_132 = tpu.memref_slice %arg2[%dma_wait3A_130, %dma_wait3A_131] : memref<10000x128xbf16, #tpu.memory_space<hbm>> -> memref<10000x128xbf16, #tpu.memory_space<hbm>>
      tpu.wait_indirect_dma semaphore(%arg16 : memref<!tpu.dma_semaphore, #tpu.memory_space<semaphore_mem>>) src(%dma_wait3A_132 : memref<10000x128xbf16, #tpu.memory_space<hbm>>) dst(%arg11 : memref<125x128xbf16, #tpu.memory_space<vmem>>)
      %add3A_133 = arith.constant 2 : i32
      %add3A_134 = arith.addi %mul3A_86, %add3A_133 : i32
      "tpu.region"() ({
        %run_scoped3A = tpu.sem_alloc : memref<!tpu.dma_semaphore, #tpu.memory_space<semaphore_mem>>
        %dma_start3A_163 = arith.constant 0 : i32
        %dma_start3A_164 = tpu.memref_slice %arg8[%add3A_134, %dma_start3A_163] : memref<80x125xi32, #tpu.memory_space<vmem>> -> memref<1x125xi32, #tpu.memory_space<vmem>>
        %dma_start3A_165 = tpu.memref_squeeze %dma_start3A_164 : memref<1x125xi32, #tpu.memory_space<vmem>> -> memref<125xi32, #tpu.memory_space<vmem>>
        %dma_start3A_166 = arith.constant 0 : i32
        %dma_start3A_167 = arith.constant 0 : i32
        %dma_start3A_168 = tpu.memref_slice %arg13[%dma_start3A_166, %dma_start3A_167] : memref<10000x128xbf16, #tpu.memory_space<vmem_shared>> -> memref<10000x128xbf16, #tpu.memory_space<vmem_shared>>
        tpu.enqueue_indirect_dma source(%arg11 : memref<125x128xbf16, #tpu.memory_space<vmem>>) target(%dma_start3A_168 : memref<10000x128xbf16, #tpu.memory_space<vmem_shared>>) offsets(%dma_start3A_165 : memref<125xi32, #tpu.memory_space<vmem>>) semaphore(%run_scoped3A : memref<!tpu.dma_semaphore, #tpu.memory_space<semaphore_mem>>) {add = true}
        %dma_wait3A_169 = arith.constant 0 : i32
        %dma_wait3A_170 = tpu.memref_slice %arg8[%add3A_134, %dma_wait3A_169] : memref<80x125xi32, #tpu.memory_space<vmem>> -> memref<1x125xi32, #tpu.memory_space<vmem>>
        %dma_wait3A_171 = tpu.memref_squeeze %dma_wait3A_170 : memref<1x125xi32, #tpu.memory_space<vmem>> -> memref<125xi32, #tpu.memory_space<vmem>>
        %dma_wait3A_172 = arith.constant 0 : i32
        %dma_wait3A_173 = arith.constant 0 : i32
        %dma_wait3A_174 = tpu.memref_slice %arg13[%dma_wait3A_172, %dma_wait3A_173] : memref<10000x128xbf16, #tpu.memory_space<vmem_shared>> -> memref<10000x128xbf16, #tpu.memory_space<vmem_shared>>
        tpu.wait_indirect_dma semaphore(%run_scoped3A : memref<!tpu.dma_semaphore, #tpu.memory_space<semaphore_mem>>) src(%arg11 : memref<125x128xbf16, #tpu.memory_space<vmem>>) dst(%dma_wait3A_174 : memref<10000x128xbf16, #tpu.memory_space<vmem_shared>>)
        tpu.yield
      }) : () -> ()
      %add3A_135 = arith.constant 2 : i32
      %add3A_136 = arith.addi %mul3A_86, %add3A_135 : i32
      %add3A_137 = arith.constant 3 : i32
      %add3A_138 = arith.addi %add3A_136, %add3A_137 : i32
      %lt3A_139 = arith.constant 80 : i32
      %lt3A_140 = arith.cmpi slt, %add3A_138, %lt3A_139 : i32
      %convert_element_type3A_141 = arith.extui %lt3A_140 : i1 to i32
      %cond3A_142 = arith.constant 0 : i32
      %cond3A_143 = arith.cmpi ne, %convert_element_type3A_141, %cond3A_142 : i32
      scf.if %cond3A_143 {
        %dma_start3A_163 = arith.constant 0 : i32
        %dma_start3A_164 = tpu.memref_slice %arg7[%add3A_138, %dma_start3A_163] : memref<80x125xi32, #tpu.memory_space<vmem>> -> memref<1x125xi32, #tpu.memory_space<vmem>>
        %dma_start3A_165 = tpu.memref_squeeze %dma_start3A_164 : memref<1x125xi32, #tpu.memory_space<vmem>> -> memref<125xi32, #tpu.memory_space<vmem>>
        %dma_start3A_166 = arith.constant 0 : i32
        %dma_start3A_167 = arith.constant 0 : i32
        %dma_start3A_168 = tpu.memref_slice %arg2[%dma_start3A_166, %dma_start3A_167] : memref<10000x128xbf16, #tpu.memory_space<hbm>> -> memref<10000x128xbf16, #tpu.memory_space<hbm>>
        tpu.enqueue_indirect_dma source(%dma_start3A_168 : memref<10000x128xbf16, #tpu.memory_space<hbm>>) target(%arg10 : memref<125x128xbf16, #tpu.memory_space<vmem>>) offsets(%dma_start3A_165 : memref<125xi32, #tpu.memory_space<vmem>>) semaphore(%arg15 : memref<!tpu.dma_semaphore, #tpu.memory_space<semaphore_mem>>)
      } else {
      }
      %add3A_144 = arith.constant 3 : i32
      %add3A_145 = arith.addi %mul3A_86, %add3A_144 : i32
      %dma_wait3A_146 = arith.constant 0 : i32
      %dma_wait3A_147 = tpu.memref_slice %arg7[%add3A_145, %dma_wait3A_146] : memref<80x125xi32, #tpu.memory_space<vmem>> -> memref<1x125xi32, #tpu.memory_space<vmem>>
      %dma_wait3A_148 = tpu.memref_squeeze %dma_wait3A_147 : memref<1x125xi32, #tpu.memory_space<vmem>> -> memref<125xi32, #tpu.memory_space<vmem>>
      %dma_wait3A_149 = arith.constant 0 : i32
      %dma_wait3A_150 = arith.constant 0 : i32
      %dma_wait3A_151 = tpu.memref_slice %arg2[%dma_wait3A_149, %dma_wait3A_150] : memref<10000x128xbf16, #tpu.memory_space<hbm>> -> memref<10000x128xbf16, #tpu.memory_space<hbm>>
      tpu.wait_indirect_dma semaphore(%arg17 : memref<!tpu.dma_semaphore, #tpu.memory_space<semaphore_mem>>) src(%dma_wait3A_151 : memref<10000x128xbf16, #tpu.memory_space<hbm>>) dst(%arg12 : memref<125x128xbf16, #tpu.memory_space<vmem>>)
      %add3A_152 = arith.constant 3 : i32
      %add3A_153 = arith.addi %mul3A_86, %add3A_152 : i32
      "tpu.region"() ({
        %run_scoped3A = tpu.sem_alloc : memref<!tpu.dma_semaphore, #tpu.memory_space<semaphore_mem>>
        %dma_start3A_163 = arith.constant 0 : i32
        %dma_start3A_164 = tpu.memref_slice %arg8[%add3A_153, %dma_start3A_163] : memref<80x125xi32, #tpu.memory_space<vmem>> -> memref<1x125xi32, #tpu.memory_space<vmem>>
        %dma_start3A_165 = tpu.memref_squeeze %dma_start3A_164 : memref<1x125xi32, #tpu.memory_space<vmem>> -> memref<125xi32, #tpu.memory_space<vmem>>
        %dma_start3A_166 = arith.constant 0 : i32
        %dma_start3A_167 = arith.constant 0 : i32
        %dma_start3A_168 = tpu.memref_slice %arg13[%dma_start3A_166, %dma_start3A_167] : memref<10000x128xbf16, #tpu.memory_space<vmem_shared>> -> memref<10000x128xbf16, #tpu.memory_space<vmem_shared>>
        tpu.enqueue_indirect_dma source(%arg12 : memref<125x128xbf16, #tpu.memory_space<vmem>>) target(%dma_start3A_168 : memref<10000x128xbf16, #tpu.memory_space<vmem_shared>>) offsets(%dma_start3A_165 : memref<125xi32, #tpu.memory_space<vmem>>) semaphore(%run_scoped3A : memref<!tpu.dma_semaphore, #tpu.memory_space<semaphore_mem>>) {add = true}
        %dma_wait3A_169 = arith.constant 0 : i32
        %dma_wait3A_170 = tpu.memref_slice %arg8[%add3A_153, %dma_wait3A_169] : memref<80x125xi32, #tpu.memory_space<vmem>> -> memref<1x125xi32, #tpu.memory_space<vmem>>
        %dma_wait3A_171 = tpu.memref_squeeze %dma_wait3A_170 : memref<1x125xi32, #tpu.memory_space<vmem>> -> memref<125xi32, #tpu.memory_space<vmem>>
        %dma_wait3A_172 = arith.constant 0 : i32
        %dma_wait3A_173 = arith.constant 0 : i32
        %dma_wait3A_174 = tpu.memref_slice %arg13[%dma_wait3A_172, %dma_wait3A_173] : memref<10000x128xbf16, #tpu.memory_space<vmem_shared>> -> memref<10000x128xbf16, #tpu.memory_space<vmem_shared>>
        tpu.wait_indirect_dma semaphore(%run_scoped3A : memref<!tpu.dma_semaphore, #tpu.memory_space<semaphore_mem>>) src(%arg12 : memref<125x128xbf16, #tpu.memory_space<vmem>>) dst(%dma_wait3A_174 : memref<10000x128xbf16, #tpu.memory_space<vmem_shared>>)
        tpu.yield
      }) : () -> ()
      %add3A_154 = arith.constant 3 : i32
      %add3A_155 = arith.addi %mul3A_86, %add3A_154 : i32
      %add3A_156 = arith.constant 3 : i32
      %add3A_157 = arith.addi %add3A_155, %add3A_156 : i32
      %lt3A_158 = arith.constant 80 : i32
      %lt3A_159 = arith.cmpi slt, %add3A_157, %lt3A_158 : i32
      %convert_element_type3A_160 = arith.extui %lt3A_159 : i1 to i32
      %cond3A_161 = arith.constant 0 : i32
      %cond3A_162 = arith.cmpi ne, %convert_element_type3A_160, %cond3A_161 : i32
      scf.if %cond3A_162 {
        %dma_start3A_163 = arith.constant 0 : i32
        %dma_start3A_164 = tpu.memref_slice %arg7[%add3A_157, %dma_start3A_163] : memref<80x125xi32, #tpu.memory_space<vmem>> -> memref<1x125xi32, #tpu.memory_space<vmem>>
        %dma_start3A_165 = tpu.memref_squeeze %dma_start3A_164 : memref<1x125xi32, #tpu.memory_space<vmem>> -> memref<125xi32, #tpu.memory_space<vmem>>
        %dma_start3A_166 = arith.constant 0 : i32
        %dma_start3A_167 = arith.constant 0 : i32
        %dma_start3A_168 = tpu.memref_slice %arg2[%dma_start3A_166, %dma_start3A_167] : memref<10000x128xbf16, #tpu.memory_space<hbm>> -> memref<10000x128xbf16, #tpu.memory_space<hbm>>
        tpu.enqueue_indirect_dma source(%dma_start3A_168 : memref<10000x128xbf16, #tpu.memory_space<hbm>>) target(%arg11 : memref<125x128xbf16, #tpu.memory_space<vmem>>) offsets(%dma_start3A_165 : memref<125xi32, #tpu.memory_space<vmem>>) semaphore(%arg16 : memref<!tpu.dma_semaphore, #tpu.memory_space<semaphore_mem>>)
      } else {
      }
    }
    %scan3A_76 = arith.constant 20 : i32
    %barrier3A_77 = arith.constant 0 : index
    tpu.barrier barrier_id(%barrier3A_77)
    %lt3A = arith.constant 15 : i32
    %lt3A_78 = arith.cmpi slt, %arg1, %lt3A : i32
    %convert_element_type3A = arith.extui %lt3A_78 : i1 to i32
    %cond3A = arith.constant 0 : i32
    %cond3A_79 = arith.cmpi ne, %convert_element_type3A, %cond3A : i32
    scf.if %cond3A_79 {
      %mul3A_84 = arith.constant 624 : i32
      %mul3A_85 = arith.muli %arg1, %mul3A_84 : i32
      %mul3A_86 = arith.constant 624 : i32
      %mul3A_87 = arith.muli %arg1, %mul3A_86 : i32
      "tpu.region"() ({
        %run_scoped3A = tpu.sem_alloc : memref<!tpu.dma_semaphore, #tpu.memory_space<semaphore_mem>>
        %dma_start3A_88 = arith.constant 0 : i32
        %dma_start3A_89 = tpu.memref_slice %arg6[%arg0, %mul3A_87, %dma_start3A_88] : memref<2x10000x128xbf16, #tpu.memory_space<hbm>> -> memref<1x624x128xbf16, #tpu.memory_space<hbm>>
        %dma_start3A_90 = tpu.memref_squeeze %dma_start3A_89 : memref<1x624x128xbf16, #tpu.memory_space<hbm>> -> memref<624x128xbf16, #tpu.memory_space<hbm>>
        %dma_start3A_91 = arith.constant 0 : i32
        %dma_start3A_92 = tpu.memref_slice %arg13[%mul3A_85, %dma_start3A_91] : memref<10000x128xbf16, #tpu.memory_space<vmem_shared>> -> memref<624x128xbf16, #tpu.memory_space<vmem_shared>>
        tpu.enqueue_dma source(%dma_start3A_92 : memref<624x128xbf16, #tpu.memory_space<vmem_shared>>) target(%dma_start3A_90 : memref<624x128xbf16, #tpu.memory_space<hbm>>) target_semaphore(%run_scoped3A : memref<!tpu.dma_semaphore, #tpu.memory_space<semaphore_mem>>)
        %dma_wait3A_93 = arith.constant 0 : i32
        %dma_wait3A_94 = tpu.memref_slice %arg6[%arg0, %mul3A_87, %dma_wait3A_93] : memref<2x10000x128xbf16, #tpu.memory_space<hbm>> -> memref<1x624x128xbf16, #tpu.memory_space<hbm>>
        %dma_wait3A_95 = tpu.memref_squeeze %dma_wait3A_94 : memref<1x624x128xbf16, #tpu.memory_space<hbm>> -> memref<624x128xbf16, #tpu.memory_space<hbm>>
        %dma_wait3A_96 = arith.constant 0 : i32
        %dma_wait3A_97 = tpu.memref_slice %arg13[%mul3A_85, %dma_wait3A_96] : memref<10000x128xbf16, #tpu.memory_space<vmem_shared>> -> memref<624x128xbf16, #tpu.memory_space<vmem_shared>>
        tpu.wait_dma2 semaphore(%run_scoped3A : memref<!tpu.dma_semaphore, #tpu.memory_space<semaphore_mem>>) src(%dma_wait3A_97 : memref<624x128xbf16, #tpu.memory_space<vmem_shared>>) dst(%dma_wait3A_95 : memref<624x128xbf16, #tpu.memory_space<hbm>>)
        tpu.yield
      }) : () -> ()
    } else {
    }
    %eq3A = arith.constant 15 : i32
    %eq3A_80 = arith.cmpi eq, %arg1, %eq3A : i32
    %convert_element_type3A_81 = arith.extui %eq3A_80 : i1 to i32
    %cond3A_82 = arith.constant 0 : i32
    %cond3A_83 = arith.cmpi ne, %convert_element_type3A_81, %cond3A_82 : i32
    scf.if %cond3A_83 {
      "tpu.region"() ({
        %run_scoped3A = tpu.sem_alloc : memref<!tpu.dma_semaphore, #tpu.memory_space<semaphore_mem>>
        %dma_start3A_84 = arith.constant 9360 : i32
        %dma_start3A_85 = arith.constant 0 : i32
        %dma_start3A_86 = tpu.memref_slice %arg6[%arg0, %dma_start3A_84, %dma_start3A_85] : memref<2x10000x128xbf16, #tpu.memory_space<hbm>> -> memref<1x640x128xbf16, #tpu.memory_space<hbm>>
        %dma_start3A_87 = tpu.memref_squeeze %dma_start3A_86 : memref<1x640x128xbf16, #tpu.memory_space<hbm>> -> memref<640x128xbf16, #tpu.memory_space<hbm>>
        %dma_start3A_88 = arith.constant 9360 : i32
        %dma_start3A_89 = arith.constant 0 : i32
        %dma_start3A_90 = tpu.memref_slice %arg13[%dma_start3A_88, %dma_start3A_89] : memref<10000x128xbf16, #tpu.memory_space<vmem_shared>> -> memref<640x128xbf16, #tpu.memory_space<vmem_shared>>
        tpu.enqueue_dma source(%dma_start3A_90 : memref<640x128xbf16, #tpu.memory_space<vmem_shared>>) target(%dma_start3A_87 : memref<640x128xbf16, #tpu.memory_space<hbm>>) target_semaphore(%run_scoped3A : memref<!tpu.dma_semaphore, #tpu.memory_space<semaphore_mem>>)
        %dma_wait3A_91 = arith.constant 9360 : i32
        %dma_wait3A_92 = arith.constant 0 : i32
        %dma_wait3A_93 = tpu.memref_slice %arg6[%arg0, %dma_wait3A_91, %dma_wait3A_92] : memref<2x10000x128xbf16, #tpu.memory_space<hbm>> -> memref<1x640x128xbf16, #tpu.memory_space<hbm>>
        %dma_wait3A_94 = tpu.memref_squeeze %dma_wait3A_93 : memref<1x640x128xbf16, #tpu.memory_space<hbm>> -> memref<640x128xbf16, #tpu.memory_space<hbm>>
        %dma_wait3A_95 = arith.constant 9360 : i32
        %dma_wait3A_96 = arith.constant 0 : i32
        %dma_wait3A_97 = tpu.memref_slice %arg13[%dma_wait3A_95, %dma_wait3A_96] : memref<10000x128xbf16, #tpu.memory_space<vmem_shared>> -> memref<640x128xbf16, #tpu.memory_space<vmem_shared>>
        tpu.wait_dma2 semaphore(%run_scoped3A : memref<!tpu.dma_semaphore, #tpu.memory_space<semaphore_mem>>) src(%dma_wait3A_97 : memref<640x128xbf16, #tpu.memory_space<vmem_shared>>) dst(%dma_wait3A_94 : memref<640x128xbf16, #tpu.memory_space<hbm>>)
        tpu.yield
      }) : () -> ()
    } else {
    }
    return
  }
}

#map = affine_map<(d0, d1) -> (0, 0, 0)>
#map1 = affine_map<(d0, d1) -> (0)>
#map2 = affine_map<(d0, d1) -> (0, 0)>
module attributes {stable_mosaic.version = 14 : i64} {
  func.func @body(%arg0: i32, %arg1: i32, %arg2: memref<32x80x125xi32, #tpu.memory_space<hbm>>, %arg3: memref<10000xf32, #tpu.memory_space<hbm>>, %arg4: memref<2x10000xf32, #tpu.memory_space<hbm>>, %arg5: memref<80x125xi32, #tpu.memory_space<vmem>>, %arg6: memref<128xf32, #tpu.memory_space<vmem>>, %arg7: memref<10000xf32, #tpu.memory_space<vmem_shared>>, %arg8: memref<!tpu.dma_semaphore, #tpu.memory_space<semaphore_mem>>) attributes {dimension_semantics = [#tpu.dimension_semantics<core_parallel>, #tpu.dimension_semantics<subcore_parallel>], iteration_bounds = array<i64: 2, 16>, scalar_prefetch = 0 : i64, scratch_operands = 4 : i64, tpu.core_type = #tpu.core_type<sc_vector_subcore>, window_params = [{transform_indices = #map}, {transform_indices = #map1}, {transform_indices = #map2}]} {
    %mul3A = arith.constant 2 : i32
    %mul3A_0 = arith.muli %arg1, %mul3A : i32
    %add3A = arith.addi %mul3A_0, %arg0 : i32
    %broadcast_in_dim3A = arith.constant 1.000000e+00 : f32
    %broadcast_in_dim3A_1 = vector.broadcast %broadcast_in_dim3A : f32 to vector<16xf32>
    %swap3A = arith.constant 0 : index
    %swap3A_2 = tpu.vector_load %arg6[%swap3A] {strides = array<i32>} : memref<128xf32, #tpu.memory_space<vmem>>, vector<16xf32>,
    %swap3A_3 = vector.shape_cast %swap3A_2 : vector<16xf32> to vector<16xf32>
    %swap3A_4 = vector.shape_cast %broadcast_in_dim3A_1 : vector<16xf32> to vector<16xf32>
    tpu.vector_store %arg6[%swap3A], %swap3A_4 {strides = array<i32>} : memref<128xf32, #tpu.memory_space<vmem>>, vector<16xf32>,
    %swap3A_5 = arith.constant 16 : index
    %swap3A_6 = tpu.vector_load %arg6[%swap3A_5] {strides = array<i32>} : memref<128xf32, #tpu.memory_space<vmem>>, vector<16xf32>,
    %swap3A_7 = vector.shape_cast %swap3A_6 : vector<16xf32> to vector<16xf32>
    %swap3A_8 = vector.shape_cast %broadcast_in_dim3A_1 : vector<16xf32> to vector<16xf32>
    tpu.vector_store %arg6[%swap3A_5], %swap3A_8 {strides = array<i32>} : memref<128xf32, #tpu.memory_space<vmem>>, vector<16xf32>,
    %swap3A_9 = arith.constant 32 : index
    %swap3A_10 = tpu.vector_load %arg6[%swap3A_9] {strides = array<i32>} : memref<128xf32, #tpu.memory_space<vmem>>, vector<16xf32>,
    %swap3A_11 = vector.shape_cast %swap3A_10 : vector<16xf32> to vector<16xf32>
    %swap3A_12 = vector.shape_cast %broadcast_in_dim3A_1 : vector<16xf32> to vector<16xf32>
    tpu.vector_store %arg6[%swap3A_9], %swap3A_12 {strides = array<i32>} : memref<128xf32, #tpu.memory_space<vmem>>, vector<16xf32>,
    %swap3A_13 = arith.constant 48 : index
    %swap3A_14 = tpu.vector_load %arg6[%swap3A_13] {strides = array<i32>} : memref<128xf32, #tpu.memory_space<vmem>>, vector<16xf32>,
    %swap3A_15 = vector.shape_cast %swap3A_14 : vector<16xf32> to vector<16xf32>
    %swap3A_16 = vector.shape_cast %broadcast_in_dim3A_1 : vector<16xf32> to vector<16xf32>
    tpu.vector_store %arg6[%swap3A_13], %swap3A_16 {strides = array<i32>} : memref<128xf32, #tpu.memory_space<vmem>>, vector<16xf32>,
    %swap3A_17 = arith.constant 64 : index
    %swap3A_18 = tpu.vector_load %arg6[%swap3A_17] {strides = array<i32>} : memref<128xf32, #tpu.memory_space<vmem>>, vector<16xf32>,
    %swap3A_19 = vector.shape_cast %swap3A_18 : vector<16xf32> to vector<16xf32>
    %swap3A_20 = vector.shape_cast %broadcast_in_dim3A_1 : vector<16xf32> to vector<16xf32>
    tpu.vector_store %arg6[%swap3A_17], %swap3A_20 {strides = array<i32>} : memref<128xf32, #tpu.memory_space<vmem>>, vector<16xf32>,
    %swap3A_21 = arith.constant 80 : index
    %swap3A_22 = tpu.vector_load %arg6[%swap3A_21] {strides = array<i32>} : memref<128xf32, #tpu.memory_space<vmem>>, vector<16xf32>,
    %swap3A_23 = vector.shape_cast %swap3A_22 : vector<16xf32> to vector<16xf32>
    %swap3A_24 = vector.shape_cast %broadcast_in_dim3A_1 : vector<16xf32> to vector<16xf32>
    tpu.vector_store %arg6[%swap3A_21], %swap3A_24 {strides = array<i32>} : memref<128xf32, #tpu.memory_space<vmem>>, vector<16xf32>,
    %swap3A_25 = arith.constant 96 : index
    %swap3A_26 = tpu.vector_load %arg6[%swap3A_25] {strides = array<i32>} : memref<128xf32, #tpu.memory_space<vmem>>, vector<16xf32>,
    %swap3A_27 = vector.shape_cast %swap3A_26 : vector<16xf32> to vector<16xf32>
    %swap3A_28 = vector.shape_cast %broadcast_in_dim3A_1 : vector<16xf32> to vector<16xf32>
    tpu.vector_store %arg6[%swap3A_25], %swap3A_28 {strides = array<i32>} : memref<128xf32, #tpu.memory_space<vmem>>, vector<16xf32>,
    %swap3A_29 = arith.constant 112 : index
    %swap3A_30 = tpu.vector_load %arg6[%swap3A_29] {strides = array<i32>} : memref<128xf32, #tpu.memory_space<vmem>>, vector<16xf32>,
    %swap3A_31 = vector.shape_cast %swap3A_30 : vector<16xf32> to vector<16xf32>
    %swap3A_32 = vector.shape_cast %broadcast_in_dim3A_1 : vector<16xf32> to vector<16xf32>
    tpu.vector_store %arg6[%swap3A_29], %swap3A_32 {strides = array<i32>} : memref<128xf32, #tpu.memory_space<vmem>>, vector<16xf32>,
    %eq3A = arith.constant 0 : i32
    %eq3A_33 = arith.cmpi eq, %arg1, %eq3A : i32
    %convert_element_type3A = arith.extui %eq3A_33 : i1 to i32
    %cond3A = arith.constant 0 : i32
    %cond3A_34 = arith.cmpi ne, %convert_element_type3A, %cond3A : i32
    scf.if %cond3A_34 {
      "tpu.region"() ({
        %run_scoped3A = tpu.sem_alloc : memref<!tpu.dma_semaphore, #tpu.memory_space<semaphore_mem>>
        tpu.enqueue_dma source(%arg3 : memref<10000xf32, #tpu.memory_space<hbm>>) target(%arg7 : memref<10000xf32, #tpu.memory_space<vmem_shared>>) target_semaphore(%run_scoped3A : memref<!tpu.dma_semaphore, #tpu.memory_space<semaphore_mem>>)
        tpu.wait_dma2 semaphore(%run_scoped3A : memref<!tpu.dma_semaphore, #tpu.memory_space<semaphore_mem>>) src(%arg3 : memref<10000xf32, #tpu.memory_space<hbm>>) dst(%arg7 : memref<10000xf32, #tpu.memory_space<vmem_shared>>)
        tpu.yield
      }) : () -> ()
    } else {
    }
    %dma_start3A = arith.constant 0 : i32
    %dma_start3A_35 = arith.constant 0 : i32
    %dma_start3A_36 = tpu.memref_slice %arg2[%add3A, %dma_start3A, %dma_start3A_35] : memref<32x80x125xi32, #tpu.memory_space<hbm>> -> memref<1x80x125xi32, #tpu.memory_space<hbm>>
    %dma_start3A_37 = tpu.memref_squeeze %dma_start3A_36 : memref<1x80x125xi32, #tpu.memory_space<hbm>> -> memref<80x125xi32, #tpu.memory_space<hbm>>
    %dma_start3A_38 = arith.constant 0 : i32
    %dma_start3A_39 = arith.constant 0 : i32
    %dma_start3A_40 = tpu.memref_slice %arg2[%add3A, %dma_start3A_38, %dma_start3A_39] : memref<32x80x125xi32, #tpu.memory_space<hbm>> -> memref<1x80x125xi32, #tpu.memory_space<hbm>>
    %dma_start3A_41 = tpu.memref_squeeze %dma_start3A_40 : memref<1x80x125xi32, #tpu.memory_space<hbm>> -> memref<80x125xi32, #tpu.memory_space<hbm>>
    tpu.enqueue_dma source(%dma_start3A_41 : memref<80x125xi32, #tpu.memory_space<hbm>>) target(%arg5 : memref<80x125xi32, #tpu.memory_space<vmem>>) target_semaphore(%arg8 : memref<!tpu.dma_semaphore, #tpu.memory_space<semaphore_mem>>)
    %dma_wait3A = arith.constant 0 : i32
    %dma_wait3A_42 = arith.constant 0 : i32
    %dma_wait3A_43 = tpu.memref_slice %arg2[%add3A, %dma_wait3A, %dma_wait3A_42] : memref<32x80x125xi32, #tpu.memory_space<hbm>> -> memref<1x80x125xi32, #tpu.memory_space<hbm>>
    %dma_wait3A_44 = tpu.memref_squeeze %dma_wait3A_43 : memref<1x80x125xi32, #tpu.memory_space<hbm>> -> memref<80x125xi32, #tpu.memory_space<hbm>>
    %dma_wait3A_45 = arith.constant 0 : i32
    %dma_wait3A_46 = arith.constant 0 : i32
    %dma_wait3A_47 = tpu.memref_slice %arg2[%add3A, %dma_wait3A_45, %dma_wait3A_46] : memref<32x80x125xi32, #tpu.memory_space<hbm>> -> memref<1x80x125xi32, #tpu.memory_space<hbm>>
    %dma_wait3A_48 = tpu.memref_squeeze %dma_wait3A_47 : memref<1x80x125xi32, #tpu.memory_space<hbm>> -> memref<80x125xi32, #tpu.memory_space<hbm>>
    tpu.wait_dma2 semaphore(%arg8 : memref<!tpu.dma_semaphore, #tpu.memory_space<semaphore_mem>>) src(%dma_wait3A_48 : memref<80x125xi32, #tpu.memory_space<hbm>>) dst(%arg5 : memref<80x125xi32, #tpu.memory_space<vmem>>)
    %barrier3A = arith.constant 0 : index
    tpu.barrier barrier_id(%barrier3A)
    %scan3A = arith.constant 0 : i32
    %scan3A_49 = arith.constant 0 : i32
    %scan3A_50 = arith.constant 80 : i32
    %scan3A_51 = arith.addi %scan3A_49, %scan3A_50 : i32
    %scan3A_52 = arith.constant 1 : i32
    scf.for %scan3A_60 = %scan3A_49 to %scan3A_51 step %scan3A_52  : i32 {
      "tpu.region"() ({
        %run_scoped3A = tpu.sem_alloc : memref<!tpu.dma_semaphore, #tpu.memory_space<semaphore_mem>>
        %dma_start3A_61 = arith.constant 0 : i32
        %dma_start3A_62 = tpu.memref_slice %arg6[%dma_start3A_61] : memref<128xf32, #tpu.memory_space<vmem>> -> memref<125xf32, #tpu.memory_space<vmem>>
        %dma_start3A_63 = arith.constant 0 : i32
        %dma_start3A_64 = tpu.memref_slice %arg5[%scan3A_60, %dma_start3A_63] : memref<80x125xi32, #tpu.memory_space<vmem>> -> memref<1x125xi32, #tpu.memory_space<vmem>>
        %dma_start3A_65 = tpu.memref_squeeze %dma_start3A_64 : memref<1x125xi32, #tpu.memory_space<vmem>> -> memref<125xi32, #tpu.memory_space<vmem>>
        %dma_start3A_66 = arith.constant 0 : i32
        %dma_start3A_67 = tpu.memref_slice %arg7[%dma_start3A_66] : memref<10000xf32, #tpu.memory_space<vmem_shared>> -> memref<10000xf32, #tpu.memory_space<vmem_shared>>
        tpu.enqueue_indirect_dma source(%dma_start3A_62 : memref<125xf32, #tpu.memory_space<vmem>>) target(%dma_start3A_67 : memref<10000xf32, #tpu.memory_space<vmem_shared>>) offsets(%dma_start3A_65 : memref<125xi32, #tpu.memory_space<vmem>>) semaphore(%run_scoped3A : memref<!tpu.dma_semaphore, #tpu.memory_space<semaphore_mem>>) {add = true}
        %dma_wait3A_68 = arith.constant 0 : i32
        %dma_wait3A_69 = tpu.memref_slice %arg6[%dma_wait3A_68] : memref<128xf32, #tpu.memory_space<vmem>> -> memref<125xf32, #tpu.memory_space<vmem>>
        %dma_wait3A_70 = arith.constant 0 : i32
        %dma_wait3A_71 = tpu.memref_slice %arg5[%scan3A_60, %dma_wait3A_70] : memref<80x125xi32, #tpu.memory_space<vmem>> -> memref<1x125xi32, #tpu.memory_space<vmem>>
        %dma_wait3A_72 = tpu.memref_squeeze %dma_wait3A_71 : memref<1x125xi32, #tpu.memory_space<vmem>> -> memref<125xi32, #tpu.memory_space<vmem>>
        %dma_wait3A_73 = arith.constant 0 : i32
        %dma_wait3A_74 = tpu.memref_slice %arg7[%dma_wait3A_73] : memref<10000xf32, #tpu.memory_space<vmem_shared>> -> memref<10000xf32, #tpu.memory_space<vmem_shared>>
        tpu.wait_indirect_dma semaphore(%run_scoped3A : memref<!tpu.dma_semaphore, #tpu.memory_space<semaphore_mem>>) src(%dma_wait3A_69 : memref<125xf32, #tpu.memory_space<vmem>>) dst(%dma_wait3A_74 : memref<10000xf32, #tpu.memory_space<vmem_shared>>)
        tpu.yield
      }) : () -> ()
    }
    %scan3A_53 = arith.constant 80 : i32
    %barrier3A_54 = arith.constant 0 : index
    tpu.barrier barrier_id(%barrier3A_54)
    %eq3A_55 = arith.constant 0 : i32
    %eq3A_56 = arith.cmpi eq, %arg1, %eq3A_55 : i32
    %convert_element_type3A_57 = arith.extui %eq3A_56 : i1 to i32
    %cond3A_58 = arith.constant 0 : i32
    %cond3A_59 = arith.cmpi ne, %convert_element_type3A_57, %cond3A_58 : i32
    scf.if %cond3A_59 {
      "tpu.region"() ({
        %run_scoped3A = tpu.sem_alloc : memref<!tpu.dma_semaphore, #tpu.memory_space<semaphore_mem>>
        %dma_start3A_60 = arith.constant 0 : i32
        %dma_start3A_61 = tpu.memref_slice %arg4[%arg0, %dma_start3A_60] : memref<2x10000xf32, #tpu.memory_space<hbm>> -> memref<1x10000xf32, #tpu.memory_space<hbm>>
        %dma_start3A_62 = tpu.memref_squeeze %dma_start3A_61 : memref<1x10000xf32, #tpu.memory_space<hbm>> -> memref<10000xf32, #tpu.memory_space<hbm>>
        tpu.enqueue_dma source(%arg7 : memref<10000xf32, #tpu.memory_space<vmem_shared>>) target(%dma_start3A_62 : memref<10000xf32, #tpu.memory_space<hbm>>) target_semaphore(%run_scoped3A : memref<!tpu.dma_semaphore, #tpu.memory_space<semaphore_mem>>)
        %dma_wait3A_63 = arith.constant 0 : i32
        %dma_wait3A_64 = tpu.memref_slice %arg4[%arg0, %dma_wait3A_63] : memref<2x10000xf32, #tpu.memory_space<hbm>> -> memref<1x10000xf32, #tpu.memory_space<hbm>>
        %dma_wait3A_65 = tpu.memref_squeeze %dma_wait3A_64 : memref<1x10000xf32, #tpu.memory_space<hbm>> -> memref<10000xf32, #tpu.memory_space<hbm>>
        tpu.wait_dma2 semaphore(%run_scoped3A : memref<!tpu.dma_semaphore, #tpu.memory_space<semaphore_mem>>) src(%arg7 : memref<10000xf32, #tpu.memory_space<vmem_shared>>) dst(%dma_wait3A_65 : memref<10000xf32, #tpu.memory_space<hbm>>)
        tpu.yield
      }) : () -> ()
    } else {
    }
    return
  }
}

#map = affine_map<(d0, d1) -> (0, 0)>
#map1 = affine_map<(d0, d1) -> (0, 0, 0)>
module attributes {stable_mosaic.version = 14 : i64} {
  func.func @body(%arg0: i32, %arg1: i32, %arg2: memref<10000x128xbf16, #tpu.memory_space<hbm>>, %arg3: memref<32x80x125xi32, #tpu.memory_space<hbm>>, %arg4: memref<32x80x125xi32, #tpu.memory_space<hbm>>, %arg5: memref<125x128xbf16, #tpu.memory_space<hbm>>, %arg6: memref<2x10000x128xbf16, #tpu.memory_space<hbm>>, %arg7: memref<80x125xi32, #tpu.memory_space<vmem>>, %arg8: memref<80x125xi32, #tpu.memory_space<vmem>>, %arg9: memref<125x128xbf16, #tpu.memory_space<vmem>>, %arg10: memref<125x128xbf16, #tpu.memory_space<vmem>>, %arg11: memref<125x128xbf16, #tpu.memory_space<vmem>>, %arg12: memref<125x128xbf16, #tpu.memory_space<vmem>>, %arg13: memref<10000x128xbf16, #tpu.memory_space<vmem_shared>>, %arg14: memref<!tpu.dma_semaphore, #tpu.memory_space<semaphore_mem>>, %arg15: memref<!tpu.dma_semaphore, #tpu.memory_space<semaphore_mem>>, %arg16: memref<!tpu.dma_semaphore, #tpu.memory_space<semaphore_mem>>, %arg17: memref<!tpu.dma_semaphore, #tpu.memory_space<semaphore_mem>>) attributes {dimension_semantics = [#tpu.dimension_semantics<core_parallel>, #tpu.dimension_semantics<subcore_parallel>], iteration_bounds = array<i64: 2, 16>, scalar_prefetch = 0 : i64, scratch_operands = 11 : i64, tpu.core_type = #tpu.core_type<sc_vector_subcore>, window_params = [{transform_indices = #map}, {transform_indices = #map1}, {transform_indices = #map1}, {transform_indices = #map}, {transform_indices = #map1}]} {
    %mul3A = arith.constant 2 : i32
    %mul3A_0 = arith.muli %arg1, %mul3A : i32
    %add3A = arith.addi %mul3A_0, %arg0 : i32
    tpu.enqueue_dma source(%arg5 : memref<125x128xbf16, #tpu.memory_space<hbm>>) target(%arg9 : memref<125x128xbf16, #tpu.memory_space<vmem>>) target_semaphore(%arg14 : memref<!tpu.dma_semaphore, #tpu.memory_space<semaphore_mem>>)
    tpu.wait_dma2 semaphore(%arg14 : memref<!tpu.dma_semaphore, #tpu.memory_space<semaphore_mem>>) src(%arg5 : memref<125x128xbf16, #tpu.memory_space<hbm>>) dst(%arg9 : memref<125x128xbf16, #tpu.memory_space<vmem>>)
    %mul3A_1 = arith.constant 625 : i32
    %mul3A_2 = arith.muli %arg1, %mul3A_1 : i32
    %add3A_3 = arith.constant 0 : i32
    %add3A_4 = arith.addi %mul3A_2, %add3A_3 : i32
    "tpu.region"() ({
      %run_scoped3A = tpu.sem_alloc : memref<!tpu.dma_semaphore, #tpu.memory_space<semaphore_mem>>
      %dma_start3A_84 = arith.constant 0 : i32
      %dma_start3A_85 = arith.constant 0 : i32
      %dma_start3A_86 = tpu.memref_slice %arg9[%dma_start3A_84, %dma_start3A_85] : memref<125x128xbf16, #tpu.memory_space<vmem>> -> memref<125x128xbf16, #tpu.memory_space<vmem>>
      %dma_start3A_87 = arith.constant 0 : i32
      %dma_start3A_88 = tpu.memref_slice %arg13[%add3A_4, %dma_start3A_87] : memref<10000x128xbf16, #tpu.memory_space<vmem_shared>> -> memref<125x128xbf16, #tpu.memory_space<vmem_shared>>
      %dma_start3A_89 = arith.constant 0 : i32
      %dma_start3A_90 = tpu.memref_slice %arg13[%add3A_4, %dma_start3A_89] : memref<10000x128xbf16, #tpu.memory_space<vmem_shared>> -> memref<125x128xbf16, #tpu.memory_space<vmem_shared>>
      %dma_start3A_91 = arith.constant 0 : i32
      %dma_start3A_92 = arith.constant 0 : i32
      %dma_start3A_93 = tpu.memref_slice %arg9[%dma_start3A_91, %dma_start3A_92] : memref<125x128xbf16, #tpu.memory_space<vmem>> -> memref<125x128xbf16, #tpu.memory_space<vmem>>
      tpu.enqueue_dma source(%dma_start3A_93 : memref<125x128xbf16, #tpu.memory_space<vmem>>) target(%dma_start3A_90 : memref<125x128xbf16, #tpu.memory_space<vmem_shared>>) target_semaphore(%run_scoped3A : memref<!tpu.dma_semaphore, #tpu.memory_space<semaphore_mem>>)
      %dma_wait3A_94 = arith.constant 0 : i32
      %dma_wait3A_95 = arith.constant 0 : i32
      %dma_wait3A_96 = tpu.memref_slice %arg9[%dma_wait3A_94, %dma_wait3A_95] : memref<125x128xbf16, #tpu.memory_space<vmem>> -> memref<125x128xbf16, #tpu.memory_space<vmem>>
      %dma_wait3A_97 = arith.constant 0 : i32
      %dma_wait3A_98 = tpu.memref_slice %arg13[%add3A_4, %dma_wait3A_97] : memref<10000x128xbf16, #tpu.memory_space<vmem_shared>> -> memref<125x128xbf16, #tpu.memory_space<vmem_shared>>
      %dma_wait3A_99 = arith.constant 0 : i32
      %dma_wait3A_100 = tpu.memref_slice %arg13[%add3A_4, %dma_wait3A_99] : memref<10000x128xbf16, #tpu.memory_space<vmem_shared>> -> memref<125x128xbf16, #tpu.memory_space<vmem_shared>>
      %dma_wait3A_101 = arith.constant 0 : i32
      %dma_wait3A_102 = arith.constant 0 : i32
      %dma_wait3A_103 = tpu.memref_slice %arg9[%dma_wait3A_101, %dma_wait3A_102] : memref<125x128xbf16, #tpu.memory_space<vmem>> -> memref<125x128xbf16, #tpu.memory_space<vmem>>
      tpu.wait_dma2 semaphore(%run_scoped3A : memref<!tpu.dma_semaphore, #tpu.memory_space<semaphore_mem>>) src(%dma_wait3A_103 : memref<125x128xbf16, #tpu.memory_space<vmem>>) dst(%dma_wait3A_100 : memref<125x128xbf16, #tpu.memory_space<vmem_shared>>)
      tpu.yield
    }) : () -> ()
    %mul3A_5 = arith.constant 625 : i32
    %mul3A_6 = arith.muli %arg1, %mul3A_5 : i32
    %add3A_7 = arith.constant 125 : i32
    %add3A_8 = arith.addi %mul3A_6, %add3A_7 : i32
    "tpu.region"() ({
      %run_scoped3A = tpu.sem_alloc : memref<!tpu.dma_semaphore, #tpu.memory_space<semaphore_mem>>
      %dma_start3A_84 = arith.constant 0 : i32
      %dma_start3A_85 = arith.constant 0 : i32
      %dma_start3A_86 = tpu.memref_slice %arg9[%dma_start3A_84, %dma_start3A_85] : memref<125x128xbf16, #tpu.memory_space<vmem>> -> memref<125x128xbf16, #tpu.memory_space<vmem>>
      %dma_start3A_87 = arith.constant 0 : i32
      %dma_start3A_88 = tpu.memref_slice %arg13[%add3A_8, %dma_start3A_87] : memref<10000x128xbf16, #tpu.memory_space<vmem_shared>> -> memref<125x128xbf16, #tpu.memory_space<vmem_shared>>
      %dma_start3A_89 = arith.constant 0 : i32
      %dma_start3A_90 = tpu.memref_slice %arg13[%add3A_8, %dma_start3A_89] : memref<10000x128xbf16, #tpu.memory_space<vmem_shared>> -> memref<125x128xbf16, #tpu.memory_space<vmem_shared>>
      %dma_start3A_91 = arith.constant 0 : i32
      %dma_start3A_92 = arith.constant 0 : i32
      %dma_start3A_93 = tpu.memref_slice %arg9[%dma_start3A_91, %dma_start3A_92] : memref<125x128xbf16, #tpu.memory_space<vmem>> -> memref<125x128xbf16, #tpu.memory_space<vmem>>
      tpu.enqueue_dma source(%dma_start3A_93 : memref<125x128xbf16, #tpu.memory_space<vmem>>) target(%dma_start3A_90 : memref<125x128xbf16, #tpu.memory_space<vmem_shared>>) target_semaphore(%run_scoped3A : memref<!tpu.dma_semaphore, #tpu.memory_space<semaphore_mem>>)
      %dma_wait3A_94 = arith.constant 0 : i32
      %dma_wait3A_95 = arith.constant 0 : i32
      %dma_wait3A_96 = tpu.memref_slice %arg9[%dma_wait3A_94, %dma_wait3A_95] : memref<125x128xbf16, #tpu.memory_space<vmem>> -> memref<125x128xbf16, #tpu.memory_space<vmem>>
      %dma_wait3A_97 = arith.constant 0 : i32
      %dma_wait3A_98 = tpu.memref_slice %arg13[%add3A_8, %dma_wait3A_97] : memref<10000x128xbf16, #tpu.memory_space<vmem_shared>> -> memref<125x128xbf16, #tpu.memory_space<vmem_shared>>
      %dma_wait3A_99 = arith.constant 0 : i32
      %dma_wait3A_100 = tpu.memref_slice %arg13[%add3A_8, %dma_wait3A_99] : memref<10000x128xbf16, #tpu.memory_space<vmem_shared>> -> memref<125x128xbf16, #tpu.memory_space<vmem_shared>>
      %dma_wait3A_101 = arith.constant 0 : i32
      %dma_wait3A_102 = arith.constant 0 : i32
      %dma_wait3A_103 = tpu.memref_slice %arg9[%dma_wait3A_101, %dma_wait3A_102] : memref<125x128xbf16, #tpu.memory_space<vmem>> -> memref<125x128xbf16, #tpu.memory_space<vmem>>
      tpu.wait_dma2 semaphore(%run_scoped3A : memref<!tpu.dma_semaphore, #tpu.memory_space<semaphore_mem>>) src(%dma_wait3A_103 : memref<125x128xbf16, #tpu.memory_space<vmem>>) dst(%dma_wait3A_100 : memref<125x128xbf16, #tpu.memory_space<vmem_shared>>)
      tpu.yield
    }) : () -> ()
    %mul3A_9 = arith.constant 625 : i32
    %mul3A_10 = arith.muli %arg1, %mul3A_9 : i32
    %add3A_11 = arith.constant 250 : i32
    %add3A_12 = arith.addi %mul3A_10, %add3A_11 : i32
    "tpu.region"() ({
      %run_scoped3A = tpu.sem_alloc : memref<!tpu.dma_semaphore, #tpu.memory_space<semaphore_mem>>
      %dma_start3A_84 = arith.constant 0 : i32
      %dma_start3A_85 = arith.constant 0 : i32
      %dma_start3A_86 = tpu.memref_slice %arg9[%dma_start3A_84, %dma_start3A_85] : memref<125x128xbf16, #tpu.memory_space<vmem>> -> memref<125x128xbf16, #tpu.memory_space<vmem>>
      %dma_start3A_87 = arith.constant 0 : i32
      %dma_start3A_88 = tpu.memref_slice %arg13[%add3A_12, %dma_start3A_87] : memref<10000x128xbf16, #tpu.memory_space<vmem_shared>> -> memref<125x128xbf16, #tpu.memory_space<vmem_shared>>
      %dma_start3A_89 = arith.constant 0 : i32
      %dma_start3A_90 = tpu.memref_slice %arg13[%add3A_12, %dma_start3A_89] : memref<10000x128xbf16, #tpu.memory_space<vmem_shared>> -> memref<125x128xbf16, #tpu.memory_space<vmem_shared>>
      %dma_start3A_91 = arith.constant 0 : i32
      %dma_start3A_92 = arith.constant 0 : i32
      %dma_start3A_93 = tpu.memref_slice %arg9[%dma_start3A_91, %dma_start3A_92] : memref<125x128xbf16, #tpu.memory_space<vmem>> -> memref<125x128xbf16, #tpu.memory_space<vmem>>
      tpu.enqueue_dma source(%dma_start3A_93 : memref<125x128xbf16, #tpu.memory_space<vmem>>) target(%dma_start3A_90 : memref<125x128xbf16, #tpu.memory_space<vmem_shared>>) target_semaphore(%run_scoped3A : memref<!tpu.dma_semaphore, #tpu.memory_space<semaphore_mem>>)
      %dma_wait3A_94 = arith.constant 0 : i32
      %dma_wait3A_95 = arith.constant 0 : i32
      %dma_wait3A_96 = tpu.memref_slice %arg9[%dma_wait3A_94, %dma_wait3A_95] : memref<125x128xbf16, #tpu.memory_space<vmem>> -> memref<125x128xbf16, #tpu.memory_space<vmem>>
      %dma_wait3A_97 = arith.constant 0 : i32
      %dma_wait3A_98 = tpu.memref_slice %arg13[%add3A_12, %dma_wait3A_97] : memref<10000x128xbf16, #tpu.memory_space<vmem_shared>> -> memref<125x128xbf16, #tpu.memory_space<vmem_shared>>
      %dma_wait3A_99 = arith.constant 0 : i32
      %dma_wait3A_100 = tpu.memref_slice %arg13[%add3A_12, %dma_wait3A_99] : memref<10000x128xbf16, #tpu.memory_space<vmem_shared>> -> memref<125x128xbf16, #tpu.memory_space<vmem_shared>>
      %dma_wait3A_101 = arith.constant 0 : i32
      %dma_wait3A_102 = arith.constant 0 : i32
      %dma_wait3A_103 = tpu.memref_slice %arg9[%dma_wait3A_101, %dma_wait3A_102] : memref<125x128xbf16, #tpu.memory_space<vmem>> -> memref<125x128xbf16, #tpu.memory_space<vmem>>
      tpu.wait_dma2 semaphore(%run_scoped3A : memref<!tpu.dma_semaphore, #tpu.memory_space<semaphore_mem>>) src(%dma_wait3A_103 : memref<125x128xbf16, #tpu.memory_space<vmem>>) dst(%dma_wait3A_100 : memref<125x128xbf16, #tpu.memory_space<vmem_shared>>)
      tpu.yield
    }) : () -> ()
    %mul3A_13 = arith.constant 625 : i32
    %mul3A_14 = arith.muli %arg1, %mul3A_13 : i32
    %add3A_15 = arith.constant 375 : i32
    %add3A_16 = arith.addi %mul3A_14, %add3A_15 : i32
    "tpu.region"() ({
      %run_scoped3A = tpu.sem_alloc : memref<!tpu.dma_semaphore, #tpu.memory_space<semaphore_mem>>
      %dma_start3A_84 = arith.constant 0 : i32
      %dma_start3A_85 = arith.constant 0 : i32
      %dma_start3A_86 = tpu.memref_slice %arg9[%dma_start3A_84, %dma_start3A_85] : memref<125x128xbf16, #tpu.memory_space<vmem>> -> memref<125x128xbf16, #tpu.memory_space<vmem>>
      %dma_start3A_87 = arith.constant 0 : i32
      %dma_start3A_88 = tpu.memref_slice %arg13[%add3A_16, %dma_start3A_87] : memref<10000x128xbf16, #tpu.memory_space<vmem_shared>> -> memref<125x128xbf16, #tpu.memory_space<vmem_shared>>
      %dma_start3A_89 = arith.constant 0 : i32
      %dma_start3A_90 = tpu.memref_slice %arg13[%add3A_16, %dma_start3A_89] : memref<10000x128xbf16, #tpu.memory_space<vmem_shared>> -> memref<125x128xbf16, #tpu.memory_space<vmem_shared>>
      %dma_start3A_91 = arith.constant 0 : i32
      %dma_start3A_92 = arith.constant 0 : i32
      %dma_start3A_93 = tpu.memref_slice %arg9[%dma_start3A_91, %dma_start3A_92] : memref<125x128xbf16, #tpu.memory_space<vmem>> -> memref<125x128xbf16, #tpu.memory_space<vmem>>
      tpu.enqueue_dma source(%dma_start3A_93 : memref<125x128xbf16, #tpu.memory_space<vmem>>) target(%dma_start3A_90 : memref<125x128xbf16, #tpu.memory_space<vmem_shared>>) target_semaphore(%run_scoped3A : memref<!tpu.dma_semaphore, #tpu.memory_space<semaphore_mem>>)
      %dma_wait3A_94 = arith.constant 0 : i32
      %dma_wait3A_95 = arith.constant 0 : i32
      %dma_wait3A_96 = tpu.memref_slice %arg9[%dma_wait3A_94, %dma_wait3A_95] : memref<125x128xbf16, #tpu.memory_space<vmem>> -> memref<125x128xbf16, #tpu.memory_space<vmem>>
      %dma_wait3A_97 = arith.constant 0 : i32
      %dma_wait3A_98 = tpu.memref_slice %arg13[%add3A_16, %dma_wait3A_97] : memref<10000x128xbf16, #tpu.memory_space<vmem_shared>> -> memref<125x128xbf16, #tpu.memory_space<vmem_shared>>
      %dma_wait3A_99 = arith.constant 0 : i32
      %dma_wait3A_100 = tpu.memref_slice %arg13[%add3A_16, %dma_wait3A_99] : memref<10000x128xbf16, #tpu.memory_space<vmem_shared>> -> memref<125x128xbf16, #tpu.memory_space<vmem_shared>>
      %dma_wait3A_101 = arith.constant 0 : i32
      %dma_wait3A_102 = arith.constant 0 : i32
      %dma_wait3A_103 = tpu.memref_slice %arg9[%dma_wait3A_101, %dma_wait3A_102] : memref<125x128xbf16, #tpu.memory_space<vmem>> -> memref<125x128xbf16, #tpu.memory_space<vmem>>
      tpu.wait_dma2 semaphore(%run_scoped3A : memref<!tpu.dma_semaphore, #tpu.memory_space<semaphore_mem>>) src(%dma_wait3A_103 : memref<125x128xbf16, #tpu.memory_space<vmem>>) dst(%dma_wait3A_100 : memref<125x128xbf16, #tpu.memory_space<vmem_shared>>)
      tpu.yield
    }) : () -> ()
    %mul3A_17 = arith.constant 625 : i32
    %mul3A_18 = arith.muli %arg1, %mul3A_17 : i32
    %add3A_19 = arith.constant 500 : i32
    %add3A_20 = arith.addi %mul3A_18, %add3A_19 : i32
    "tpu.region"() ({
      %run_scoped3A = tpu.sem_alloc : memref<!tpu.dma_semaphore, #tpu.memory_space<semaphore_mem>>
      %dma_start3A_84 = arith.constant 0 : i32
      %dma_start3A_85 = arith.constant 0 : i32
      %dma_start3A_86 = tpu.memref_slice %arg9[%dma_start3A_84, %dma_start3A_85] : memref<125x128xbf16, #tpu.memory_space<vmem>> -> memref<125x128xbf16, #tpu.memory_space<vmem>>
      %dma_start3A_87 = arith.constant 0 : i32
      %dma_start3A_88 = tpu.memref_slice %arg13[%add3A_20, %dma_start3A_87] : memref<10000x128xbf16, #tpu.memory_space<vmem_shared>> -> memref<125x128xbf16, #tpu.memory_space<vmem_shared>>
      %dma_start3A_89 = arith.constant 0 : i32
      %dma_start3A_90 = tpu.memref_slice %arg13[%add3A_20, %dma_start3A_89] : memref<10000x128xbf16, #tpu.memory_space<vmem_shared>> -> memref<125x128xbf16, #tpu.memory_space<vmem_shared>>
      %dma_start3A_91 = arith.constant 0 : i32
      %dma_start3A_92 = arith.constant 0 : i32
      %dma_start3A_93 = tpu.memref_slice %arg9[%dma_start3A_91, %dma_start3A_92] : memref<125x128xbf16, #tpu.memory_space<vmem>> -> memref<125x128xbf16, #tpu.memory_space<vmem>>
      tpu.enqueue_dma source(%dma_start3A_93 : memref<125x128xbf16, #tpu.memory_space<vmem>>) target(%dma_start3A_90 : memref<125x128xbf16, #tpu.memory_space<vmem_shared>>) target_semaphore(%run_scoped3A : memref<!tpu.dma_semaphore, #tpu.memory_space<semaphore_mem>>)
      %dma_wait3A_94 = arith.constant 0 : i32
      %dma_wait3A_95 = arith.constant 0 : i32
      %dma_wait3A_96 = tpu.memref_slice %arg9[%dma_wait3A_94, %dma_wait3A_95] : memref<125x128xbf16, #tpu.memory_space<vmem>> -> memref<125x128xbf16, #tpu.memory_space<vmem>>
      %dma_wait3A_97 = arith.constant 0 : i32
      %dma_wait3A_98 = tpu.memref_slice %arg13[%add3A_20, %dma_wait3A_97] : memref<10000x128xbf16, #tpu.memory_space<vmem_shared>> -> memref<125x128xbf16, #tpu.memory_space<vmem_shared>>
      %dma_wait3A_99 = arith.constant 0 : i32
      %dma_wait3A_100 = tpu.memref_slice %arg13[%add3A_20, %dma_wait3A_99] : memref<10000x128xbf16, #tpu.memory_space<vmem_shared>> -> memref<125x128xbf16, #tpu.memory_space<vmem_shared>>
      %dma_wait3A_101 = arith.constant 0 : i32
      %dma_wait3A_102 = arith.constant 0 : i32
      %dma_wait3A_103 = tpu.memref_slice %arg9[%dma_wait3A_101, %dma_wait3A_102] : memref<125x128xbf16, #tpu.memory_space<vmem>> -> memref<125x128xbf16, #tpu.memory_space<vmem>>
      tpu.wait_dma2 semaphore(%run_scoped3A : memref<!tpu.dma_semaphore, #tpu.memory_space<semaphore_mem>>) src(%dma_wait3A_103 : memref<125x128xbf16, #tpu.memory_space<vmem>>) dst(%dma_wait3A_100 : memref<125x128xbf16, #tpu.memory_space<vmem_shared>>)
      tpu.yield
    }) : () -> ()
    %dma_start3A = arith.constant 0 : i32
    %dma_start3A_21 = arith.constant 0 : i32
    %dma_start3A_22 = tpu.memref_slice %arg3[%add3A, %dma_start3A, %dma_start3A_21] : memref<32x80x125xi32, #tpu.memory_space<hbm>> -> memref<1x80x125xi32, #tpu.memory_space<hbm>>
    %dma_start3A_23 = tpu.memref_squeeze %dma_start3A_22 : memref<1x80x125xi32, #tpu.memory_space<hbm>> -> memref<80x125xi32, #tpu.memory_space<hbm>>
    %dma_start3A_24 = arith.constant 0 : i32
    %dma_start3A_25 = arith.constant 0 : i32
    %dma_start3A_26 = tpu.memref_slice %arg3[%add3A, %dma_start3A_24, %dma_start3A_25] : memref<32x80x125xi32, #tpu.memory_space<hbm>> -> memref<1x80x125xi32, #tpu.memory_space<hbm>>
    %dma_start3A_27 = tpu.memref_squeeze %dma_start3A_26 : memref<1x80x125xi32, #tpu.memory_space<hbm>> -> memref<80x125xi32, #tpu.memory_space<hbm>>
    tpu.enqueue_dma source(%dma_start3A_27 : memref<80x125xi32, #tpu.memory_space<hbm>>) target(%arg7 : memref<80x125xi32, #tpu.memory_space<vmem>>) target_semaphore(%arg15 : memref<!tpu.dma_semaphore, #tpu.memory_space<semaphore_mem>>)
    %dma_wait3A = arith.constant 0 : i32
    %dma_wait3A_28 = arith.constant 0 : i32
    %dma_wait3A_29 = tpu.memref_slice %arg3[%add3A, %dma_wait3A, %dma_wait3A_28] : memref<32x80x125xi32, #tpu.memory_space<hbm>> -> memref<1x80x125xi32, #tpu.memory_space<hbm>>
    %dma_wait3A_30 = tpu.memref_squeeze %dma_wait3A_29 : memref<1x80x125xi32, #tpu.memory_space<hbm>> -> memref<80x125xi32, #tpu.memory_space<hbm>>
    %dma_wait3A_31 = arith.constant 0 : i32
    %dma_wait3A_32 = arith.constant 0 : i32
    %dma_wait3A_33 = tpu.memref_slice %arg3[%add3A, %dma_wait3A_31, %dma_wait3A_32] : memref<32x80x125xi32, #tpu.memory_space<hbm>> -> memref<1x80x125xi32, #tpu.memory_space<hbm>>
    %dma_wait3A_34 = tpu.memref_squeeze %dma_wait3A_33 : memref<1x80x125xi32, #tpu.memory_space<hbm>> -> memref<80x125xi32, #tpu.memory_space<hbm>>
    tpu.wait_dma2 semaphore(%arg15 : memref<!tpu.dma_semaphore, #tpu.memory_space<semaphore_mem>>) src(%dma_wait3A_34 : memref<80x125xi32, #tpu.memory_space<hbm>>) dst(%arg7 : memref<80x125xi32, #tpu.memory_space<vmem>>)
    %dma_start3A_35 = arith.constant 0 : i32
    %dma_start3A_36 = arith.constant 0 : i32
    %dma_start3A_37 = tpu.memref_slice %arg4[%add3A, %dma_start3A_35, %dma_start3A_36] : memref<32x80x125xi32, #tpu.memory_space<hbm>> -> memref<1x80x125xi32, #tpu.memory_space<hbm>>
    %dma_start3A_38 = tpu.memref_squeeze %dma_start3A_37 : memref<1x80x125xi32, #tpu.memory_space<hbm>> -> memref<80x125xi32, #tpu.memory_space<hbm>>
    %dma_start3A_39 = arith.constant 0 : i32
    %dma_start3A_40 = arith.constant 0 : i32
    %dma_start3A_41 = tpu.memref_slice %arg4[%add3A, %dma_start3A_39, %dma_start3A_40] : memref<32x80x125xi32, #tpu.memory_space<hbm>> -> memref<1x80x125xi32, #tpu.memory_space<hbm>>
    %dma_start3A_42 = tpu.memref_squeeze %dma_start3A_41 : memref<1x80x125xi32, #tpu.memory_space<hbm>> -> memref<80x125xi32, #tpu.memory_space<hbm>>
    tpu.enqueue_dma source(%dma_start3A_42 : memref<80x125xi32, #tpu.memory_space<hbm>>) target(%arg8 : memref<80x125xi32, #tpu.memory_space<vmem>>) target_semaphore(%arg15 : memref<!tpu.dma_semaphore, #tpu.memory_space<semaphore_mem>>)
    %dma_wait3A_43 = arith.constant 0 : i32
    %dma_wait3A_44 = arith.constant 0 : i32
    %dma_wait3A_45 = tpu.memref_slice %arg4[%add3A, %dma_wait3A_43, %dma_wait3A_44] : memref<32x80x125xi32, #tpu.memory_space<hbm>> -> memref<1x80x125xi32, #tpu.memory_space<hbm>>
    %dma_wait3A_46 = tpu.memref_squeeze %dma_wait3A_45 : memref<1x80x125xi32, #tpu.memory_space<hbm>> -> memref<80x125xi32, #tpu.memory_space<hbm>>
    %dma_wait3A_47 = arith.constant 0 : i32
    %dma_wait3A_48 = arith.constant 0 : i32
    %dma_wait3A_49 = tpu.memref_slice %arg4[%add3A, %dma_wait3A_47, %dma_wait3A_48] : memref<32x80x125xi32, #tpu.memory_space<hbm>> -> memref<1x80x125xi32, #tpu.memory_space<hbm>>
    %dma_wait3A_50 = tpu.memref_squeeze %dma_wait3A_49 : memref<1x80x125xi32, #tpu.memory_space<hbm>> -> memref<80x125xi32, #tpu.memory_space<hbm>>
    tpu.wait_dma2 semaphore(%arg15 : memref<!tpu.dma_semaphore, #tpu.memory_space<semaphore_mem>>) src(%dma_wait3A_50 : memref<80x125xi32, #tpu.memory_space<hbm>>) dst(%arg8 : memref<80x125xi32, #tpu.memory_space<vmem>>)
    %barrier3A = arith.constant 0 : index
    tpu.barrier barrier_id(%barrier3A)
    %dma_start3A_51 = arith.constant 0 : i32
    %dma_start3A_52 = arith.constant 0 : i32
    %dma_start3A_53 = tpu.memref_slice %arg7[%dma_start3A_51, %dma_start3A_52] : memref<80x125xi32, #tpu.memory_space<vmem>> -> memref<1x125xi32, #tpu.memory_space<vmem>>
    %dma_start3A_54 = tpu.memref_squeeze %dma_start3A_53 : memref<1x125xi32, #tpu.memory_space<vmem>> -> memref<125xi32, #tpu.memory_space<vmem>>
    %dma_start3A_55 = arith.constant 0 : i32
    %dma_start3A_56 = arith.constant 0 : i32
    %dma_start3A_57 = tpu.memref_slice %arg2[%dma_start3A_55, %dma_start3A_56] : memref<10000x128xbf16, #tpu.memory_space<hbm>> -> memref<10000x128xbf16, #tpu.memory_space<hbm>>
    tpu.enqueue_indirect_dma source(%dma_start3A_57 : memref<10000x128xbf16, #tpu.memory_space<hbm>>) target(%arg9 : memref<125x128xbf16, #tpu.memory_space<vmem>>) offsets(%dma_start3A_54 : memref<125xi32, #tpu.memory_space<vmem>>) semaphore(%arg14 : memref<!tpu.dma_semaphore, #tpu.memory_space<semaphore_mem>>)
    %dma_start3A_58 = arith.constant 1 : i32
    %dma_start3A_59 = arith.constant 0 : i32
    %dma_start3A_60 = tpu.memref_slice %arg7[%dma_start3A_58, %dma_start3A_59] : memref<80x125xi32, #tpu.memory_space<vmem>> -> memref<1x125xi32, #tpu.memory_space<vmem>>
    %dma_start3A_61 = tpu.memref_squeeze %dma_start3A_60 : memref<1x125xi32, #tpu.memory_space<vmem>> -> memref<125xi32, #tpu.memory_space<vmem>>
    %dma_start3A_62 = arith.constant 0 : i32
    %dma_start3A_63 = arith.constant 0 : i32
    %dma_start3A_64 = tpu.memref_slice %arg2[%dma_start3A_62, %dma_start3A_63] : memref<10000x128xbf16, #tpu.memory_space<hbm>> -> memref<10000x128xbf16, #tpu.memory_space<hbm>>
    tpu.enqueue_indirect_dma source(%dma_start3A_64 : memref<10000x128xbf16, #tpu.memory_space<hbm>>) target(%arg10 : memref<125x128xbf16, #tpu.memory_space<vmem>>) offsets(%dma_start3A_61 : memref<125xi32, #tpu.memory_space<vmem>>) semaphore(%arg15 : memref<!tpu.dma_semaphore, #tpu.memory_space<semaphore_mem>>)
    %dma_start3A_65 = arith.constant 2 : i32
    %dma_start3A_66 = arith.constant 0 : i32
    %dma_start3A_67 = tpu.memref_slice %arg7[%dma_start3A_65, %dma_start3A_66] : memref<80x125xi32, #tpu.memory_space<vmem>> -> memref<1x125xi32, #tpu.memory_space<vmem>>
    %dma_start3A_68 = tpu.memref_squeeze %dma_start3A_67 : memref<1x125xi32, #tpu.memory_space<vmem>> -> memref<125xi32, #tpu.memory_space<vmem>>
    %dma_start3A_69 = arith.constant 0 : i32
    %dma_start3A_70 = arith.constant 0 : i32
    %dma_start3A_71 = tpu.memref_slice %arg2[%dma_start3A_69, %dma_start3A_70] : memref<10000x128xbf16, #tpu.memory_space<hbm>> -> memref<10000x128xbf16, #tpu.memory_space<hbm>>
    tpu.enqueue_indirect_dma source(%dma_start3A_71 : memref<10000x128xbf16, #tpu.memory_space<hbm>>) target(%arg11 : memref<125x128xbf16, #tpu.memory_space<vmem>>) offsets(%dma_start3A_68 : memref<125xi32, #tpu.memory_space<vmem>>) semaphore(%arg16 : memref<!tpu.dma_semaphore, #tpu.memory_space<semaphore_mem>>)
    %scan3A = arith.constant 0 : i32
    %scan3A_72 = arith.constant 0 : i32
    %scan3A_73 = arith.constant 20 : i32
    %scan3A_74 = arith.addi %scan3A_72, %scan3A_73 : i32
    %scan3A_75 = arith.constant 1 : i32
    scf.for %scan3A_84 = %scan3A_72 to %scan3A_74 step %scan3A_75  : i32 {
      %mul3A_85 = arith.constant 4 : i32
      %mul3A_86 = arith.muli %mul3A_85, %scan3A_84 : i32
      %add3A_87 = arith.constant 0 : i32
      %add3A_88 = arith.addi %mul3A_86, %add3A_87 : i32
      %dma_wait3A_89 = arith.constant 0 : i32
      %dma_wait3A_90 = tpu.memref_slice %arg7[%add3A_88, %dma_wait3A_89] : memref<80x125xi32, #tpu.memory_space<vmem>> -> memref<1x125xi32, #tpu.memory_space<vmem>>
      %dma_wait3A_91 = tpu.memref_squeeze %dma_wait3A_90 : memref<1x125xi32, #tpu.memory_space<vmem>> -> memref<125xi32, #tpu.memory_space<vmem>>
      %dma_wait3A_92 = arith.constant 0 : i32
      %dma_wait3A_93 = arith.constant 0 : i32
      %dma_wait3A_94 = tpu.memref_slice %arg2[%dma_wait3A_92, %dma_wait3A_93] : memref<10000x128xbf16, #tpu.memory_space<hbm>> -> memref<10000x128xbf16, #tpu.memory_space<hbm>>
      tpu.wait_indirect_dma semaphore(%arg14 : memref<!tpu.dma_semaphore, #tpu.memory_space<semaphore_mem>>) src(%dma_wait3A_94 : memref<10000x128xbf16, #tpu.memory_space<hbm>>) dst(%arg9 : memref<125x128xbf16, #tpu.memory_space<vmem>>)
      %add3A_95 = arith.constant 0 : i32
      %add3A_96 = arith.addi %mul3A_86, %add3A_95 : i32
      "tpu.region"() ({
        %run_scoped3A = tpu.sem_alloc : memref<!tpu.dma_semaphore, #tpu.memory_space<semaphore_mem>>
        %dma_start3A_163 = arith.constant 0 : i32
        %dma_start3A_164 = tpu.memref_slice %arg8[%add3A_96, %dma_start3A_163] : memref<80x125xi32, #tpu.memory_space<vmem>> -> memref<1x125xi32, #tpu.memory_space<vmem>>
        %dma_start3A_165 = tpu.memref_squeeze %dma_start3A_164 : memref<1x125xi32, #tpu.memory_space<vmem>> -> memref<125xi32, #tpu.memory_space<vmem>>
        %dma_start3A_166 = arith.constant 0 : i32
        %dma_start3A_167 = arith.constant 0 : i32
        %dma_start3A_168 = tpu.memref_slice %arg13[%dma_start3A_166, %dma_start3A_167] : memref<10000x128xbf16, #tpu.memory_space<vmem_shared>> -> memref<10000x128xbf16, #tpu.memory_space<vmem_shared>>
        tpu.enqueue_indirect_dma source(%arg9 : memref<125x128xbf16, #tpu.memory_space<vmem>>) target(%dma_start3A_168 : memref<10000x128xbf16, #tpu.memory_space<vmem_shared>>) offsets(%dma_start3A_165 : memref<125xi32, #tpu.memory_space<vmem>>) semaphore(%run_scoped3A : memref<!tpu.dma_semaphore, #tpu.memory_space<semaphore_mem>>) {add = true}
        %dma_wait3A_169 = arith.constant 0 : i32
        %dma_wait3A_170 = tpu.memref_slice %arg8[%add3A_96, %dma_wait3A_169] : memref<80x125xi32, #tpu.memory_space<vmem>> -> memref<1x125xi32, #tpu.memory_space<vmem>>
        %dma_wait3A_171 = tpu.memref_squeeze %dma_wait3A_170 : memref<1x125xi32, #tpu.memory_space<vmem>> -> memref<125xi32, #tpu.memory_space<vmem>>
        %dma_wait3A_172 = arith.constant 0 : i32
        %dma_wait3A_173 = arith.constant 0 : i32
        %dma_wait3A_174 = tpu.memref_slice %arg13[%dma_wait3A_172, %dma_wait3A_173] : memref<10000x128xbf16, #tpu.memory_space<vmem_shared>> -> memref<10000x128xbf16, #tpu.memory_space<vmem_shared>>
        tpu.wait_indirect_dma semaphore(%run_scoped3A : memref<!tpu.dma_semaphore, #tpu.memory_space<semaphore_mem>>) src(%arg9 : memref<125x128xbf16, #tpu.memory_space<vmem>>) dst(%dma_wait3A_174 : memref<10000x128xbf16, #tpu.memory_space<vmem_shared>>)
        tpu.yield
      }) : () -> ()
      %add3A_97 = arith.constant 0 : i32
      %add3A_98 = arith.addi %mul3A_86, %add3A_97 : i32
      %add3A_99 = arith.constant 3 : i32
      %add3A_100 = arith.addi %add3A_98, %add3A_99 : i32
      %lt3A_101 = arith.constant 80 : i32
      %lt3A_102 = arith.cmpi slt, %add3A_100, %lt3A_101 : i32
      %convert_element_type3A_103 = arith.extui %lt3A_102 : i1 to i32
      %cond3A_104 = arith.constant 0 : i32
      %cond3A_105 = arith.cmpi ne, %convert_element_type3A_103, %cond3A_104 : i32
      scf.if %cond3A_105 {
        %dma_start3A_163 = arith.constant 0 : i32
        %dma_start3A_164 = tpu.memref_slice %arg7[%add3A_100, %dma_start3A_163] : memref<80x125xi32, #tpu.memory_space<vmem>> -> memref<1x125xi32, #tpu.memory_space<vmem>>
        %dma_start3A_165 = tpu.memref_squeeze %dma_start3A_164 : memref<1x125xi32, #tpu.memory_space<vmem>> -> memref<125xi32, #tpu.memory_space<vmem>>
        %dma_start3A_166 = arith.constant 0 : i32
        %dma_start3A_167 = arith.constant 0 : i32
        %dma_start3A_168 = tpu.memref_slice %arg2[%dma_start3A_166, %dma_start3A_167] : memref<10000x128xbf16, #tpu.memory_space<hbm>> -> memref<10000x128xbf16, #tpu.memory_space<hbm>>
        tpu.enqueue_indirect_dma source(%dma_start3A_168 : memref<10000x128xbf16, #tpu.memory_space<hbm>>) target(%arg12 : memref<125x128xbf16, #tpu.memory_space<vmem>>) offsets(%dma_start3A_165 : memref<125xi32, #tpu.memory_space<vmem>>) semaphore(%arg17 : memref<!tpu.dma_semaphore, #tpu.memory_space<semaphore_mem>>)
      } else {
      }
      %add3A_106 = arith.constant 1 : i32
      %add3A_107 = arith.addi %mul3A_86, %add3A_106 : i32
      %dma_wait3A_108 = arith.constant 0 : i32
      %dma_wait3A_109 = tpu.memref_slice %arg7[%add3A_107, %dma_wait3A_108] : memref<80x125xi32, #tpu.memory_space<vmem>> -> memref<1x125xi32, #tpu.memory_space<vmem>>
      %dma_wait3A_110 = tpu.memref_squeeze %dma_wait3A_109 : memref<1x125xi32, #tpu.memory_space<vmem>> -> memref<125xi32, #tpu.memory_space<vmem>>
      %dma_wait3A_111 = arith.constant 0 : i32
      %dma_wait3A_112 = arith.constant 0 : i32
      %dma_wait3A_113 = tpu.memref_slice %arg2[%dma_wait3A_111, %dma_wait3A_112] : memref<10000x128xbf16, #tpu.memory_space<hbm>> -> memref<10000x128xbf16, #tpu.memory_space<hbm>>
      tpu.wait_indirect_dma semaphore(%arg15 : memref<!tpu.dma_semaphore, #tpu.memory_space<semaphore_mem>>) src(%dma_wait3A_113 : memref<10000x128xbf16, #tpu.memory_space<hbm>>) dst(%arg10 : memref<125x128xbf16, #tpu.memory_space<vmem>>)
      %add3A_114 = arith.constant 1 : i32
      %add3A_115 = arith.addi %mul3A_86, %add3A_114 : i32
      "tpu.region"() ({
        %run_scoped3A = tpu.sem_alloc : memref<!tpu.dma_semaphore, #tpu.memory_space<semaphore_mem>>
        %dma_start3A_163 = arith.constant 0 : i32
        %dma_start3A_164 = tpu.memref_slice %arg8[%add3A_115, %dma_start3A_163] : memref<80x125xi32, #tpu.memory_space<vmem>> -> memref<1x125xi32, #tpu.memory_space<vmem>>
        %dma_start3A_165 = tpu.memref_squeeze %dma_start3A_164 : memref<1x125xi32, #tpu.memory_space<vmem>> -> memref<125xi32, #tpu.memory_space<vmem>>
        %dma_start3A_166 = arith.constant 0 : i32
        %dma_start3A_167 = arith.constant 0 : i32
        %dma_start3A_168 = tpu.memref_slice %arg13[%dma_start3A_166, %dma_start3A_167] : memref<10000x128xbf16, #tpu.memory_space<vmem_shared>> -> memref<10000x128xbf16, #tpu.memory_space<vmem_shared>>
        tpu.enqueue_indirect_dma source(%arg10 : memref<125x128xbf16, #tpu.memory_space<vmem>>) target(%dma_start3A_168 : memref<10000x128xbf16, #tpu.memory_space<vmem_shared>>) offsets(%dma_start3A_165 : memref<125xi32, #tpu.memory_space<vmem>>) semaphore(%run_scoped3A : memref<!tpu.dma_semaphore, #tpu.memory_space<semaphore_mem>>) {add = true}
        %dma_wait3A_169 = arith.constant 0 : i32
        %dma_wait3A_170 = tpu.memref_slice %arg8[%add3A_115, %dma_wait3A_169] : memref<80x125xi32, #tpu.memory_space<vmem>> -> memref<1x125xi32, #tpu.memory_space<vmem>>
        %dma_wait3A_171 = tpu.memref_squeeze %dma_wait3A_170 : memref<1x125xi32, #tpu.memory_space<vmem>> -> memref<125xi32, #tpu.memory_space<vmem>>
        %dma_wait3A_172 = arith.constant 0 : i32
        %dma_wait3A_173 = arith.constant 0 : i32
        %dma_wait3A_174 = tpu.memref_slice %arg13[%dma_wait3A_172, %dma_wait3A_173] : memref<10000x128xbf16, #tpu.memory_space<vmem_shared>> -> memref<10000x128xbf16, #tpu.memory_space<vmem_shared>>
        tpu.wait_indirect_dma semaphore(%run_scoped3A : memref<!tpu.dma_semaphore, #tpu.memory_space<semaphore_mem>>) src(%arg10 : memref<125x128xbf16, #tpu.memory_space<vmem>>) dst(%dma_wait3A_174 : memref<10000x128xbf16, #tpu.memory_space<vmem_shared>>)
        tpu.yield
      }) : () -> ()
      %add3A_116 = arith.constant 1 : i32
      %add3A_117 = arith.addi %mul3A_86, %add3A_116 : i32
      %add3A_118 = arith.constant 3 : i32
      %add3A_119 = arith.addi %add3A_117, %add3A_118 : i32
      %lt3A_120 = arith.constant 80 : i32
      %lt3A_121 = arith.cmpi slt, %add3A_119, %lt3A_120 : i32
      %convert_element_type3A_122 = arith.extui %lt3A_121 : i1 to i32
      %cond3A_123 = arith.constant 0 : i32
      %cond3A_124 = arith.cmpi ne, %convert_element_type3A_122, %cond3A_123 : i32
      scf.if %cond3A_124 {
        %dma_start3A_163 = arith.constant 0 : i32
        %dma_start3A_164 = tpu.memref_slice %arg7[%add3A_119, %dma_start3A_163] : memref<80x125xi32, #tpu.memory_space<vmem>> -> memref<1x125xi32, #tpu.memory_space<vmem>>
        %dma_start3A_165 = tpu.memref_squeeze %dma_start3A_164 : memref<1x125xi32, #tpu.memory_space<vmem>> -> memref<125xi32, #tpu.memory_space<vmem>>
        %dma_start3A_166 = arith.constant 0 : i32
        %dma_start3A_167 = arith.constant 0 : i32
        %dma_start3A_168 = tpu.memref_slice %arg2[%dma_start3A_166, %dma_start3A_167] : memref<10000x128xbf16, #tpu.memory_space<hbm>> -> memref<10000x128xbf16, #tpu.memory_space<hbm>>
        tpu.enqueue_indirect_dma source(%dma_start3A_168 : memref<10000x128xbf16, #tpu.memory_space<hbm>>) target(%arg9 : memref<125x128xbf16, #tpu.memory_space<vmem>>) offsets(%dma_start3A_165 : memref<125xi32, #tpu.memory_space<vmem>>) semaphore(%arg14 : memref<!tpu.dma_semaphore, #tpu.memory_space<semaphore_mem>>)
      } else {
      }
      %add3A_125 = arith.constant 2 : i32
      %add3A_126 = arith.addi %mul3A_86, %add3A_125 : i32
      %dma_wait3A_127 = arith.constant 0 : i32
      %dma_wait3A_128 = tpu.memref_slice %arg7[%add3A_126, %dma_wait3A_127] : memref<80x125xi32, #tpu.memory_space<vmem>> -> memref<1x125xi32, #tpu.memory_space<vmem>>
      %dma_wait3A_129 = tpu.memref_squeeze %dma_wait3A_128 : memref<1x125xi32, #tpu.memory_space<vmem>> -> memref<125xi32, #tpu.memory_space<vmem>>
      %dma_wait3A_130 = arith.constant 0 : i32
      %dma_wait3A_131 = arith.constant 0 : i32
      %dma_wait3A_132 = tpu.memref_slice %arg2[%dma_wait3A_130, %dma_wait3A_131] : memref<10000x128xbf16, #tpu.memory_space<hbm>> -> memref<10000x128xbf16, #tpu.memory_space<hbm>>
      tpu.wait_indirect_dma semaphore(%arg16 : memref<!tpu.dma_semaphore, #tpu.memory_space<semaphore_mem>>) src(%dma_wait3A_132 : memref<10000x128xbf16, #tpu.memory_space<hbm>>) dst(%arg11 : memref<125x128xbf16, #tpu.memory_space<vmem>>)
      %add3A_133 = arith.constant 2 : i32
      %add3A_134 = arith.addi %mul3A_86, %add3A_133 : i32
      "tpu.region"() ({
        %run_scoped3A = tpu.sem_alloc : memref<!tpu.dma_semaphore, #tpu.memory_space<semaphore_mem>>
        %dma_start3A_163 = arith.constant 0 : i32
        %dma_start3A_164 = tpu.memref_slice %arg8[%add3A_134, %dma_start3A_163] : memref<80x125xi32, #tpu.memory_space<vmem>> -> memref<1x125xi32, #tpu.memory_space<vmem>>
        %dma_start3A_165 = tpu.memref_squeeze %dma_start3A_164 : memref<1x125xi32, #tpu.memory_space<vmem>> -> memref<125xi32, #tpu.memory_space<vmem>>
        %dma_start3A_166 = arith.constant 0 : i32
        %dma_start3A_167 = arith.constant 0 : i32
        %dma_start3A_168 = tpu.memref_slice %arg13[%dma_start3A_166, %dma_start3A_167] : memref<10000x128xbf16, #tpu.memory_space<vmem_shared>> -> memref<10000x128xbf16, #tpu.memory_space<vmem_shared>>
        tpu.enqueue_indirect_dma source(%arg11 : memref<125x128xbf16, #tpu.memory_space<vmem>>) target(%dma_start3A_168 : memref<10000x128xbf16, #tpu.memory_space<vmem_shared>>) offsets(%dma_start3A_165 : memref<125xi32, #tpu.memory_space<vmem>>) semaphore(%run_scoped3A : memref<!tpu.dma_semaphore, #tpu.memory_space<semaphore_mem>>) {add = true}
        %dma_wait3A_169 = arith.constant 0 : i32
        %dma_wait3A_170 = tpu.memref_slice %arg8[%add3A_134, %dma_wait3A_169] : memref<80x125xi32, #tpu.memory_space<vmem>> -> memref<1x125xi32, #tpu.memory_space<vmem>>
        %dma_wait3A_171 = tpu.memref_squeeze %dma_wait3A_170 : memref<1x125xi32, #tpu.memory_space<vmem>> -> memref<125xi32, #tpu.memory_space<vmem>>
        %dma_wait3A_172 = arith.constant 0 : i32
        %dma_wait3A_173 = arith.constant 0 : i32
        %dma_wait3A_174 = tpu.memref_slice %arg13[%dma_wait3A_172, %dma_wait3A_173] : memref<10000x128xbf16, #tpu.memory_space<vmem_shared>> -> memref<10000x128xbf16, #tpu.memory_space<vmem_shared>>
        tpu.wait_indirect_dma semaphore(%run_scoped3A : memref<!tpu.dma_semaphore, #tpu.memory_space<semaphore_mem>>) src(%arg11 : memref<125x128xbf16, #tpu.memory_space<vmem>>) dst(%dma_wait3A_174 : memref<10000x128xbf16, #tpu.memory_space<vmem_shared>>)
        tpu.yield
      }) : () -> ()
      %add3A_135 = arith.constant 2 : i32
      %add3A_136 = arith.addi %mul3A_86, %add3A_135 : i32
      %add3A_137 = arith.constant 3 : i32
      %add3A_138 = arith.addi %add3A_136, %add3A_137 : i32
      %lt3A_139 = arith.constant 80 : i32
      %lt3A_140 = arith.cmpi slt, %add3A_138, %lt3A_139 : i32
      %convert_element_type3A_141 = arith.extui %lt3A_140 : i1 to i32
      %cond3A_142 = arith.constant 0 : i32
      %cond3A_143 = arith.cmpi ne, %convert_element_type3A_141, %cond3A_142 : i32
      scf.if %cond3A_143 {
        %dma_start3A_163 = arith.constant 0 : i32
        %dma_start3A_164 = tpu.memref_slice %arg7[%add3A_138, %dma_start3A_163] : memref<80x125xi32, #tpu.memory_space<vmem>> -> memref<1x125xi32, #tpu.memory_space<vmem>>
        %dma_start3A_165 = tpu.memref_squeeze %dma_start3A_164 : memref<1x125xi32, #tpu.memory_space<vmem>> -> memref<125xi32, #tpu.memory_space<vmem>>
        %dma_start3A_166 = arith.constant 0 : i32
        %dma_start3A_167 = arith.constant 0 : i32
        %dma_start3A_168 = tpu.memref_slice %arg2[%dma_start3A_166, %dma_start3A_167] : memref<10000x128xbf16, #tpu.memory_space<hbm>> -> memref<10000x128xbf16, #tpu.memory_space<hbm>>
        tpu.enqueue_indirect_dma source(%dma_start3A_168 : memref<10000x128xbf16, #tpu.memory_space<hbm>>) target(%arg10 : memref<125x128xbf16, #tpu.memory_space<vmem>>) offsets(%dma_start3A_165 : memref<125xi32, #tpu.memory_space<vmem>>) semaphore(%arg15 : memref<!tpu.dma_semaphore, #tpu.memory_space<semaphore_mem>>)
      } else {
      }
      %add3A_144 = arith.constant 3 : i32
      %add3A_145 = arith.addi %mul3A_86, %add3A_144 : i32
      %dma_wait3A_146 = arith.constant 0 : i32
      %dma_wait3A_147 = tpu.memref_slice %arg7[%add3A_145, %dma_wait3A_146] : memref<80x125xi32, #tpu.memory_space<vmem>> -> memref<1x125xi32, #tpu.memory_space<vmem>>
      %dma_wait3A_148 = tpu.memref_squeeze %dma_wait3A_147 : memref<1x125xi32, #tpu.memory_space<vmem>> -> memref<125xi32, #tpu.memory_space<vmem>>
      %dma_wait3A_149 = arith.constant 0 : i32
      %dma_wait3A_150 = arith.constant 0 : i32
      %dma_wait3A_151 = tpu.memref_slice %arg2[%dma_wait3A_149, %dma_wait3A_150] : memref<10000x128xbf16, #tpu.memory_space<hbm>> -> memref<10000x128xbf16, #tpu.memory_space<hbm>>
      tpu.wait_indirect_dma semaphore(%arg17 : memref<!tpu.dma_semaphore, #tpu.memory_space<semaphore_mem>>) src(%dma_wait3A_151 : memref<10000x128xbf16, #tpu.memory_space<hbm>>) dst(%arg12 : memref<125x128xbf16, #tpu.memory_space<vmem>>)
      %add3A_152 = arith.constant 3 : i32
      %add3A_153 = arith.addi %mul3A_86, %add3A_152 : i32
      "tpu.region"() ({
        %run_scoped3A = tpu.sem_alloc : memref<!tpu.dma_semaphore, #tpu.memory_space<semaphore_mem>>
        %dma_start3A_163 = arith.constant 0 : i32
        %dma_start3A_164 = tpu.memref_slice %arg8[%add3A_153, %dma_start3A_163] : memref<80x125xi32, #tpu.memory_space<vmem>> -> memref<1x125xi32, #tpu.memory_space<vmem>>
        %dma_start3A_165 = tpu.memref_squeeze %dma_start3A_164 : memref<1x125xi32, #tpu.memory_space<vmem>> -> memref<125xi32, #tpu.memory_space<vmem>>
        %dma_start3A_166 = arith.constant 0 : i32
        %dma_start3A_167 = arith.constant 0 : i32
        %dma_start3A_168 = tpu.memref_slice %arg13[%dma_start3A_166, %dma_start3A_167] : memref<10000x128xbf16, #tpu.memory_space<vmem_shared>> -> memref<10000x128xbf16, #tpu.memory_space<vmem_shared>>
        tpu.enqueue_indirect_dma source(%arg12 : memref<125x128xbf16, #tpu.memory_space<vmem>>) target(%dma_start3A_168 : memref<10000x128xbf16, #tpu.memory_space<vmem_shared>>) offsets(%dma_start3A_165 : memref<125xi32, #tpu.memory_space<vmem>>) semaphore(%run_scoped3A : memref<!tpu.dma_semaphore, #tpu.memory_space<semaphore_mem>>) {add = true}
        %dma_wait3A_169 = arith.constant 0 : i32
        %dma_wait3A_170 = tpu.memref_slice %arg8[%add3A_153, %dma_wait3A_169] : memref<80x125xi32, #tpu.memory_space<vmem>> -> memref<1x125xi32, #tpu.memory_space<vmem>>
        %dma_wait3A_171 = tpu.memref_squeeze %dma_wait3A_170 : memref<1x125xi32, #tpu.memory_space<vmem>> -> memref<125xi32, #tpu.memory_space<vmem>>
        %dma_wait3A_172 = arith.constant 0 : i32
        %dma_wait3A_173 = arith.constant 0 : i32
        %dma_wait3A_174 = tpu.memref_slice %arg13[%dma_wait3A_172, %dma_wait3A_173] : memref<10000x128xbf16, #tpu.memory_space<vmem_shared>> -> memref<10000x128xbf16, #tpu.memory_space<vmem_shared>>
        tpu.wait_indirect_dma semaphore(%run_scoped3A : memref<!tpu.dma_semaphore, #tpu.memory_space<semaphore_mem>>) src(%arg12 : memref<125x128xbf16, #tpu.memory_space<vmem>>) dst(%dma_wait3A_174 : memref<10000x128xbf16, #tpu.memory_space<vmem_shared>>)
        tpu.yield
      }) : () -> ()
      %add3A_154 = arith.constant 3 : i32
      %add3A_155 = arith.addi %mul3A_86, %add3A_154 : i32
      %add3A_156 = arith.constant 3 : i32
      %add3A_157 = arith.addi %add3A_155, %add3A_156 : i32
      %lt3A_158 = arith.constant 80 : i32
      %lt3A_159 = arith.cmpi slt, %add3A_157, %lt3A_158 : i32
      %convert_element_type3A_160 = arith.extui %lt3A_159 : i1 to i32
      %cond3A_161 = arith.constant 0 : i32
      %cond3A_162 = arith.cmpi ne, %convert_element_type3A_160, %cond3A_161 : i32
      scf.if %cond3A_162 {
        %dma_start3A_163 = arith.constant 0 : i32
        %dma_start3A_164 = tpu.memref_slice %arg7[%add3A_157, %dma_start3A_163] : memref<80x125xi32, #tpu.memory_space<vmem>> -> memref<1x125xi32, #tpu.memory_space<vmem>>
        %dma_start3A_165 = tpu.memref_squeeze %dma_start3A_164 : memref<1x125xi32, #tpu.memory_space<vmem>> -> memref<125xi32, #tpu.memory_space<vmem>>
        %dma_start3A_166 = arith.constant 0 : i32
        %dma_start3A_167 = arith.constant 0 : i32
        %dma_start3A_168 = tpu.memref_slice %arg2[%dma_start3A_166, %dma_start3A_167] : memref<10000x128xbf16, #tpu.memory_space<hbm>> -> memref<10000x128xbf16, #tpu.memory_space<hbm>>
        tpu.enqueue_indirect_dma source(%dma_start3A_168 : memref<10000x128xbf16, #tpu.memory_space<hbm>>) target(%arg11 : memref<125x128xbf16, #tpu.memory_space<vmem>>) offsets(%dma_start3A_165 : memref<125xi32, #tpu.memory_space<vmem>>) semaphore(%arg16 : memref<!tpu.dma_semaphore, #tpu.memory_space<semaphore_mem>>)
      } else {
      }
    }
    %scan3A_76 = arith.constant 20 : i32
    %barrier3A_77 = arith.constant 0 : index
    tpu.barrier barrier_id(%barrier3A_77)
    %lt3A = arith.constant 15 : i32
    %lt3A_78 = arith.cmpi slt, %arg1, %lt3A : i32
    %convert_element_type3A = arith.extui %lt3A_78 : i1 to i32
    %cond3A = arith.constant 0 : i32
    %cond3A_79 = arith.cmpi ne, %convert_element_type3A, %cond3A : i32
    scf.if %cond3A_79 {
      %mul3A_84 = arith.constant 624 : i32
      %mul3A_85 = arith.muli %arg1, %mul3A_84 : i32
      %mul3A_86 = arith.constant 624 : i32
      %mul3A_87 = arith.muli %arg1, %mul3A_86 : i32
      "tpu.region"() ({
        %run_scoped3A = tpu.sem_alloc : memref<!tpu.dma_semaphore, #tpu.memory_space<semaphore_mem>>
        %dma_start3A_88 = arith.constant 0 : i32
        %dma_start3A_89 = tpu.memref_slice %arg6[%arg0, %mul3A_87, %dma_start3A_88] : memref<2x10000x128xbf16, #tpu.memory_space<hbm>> -> memref<1x624x128xbf16, #tpu.memory_space<hbm>>
        %dma_start3A_90 = tpu.memref_squeeze %dma_start3A_89 : memref<1x624x128xbf16, #tpu.memory_space<hbm>> -> memref<624x128xbf16, #tpu.memory_space<hbm>>
        %dma_start3A_91 = arith.constant 0 : i32
        %dma_start3A_92 = tpu.memref_slice %arg13[%mul3A_85, %dma_start3A_91] : memref<10000x128xbf16, #tpu.memory_space<vmem_shared>> -> memref<624x128xbf16, #tpu.memory_space<vmem_shared>>
        tpu.enqueue_dma source(%dma_start3A_92 : memref<624x128xbf16, #tpu.memory_space<vmem_shared>>) target(%dma_start3A_90 : memref<624x128xbf16, #tpu.memory_space<hbm>>) target_semaphore(%run_scoped3A : memref<!tpu.dma_semaphore, #tpu.memory_space<semaphore_mem>>)
        %dma_wait3A_93 = arith.constant 0 : i32
        %dma_wait3A_94 = tpu.memref_slice %arg6[%arg0, %mul3A_87, %dma_wait3A_93] : memref<2x10000x128xbf16, #tpu.memory_space<hbm>> -> memref<1x624x128xbf16, #tpu.memory_space<hbm>>
        %dma_wait3A_95 = tpu.memref_squeeze %dma_wait3A_94 : memref<1x624x128xbf16, #tpu.memory_space<hbm>> -> memref<624x128xbf16, #tpu.memory_space<hbm>>
        %dma_wait3A_96 = arith.constant 0 : i32
        %dma_wait3A_97 = tpu.memref_slice %arg13[%mul3A_85, %dma_wait3A_96] : memref<10000x128xbf16, #tpu.memory_space<vmem_shared>> -> memref<624x128xbf16, #tpu.memory_space<vmem_shared>>
        tpu.wait_dma2 semaphore(%run_scoped3A : memref<!tpu.dma_semaphore, #tpu.memory_space<semaphore_mem>>) src(%dma_wait3A_97 : memref<624x128xbf16, #tpu.memory_space<vmem_shared>>) dst(%dma_wait3A_95 : memref<624x128xbf16, #tpu.memory_space<hbm>>)
        tpu.yield
      }) : () -> ()
    } else {
    }
    %eq3A = arith.constant 15 : i32
    %eq3A_80 = arith.cmpi eq, %arg1, %eq3A : i32
    %convert_element_type3A_81 = arith.extui %eq3A_80 : i1 to i32
    %cond3A_82 = arith.constant 0 : i32
    %cond3A_83 = arith.cmpi ne, %convert_element_type3A_81, %cond3A_82 : i32
    scf.if %cond3A_83 {
      "tpu.region"() ({
        %run_scoped3A = tpu.sem_alloc : memref<!tpu.dma_semaphore, #tpu.memory_space<semaphore_mem>>
        %dma_start3A_84 = arith.constant 9360 : i32
        %dma_start3A_85 = arith.constant 0 : i32
        %dma_start3A_86 = tpu.memref_slice %arg6[%arg0, %dma_start3A_84, %dma_start3A_85] : memref<2x10000x128xbf16, #tpu.memory_space<hbm>> -> memref<1x640x128xbf16, #tpu.memory_space<hbm>>
        %dma_start3A_87 = tpu.memref_squeeze %dma_start3A_86 : memref<1x640x128xbf16, #tpu.memory_space<hbm>> -> memref<640x128xbf16, #tpu.memory_space<hbm>>
        %dma_start3A_88 = arith.constant 9360 : i32
        %dma_start3A_89 = arith.constant 0 : i32
        %dma_start3A_90 = tpu.memref_slice %arg13[%dma_start3A_88, %dma_start3A_89] : memref<10000x128xbf16, #tpu.memory_space<vmem_shared>> -> memref<640x128xbf16, #tpu.memory_space<vmem_shared>>
        tpu.enqueue_dma source(%dma_start3A_90 : memref<640x128xbf16, #tpu.memory_space<vmem_shared>>) target(%dma_start3A_87 : memref<640x128xbf16, #tpu.memory_space<hbm>>) target_semaphore(%run_scoped3A : memref<!tpu.dma_semaphore, #tpu.memory_space<semaphore_mem>>)
        %dma_wait3A_91 = arith.constant 9360 : i32
        %dma_wait3A_92 = arith.constant 0 : i32
        %dma_wait3A_93 = tpu.memref_slice %arg6[%arg0, %dma_wait3A_91, %dma_wait3A_92] : memref<2x10000x128xbf16, #tpu.memory_space<hbm>> -> memref<1x640x128xbf16, #tpu.memory_space<hbm>>
        %dma_wait3A_94 = tpu.memref_squeeze %dma_wait3A_93 : memref<1x640x128xbf16, #tpu.memory_space<hbm>> -> memref<640x128xbf16, #tpu.memory_space<hbm>>
        %dma_wait3A_95 = arith.constant 9360 : i32
        %dma_wait3A_96 = arith.constant 0 : i32
        %dma_wait3A_97 = tpu.memref_slice %arg13[%dma_wait3A_95, %dma_wait3A_96] : memref<10000x128xbf16, #tpu.memory_space<vmem_shared>> -> memref<640x128xbf16, #tpu.memory_space<vmem_shared>>
        tpu.wait_dma2 semaphore(%run_scoped3A : memref<!tpu.dma_semaphore, #tpu.memory_space<semaphore_mem>>) src(%dma_wait3A_97 : memref<640x128xbf16, #tpu.memory_space<vmem_shared>>) dst(%dma_wait3A_94 : memref<640x128xbf16, #tpu.memory_space<hbm>>)
        tpu.yield
      }) : () -> ()
    } else {
    }
    return
  }
}

module attributes {stable_mosaic.version = 14 : i64} {
  func.func @body(%arg0: memref<10000x2xf32, #tpu.memory_space<vmem>>, %arg1: memref<10000x128xf32, #tpu.memory_space<vmem>>, %arg2: memref<128x128xf32, #tpu.memory_space<vmem>>, %arg3: memref<1x128xf32, #tpu.memory_space<vmem>>, %arg4: memref<10000x128xbf16, #tpu.memory_space<vmem>>, %arg5: memref<10000x1xf32, #tpu.memory_space<vmem>>) attributes {dimension_semantics = [], scalar_prefetch = 0 : i64, scratch_operands = 0 : i64, tpu.core_type = #tpu.core_type<tc>} {
    %get3A = arith.constant 0 : index
    %get3A_0 = arith.constant 0 : index
    %get3A_1 = vector.load %arg0[%get3A, %get3A_0] : memref<10000x2xf32, #tpu.memory_space<vmem>>, vector<10000x1xf32>
    %get3A_2 = arith.constant 0 : index
    %get3A_3 = arith.constant 1 : index
    %get3A_4 = vector.load %arg0[%get3A_2, %get3A_3] : memref<10000x2xf32, #tpu.memory_space<vmem>>, vector<10000x1xf32>
    %add3A = arith.addf %get3A_1, %get3A_4 : vector<10000x1xf32>
    %add3A_5 = arith.constant 1.000000e+00 : f32
    %add3A_6 = vector.broadcast %add3A_5 : f32 to vector<10000x1xf32>
    %add3A_7 = arith.addf %add3A, %add3A_6 : vector<10000x1xf32>
    %rsqrt3A = math.rsqrt %add3A_7 : vector<10000x1xf32>
    %swap3A = arith.constant 0 : index
    %swap3A_8 = arith.constant 0 : index
    %swap3A_9 = vector.load %arg5[%swap3A, %swap3A_8] : memref<10000x1xf32, #tpu.memory_space<vmem>>, vector<10000x1xf32>
    tpu.vector_store %arg5[%swap3A, %swap3A_8], %rsqrt3A {strides = array<i32>} : memref<10000x1xf32, #tpu.memory_space<vmem>>, vector<10000x1xf32>,
    %get3A_10 = arith.constant 0 : index
    %get3A_11 = arith.constant 0 : index
    %get3A_12 = vector.load %arg1[%get3A_10, %get3A_11] : memref<10000x128xf32, #tpu.memory_space<vmem>>, vector<10000x128xf32>
    %get3A_13 = arith.constant 0 : index
    %get3A_14 = arith.constant 0 : index
    %get3A_15 = vector.load %arg2[%get3A_13, %get3A_14] : memref<128x128xf32, #tpu.memory_space<vmem>>, vector<128x128xf32>
    %dot_general3A = arith.constant dense<0.000000e+00> : vector<10000x128xf32>
    %dot_general3A_16 = tpu.matmul %get3A_12, %get3A_15, %dot_general3A {dimension_numbers = #tpu.dot_dimension_numbers<[1], [0], [0], [1], [0, 0, 1, 1], [], []>, transpose_lhs_hint = false} : vector<10000x128xf32>, vector<128x128xf32>, vector<10000x128xf32> -> vector<10000x128xf32>
    %get3A_17 = arith.constant 0 : index
    %get3A_18 = arith.constant 0 : index
    %get3A_19 = vector.load %arg3[%get3A_17, %get3A_18] : memref<1x128xf32, #tpu.memory_space<vmem>>, vector<1x128xf32>
    %add3A_20 = vector.broadcast %get3A_19 : vector<1x128xf32> to vector<10000x128xf32>
    %add3A_21 = arith.addf %dot_general3A_16, %add3A_20 : vector<10000x128xf32>
    %mul3A = vector.broadcast %rsqrt3A : vector<10000x1xf32> to vector<10000x128xf32>
    %mul3A_22 = arith.mulf %mul3A, %add3A_21 : vector<10000x128xf32>
    %convert_element_type3A = arith.truncf %mul3A_22 : vector<10000x128xf32> to vector<10000x128xbf16>
    %swap3A_23 = arith.constant 0 : index
    %swap3A_24 = arith.constant 0 : index
    %swap3A_25 = vector.load %arg4[%swap3A_23, %swap3A_24] : memref<10000x128xbf16, #tpu.memory_space<vmem>>, vector<10000x128xbf16>
    tpu.vector_store %arg4[%swap3A_23, %swap3A_24], %convert_element_type3A {strides = array<i32>} : memref<10000x128xbf16, #tpu.memory_space<vmem>>, vector<10000x128xbf16>,
    return
  }
}

module attributes {stable_mosaic.version = 14 : i64} {
  func.func @body(%arg0: memref<2x10000x128xbf16, #tpu.memory_space<vmem>>, %arg1: memref<10000x128xbf16, #tpu.memory_space<vmem>>, %arg2: memref<10000x1xf32, #tpu.memory_space<vmem>>, %arg3: memref<128x128xf32, #tpu.memory_space<vmem>>, %arg4: memref<1x128xf32, #tpu.memory_space<vmem>>, %arg5: memref<10000x128xbf16, #tpu.memory_space<vmem>>) attributes {dimension_semantics = [], scalar_prefetch = 0 : i64, scratch_operands = 0 : i64, tpu.core_type = #tpu.core_type<tc>} {
    %get3A = arith.constant 0 : index
    %get3A_0 = arith.constant 0 : index
    %get3A_1 = vector.load %arg2[%get3A, %get3A_0] : memref<10000x1xf32, #tpu.memory_space<vmem>>, vector<10000x1xf32>
    %get3A_2 = arith.constant 0 : index
    %get3A_3 = arith.constant 0 : index
    %get3A_4 = arith.constant 0 : index
    %get3A_5 = vector.load %arg0[%get3A_2, %get3A_3, %get3A_4] : memref<2x10000x128xbf16, #tpu.memory_space<vmem>>, vector<1x10000x128xbf16>
    %get3A_6 = vector.shape_cast %get3A_5 : vector<1x10000x128xbf16> to vector<10000x128xbf16>
    %convert_element_type3A = arith.extf %get3A_6 : vector<10000x128xbf16> to vector<10000x128xf32>
    %get3A_7 = arith.constant 1 : index
    %get3A_8 = arith.constant 0 : index
    %get3A_9 = arith.constant 0 : index
    %get3A_10 = vector.load %arg0[%get3A_7, %get3A_8, %get3A_9] : memref<2x10000x128xbf16, #tpu.memory_space<vmem>>, vector<1x10000x128xbf16>
    %get3A_11 = vector.shape_cast %get3A_10 : vector<1x10000x128xbf16> to vector<10000x128xbf16>
    %convert_element_type3A_12 = arith.extf %get3A_11 : vector<10000x128xbf16> to vector<10000x128xf32>
    %add3A = arith.addf %convert_element_type3A, %convert_element_type3A_12 : vector<10000x128xf32>
    %get3A_13 = arith.constant 0 : index
    %get3A_14 = arith.constant 0 : index
    %get3A_15 = vector.load %arg1[%get3A_13, %get3A_14] : memref<10000x128xbf16, #tpu.memory_space<vmem>>, vector<10000x128xbf16>
    %convert_element_type3A_16 = arith.extf %get3A_15 : vector<10000x128xbf16> to vector<10000x128xf32>
    %add3A_17 = arith.addf %add3A, %convert_element_type3A_16 : vector<10000x128xf32>
    %mul3A = vector.broadcast %get3A_1 : vector<10000x1xf32> to vector<10000x128xf32>
    %mul3A_18 = arith.mulf %mul3A, %add3A_17 : vector<10000x128xf32>
    %max3A = arith.constant 0.000000e+00 : f32
    %max3A_19 = vector.broadcast %max3A : f32 to vector<10000x128xf32>
    %max3A_20 = arith.maximumf %mul3A_18, %max3A_19 : vector<10000x128xf32>
    %get3A_21 = arith.constant 0 : index
    %get3A_22 = arith.constant 0 : index
    %get3A_23 = vector.load %arg3[%get3A_21, %get3A_22] : memref<128x128xf32, #tpu.memory_space<vmem>>, vector<128x128xf32>
    %dot_general3A = arith.constant dense<0.000000e+00> : vector<10000x128xf32>
    %dot_general3A_24 = tpu.matmul %max3A_20, %get3A_23, %dot_general3A {dimension_numbers = #tpu.dot_dimension_numbers<[1], [0], [0], [1], [0, 0, 1, 1], [], []>, transpose_lhs_hint = false} : vector<10000x128xf32>, vector<128x128xf32>, vector<10000x128xf32> -> vector<10000x128xf32>
    %get3A_25 = arith.constant 0 : index
    %get3A_26 = arith.constant 0 : index
    %get3A_27 = vector.load %arg4[%get3A_25, %get3A_26] : memref<1x128xf32, #tpu.memory_space<vmem>>, vector<1x128xf32>
    %add3A_28 = vector.broadcast %get3A_27 : vector<1x128xf32> to vector<10000x128xf32>
    %add3A_29 = arith.addf %dot_general3A_24, %add3A_28 : vector<10000x128xf32>
    %mul3A_30 = vector.broadcast %get3A_1 : vector<10000x1xf32> to vector<10000x128xf32>
    %mul3A_31 = arith.mulf %mul3A_30, %add3A_29 : vector<10000x128xf32>
    %convert_element_type3A_32 = arith.truncf %mul3A_31 : vector<10000x128xf32> to vector<10000x128xbf16>
    %swap3A = arith.constant 0 : index
    %swap3A_33 = arith.constant 0 : index
    %swap3A_34 = vector.load %arg5[%swap3A, %swap3A_33] : memref<10000x128xbf16, #tpu.memory_space<vmem>>, vector<10000x128xbf16>
    tpu.vector_store %arg5[%swap3A, %swap3A_33], %convert_element_type3A_32 {strides = array<i32>} : memref<10000x128xbf16, #tpu.memory_space<vmem>>, vector<10000x128xbf16>,
    return
  }
}

module attributes {stable_mosaic.version = 14 : i64} {
  func.func @body(%arg0: memref<2x10000x128xbf16, #tpu.memory_space<vmem>>, %arg1: memref<10000x128xbf16, #tpu.memory_space<vmem>>, %arg2: memref<10000x1xf32, #tpu.memory_space<vmem>>, %arg3: memref<128x64xf32, #tpu.memory_space<vmem>>, %arg4: memref<1x64xf32, #tpu.memory_space<vmem>>, %arg5: memref<10000x64xf32, #tpu.memory_space<vmem>>) attributes {dimension_semantics = [], scalar_prefetch = 0 : i64, scratch_operands = 0 : i64, tpu.core_type = #tpu.core_type<tc>} {
    %get3A = arith.constant 0 : index
    %get3A_0 = arith.constant 0 : index
    %get3A_1 = vector.load %arg2[%get3A, %get3A_0] : memref<10000x1xf32, #tpu.memory_space<vmem>>, vector<10000x1xf32>
    %get3A_2 = arith.constant 0 : index
    %get3A_3 = arith.constant 0 : index
    %get3A_4 = arith.constant 0 : index
    %get3A_5 = vector.load %arg0[%get3A_2, %get3A_3, %get3A_4] : memref<2x10000x128xbf16, #tpu.memory_space<vmem>>, vector<1x10000x128xbf16>
    %get3A_6 = vector.shape_cast %get3A_5 : vector<1x10000x128xbf16> to vector<10000x128xbf16>
    %convert_element_type3A = arith.extf %get3A_6 : vector<10000x128xbf16> to vector<10000x128xf32>
    %get3A_7 = arith.constant 1 : index
    %get3A_8 = arith.constant 0 : index
    %get3A_9 = arith.constant 0 : index
    %get3A_10 = vector.load %arg0[%get3A_7, %get3A_8, %get3A_9] : memref<2x10000x128xbf16, #tpu.memory_space<vmem>>, vector<1x10000x128xbf16>
    %get3A_11 = vector.shape_cast %get3A_10 : vector<1x10000x128xbf16> to vector<10000x128xbf16>
    %convert_element_type3A_12 = arith.extf %get3A_11 : vector<10000x128xbf16> to vector<10000x128xf32>
    %add3A = arith.addf %convert_element_type3A, %convert_element_type3A_12 : vector<10000x128xf32>
    %get3A_13 = arith.constant 0 : index
    %get3A_14 = arith.constant 0 : index
    %get3A_15 = vector.load %arg1[%get3A_13, %get3A_14] : memref<10000x128xbf16, #tpu.memory_space<vmem>>, vector<10000x128xbf16>
    %convert_element_type3A_16 = arith.extf %get3A_15 : vector<10000x128xbf16> to vector<10000x128xf32>
    %add3A_17 = arith.addf %add3A, %convert_element_type3A_16 : vector<10000x128xf32>
    %mul3A = vector.broadcast %get3A_1 : vector<10000x1xf32> to vector<10000x128xf32>
    %mul3A_18 = arith.mulf %mul3A, %add3A_17 : vector<10000x128xf32>
    %get3A_19 = arith.constant 0 : index
    %get3A_20 = arith.constant 0 : index
    %get3A_21 = vector.load %arg3[%get3A_19, %get3A_20] : memref<128x64xf32, #tpu.memory_space<vmem>>, vector<128x64xf32>
    %dot_general3A = arith.constant dense<0.000000e+00> : vector<10000x64xf32>
    %dot_general3A_22 = tpu.matmul %mul3A_18, %get3A_21, %dot_general3A {dimension_numbers = #tpu.dot_dimension_numbers<[1], [0], [0], [1], [0, 0, 1, 1], [], []>, transpose_lhs_hint = false} : vector<10000x128xf32>, vector<128x64xf32>, vector<10000x64xf32> -> vector<10000x64xf32>
    %get3A_23 = arith.constant 0 : index
    %get3A_24 = arith.constant 0 : index
    %get3A_25 = vector.load %arg4[%get3A_23, %get3A_24] : memref<1x64xf32, #tpu.memory_space<vmem>>, vector<1x64xf32>
    %add3A_26 = vector.broadcast %get3A_25 : vector<1x64xf32> to vector<10000x64xf32>
    %add3A_27 = arith.addf %dot_general3A_22, %add3A_26 : vector<10000x64xf32>
    %swap3A = arith.constant 0 : index
    %swap3A_28 = arith.constant 0 : index
    %swap3A_29 = vector.load %arg5[%swap3A, %swap3A_28] : memref<10000x64xf32, #tpu.memory_space<vmem>>, vector<10000x64xf32>
    tpu.vector_store %arg5[%swap3A, %swap3A_28], %add3A_27 {strides = array<i32>} : memref<10000x64xf32, #tpu.memory_space<vmem>>, vector<10000x64xf32>,
    return
  }
}

</mosaic_0001>

<sc_bundles>
// kernel: kernel.10.cloned.1.call-start
scs
__scs_entry_jumppad:
0x0: {  	(pc) =	sbr.rel $0x88, $3  }
0x1: {  	(tag) =	ssettag $0x0;
	lr =	simm.s32 $0x1  }
0x2: {  	[smem:$0x3F97] =	sst lr;
	_ =	strace $0xD0000000  }
0x3: {  	_ = 	snop  }
0x4: {  	_ = 	snop  }
0x5: {  	_ = 	snop  }
0x6: {  	_ = 	snop  }
0x7: {  	_ = 	snop  }
__scs_overlays_trampoline_lowered:
0x8: {  	[smem:$0x3FA6] =	sst s0  }
0x9: {  	[smem:$0x3FA7] =	sst s1  }
0xa: {  	[smem:$0x3FA8] =	sst s2  }
0xb: {  	[smem:$0x3FA9] =	sst s3  }
0xc: {  	[smem:$0x3FAA] =	sst s4  }
0xd: {  	[smem:$0x3FAB] =	sst s5  }
0xe: {  	[smem:$0x3FAC] =	sst s6  }
0xf: {  	[smem:$0x3FAD] =	sst s7  }
0x10: {  	[smem:$0x3FAE] =	sst s8  }
0x11: {  	[smem:$0x3FAF] =	sst s9;
	s0 =	simm.s32 @!p0 $0x0  }
0x12: {  	s1 =	sld [smem:$0x3F95];
	s0 =	simm.s32 @p0 $0x1  }
0x13: {  	[smem:$0x3FB0] =	sst s0;
	s0 =	simm.s32 @!p1 $0x0  }
0x14: {  	s2 =	sld [smem:$0x3F94];
	s0 =	simm.s32 @p1 $0x1  }
0x15: {  	[smem:$0x3FB1] =	sst s0;
	s0 =	simm.s32 @!p2 $0x0  }
0x16: {  	s3 =	sld [smem:$0x3FDB];
	s0 =	simm.s32 @p2 $0x1  }
0x17: {  	s4 =	simm.s32 $0x1BF5;
	[smem:$0x3FB3] =	sst s0  }
0x18: {  	s0 =	sld [smem:$0x3F96];
	_ =	swait.ge [sflag:s4], $0x0  }
0x19: {  	s7 =	sld [smem:$0x3F97]  }
0x1a: {  	s8 =	sadd.s32 $0xFFFFE003, lr  }
0x1b: {  	s9 =	sadd.s32 $0xFFFFFEF7, lr;
	s5 =	simm.s32 $0xFFFFFFFF;
	p2 =	slt.u32 s8, $0xFFFFF086  }
0x1c: {  	p1 =	slt.u32 s9, $0xF7A;
	s5 =	simm.s32 @!p2 $0x0  }
0x1d: {  	s5 =	simm.s32 @p1 $0x1;
	p0 =	seq.s32 s7, s2  }
0x1e: {  	s7 =	smul.u32 @!p0 $0xF7A, s2;
	p2 =	seq.s32 @!p0 s5, $0x0  }
0x1f: {  	s9 =	smul.u32 $0xF7A, s1;
	s8 =	simm.s32 @!p0 $0x1BF5;
	p2 =	por !p2, p0  }
0x20: {  	[sflag:s8] =	ssyncset.s32 @!p0 $0xFFFFF086;
	s6 =	sadd.s32 @!p0 s3, s7;
	s7 =	simm.s32 @!p0 $0x108  }
0x21: {  	s3 =	sadd.s32 s3, s9;
	s6 =	sadd.s32 @!p0 $0x88, s6;
	s7 =	simm.s32 @p2 $0x1082  }
0x22: {  	[simem:s7], [sflag:s8] =	dma.local @!p0 [hbm:s6], $0xF7A  }
0x23: {  	s9 =	sor.u32 $0xD0000000, s2;
	s6 =	simm.s32 $0x108;
	_ =	swait.ge @!p0 [sflag:s8], $0x0  }
0x24: {  	s3 =	sadd.s32 $0x88, s3;
	s6 =	simm.s32 @!p1 $0x1082;
	[sflag:s4] =	ssyncset.s32 $0xFFFFF086  }
0x25: {  	[simem:s6], [sflag:s4] =	dma.local [hbm:s3], $0xF7A  }
0x26: {  	[smem:$0x3F97] =	sst s1;
	(tag) =	ssettag s2;
	_ =	strace s9  }
0x27: {  	s1 =	sld [smem:$0x3FA7]  }
0x28: {  	s2 =	sld [smem:$0x3FA8]  }
0x29: {  	s4 =	sld [smem:$0x3FAA]  }
0x2a: {  	p0 =	seq.s32 s5, $0x0;
	s5 =	sld [smem:$0x3FAB]  }
0x2b: {  	s6 =	sld [smem:$0x3FAC]  }
0x2c: {  	s7 =	sld [smem:$0x3FAD]  }
0x2d: {  	s3 =	simm.s32 $0x108;
	s8 =	sld [smem:$0x3FAE]  }
0x2e: {  	s3 =	simm.s32 @!p0 $0x1082;
	s9 =	sld [smem:$0x3FAF]  }
0x2f: {  	lr =	sadd.s32 s0, s3;
	s0 =	sld [smem:$0x3FA6]  }
0x30: {  	s3 =	sld [smem:$0x3FA9]  }
0x31: {  	[smem:$0x3FB2] =	sst s10  }
0x32: {  	s10 =	sld [smem:$0x3FB0];
	_ =	sdelay $0x3  }
0x33: {  	p0 =	seq.s32 s10, $0x1;
	s10 =	sld [smem:$0x3FB2];
	_ =	sdelay $0x3  }
0x34: {  	[smem:$0x3FB2] =	sst s10  }
0x35: {  	s10 =	sld [smem:$0x3FB1];
	_ =	sdelay $0x3  }
0x36: {  	p1 =	seq.s32 s10, $0x1;
	s10 =	sld [smem:$0x3FB2];
	_ =	sdelay $0x3  }
0x37: {  	[smem:$0x3FB2] =	sst s10  }
0x38: {  	s10 =	sld [smem:$0x3FB3]  }
0x39: {  	_ = 	snop;
	(pc) =	sbr.ind lr, $3  }
0x3a: {  	_ = 	snop  }
0x3b: {  	_ = 	snop  }
0x3c: {  	p2 =	seq.s32 s10, $0x1;
	s10 =	sld [smem:$0x3FB2]  }
0x3d: {  	_ =	shalt  }
0x3e: {  	_ =	shalt  }
0x3f: {  	_ =	shalt  }
0x40: {  	_ =	shalt  }
0x41: {  	_ =	shalt  }
0x42: {  	_ =	shalt  }
0x43: {  	_ =	shalt  }
0x44: {  	_ =	shalt  }
0x45: {  	_ =	shalt  }
0x46: {  	_ =	shalt  }
0x47: {  	_ =	shalt  }
0x48: {  	_ =	shalt  }
0x49: {  	_ =	shalt  }
0x4a: {  	_ =	shalt  }
0x4b: {  	_ =	shalt  }
0x4c: {  	_ =	shalt  }
0x4d: {  	_ =	shalt  }
0x4e: {  	_ =	shalt  }
0x4f: {  	_ =	shalt  }
0x50: {  	_ =	shalt  }
0x51: {  	_ =	shalt  }
0x52: {  	_ =	shalt  }
0x53: {  	_ =	shalt  }
0x54: {  	_ =	shalt  }
0x55: {  	_ =	shalt  }
0x56: {  	_ =	shalt  }
0x57: {  	_ =	shalt  }
0x58: {  	_ =	shalt  }
0x59: {  	_ =	shalt  }
0x5a: {  	_ =	shalt  }
0x5b: {  	_ =	shalt  }
0x5c: {  	_ =	shalt  }
0x5d: {  	_ =	shalt  }
0x5e: {  	_ =	shalt  }
0x5f: {  	_ =	shalt  }
0x60: {  	_ =	shalt  }
0x61: {  	_ =	shalt  }
0x62: {  	_ =	shalt  }
0x63: {  	_ =	shalt  }
0x64: {  	_ =	shalt  }
0x65: {  	_ =	shalt  }
0x66: {  	_ =	shalt  }
0x67: {  	_ =	shalt  }
0x68: {  	_ =	shalt  }
0x69: {  	_ =	shalt  }
0x6a: {  	_ =	shalt  }
0x6b: {  	_ =	shalt  }
0x6c: {  	_ =	shalt  }
0x6d: {  	_ =	shalt  }
0x6e: {  	_ =	shalt  }
0x6f: {  	_ =	shalt  }
0x70: {  	_ =	shalt  }
0x71: {  	_ =	shalt  }
0x72: {  	_ =	shalt  }
0x73: {  	_ =	shalt  }
0x74: {  	_ =	shalt  }
0x75: {  	_ =	shalt  }
0x76: {  	_ =	shalt  }
0x77: {  	_ =	shalt  }
0x78: {  	_ =	shalt  }
0x79: {  	_ =	shalt  }
0x7a: {  	_ =	shalt  }
0x7b: {  	_ =	shalt  }
0x7c: {  	_ =	shalt  }
0x7d: {  	_ =	shalt  }
0x7e: {  	_ =	shalt  }
0x7f: {  	_ =	shalt  }
0x80: {  	_ =	shalt  }
0x81: {  	_ =	shalt  }
0x82: {  	_ =	shalt  }
0x83: {  	_ =	shalt  }
0x84: {  	_ =	shalt  }
0x85: {  	_ =	shalt  }
0x86: {  	_ =	shalt  }
0x87: {  	_ =	shalt  }
.Lfunc_end0:
.L_simem_size_0:
called_computation_lowered:
.L_overlay_start_0:
0x88: {  	s2 =	sld [smem:$0x3FD9]  }
0x89: {  	s3 =	sld [smem:$0x3FFE];
	_ =	sdelay $0x1  }
0x8a: {  	s1 =	srdreg.scid  }
0x8b: {  	s0 =	sand.u32 $0x1, s1  }
0x8c: {  	s17 =	sshll.u32 s0, $0xA;
	s2 =	sadd.s32 s3, s2  }
0x8d: {  	s2 =	sadd.s32 s2, s17  }
0x8e: {  	[smem:$0x3FBE] =	sst s2  }
0x8f: {  	_ = 	snop  }
0x90: {  	s2 =	sld [smem:$0x3FD0];
	(tm) =	ssettm $0x1  }
0x91: {  	s18 =	sld [smem:$0x3FFB];
	_ =	sdelay $0x3  }
0x92: {  	_ =	strace s18  }
0x93: {  	s3 =	sld [smem:$0x3FFC];
	_ =	sdelay $0x3  }
0x94: {  	_ =	strace s3  }
0x95: {  	s3 =	sld [smem:$0x3FFD];
	_ =	sdelay $0x3  }
0x96: {  	_ =	strace s3  }
0x97: {  	_ =	strace $0x8FFFFFFF  }
0x98: {  	s19 =	sld [smem:$0x3FDB];
	_ =	sdelay $0x1  }
0x99: {  	s4 =	simm.s32 $_scs_section_size  }
0x9a: {  	s5 =	simm.s32 $_size__tile_overlayer_lowered;
	s6 =	simm.s32 $_tile_overlayer_lowered  }
0x9b: {  	s22 =	simm.s32 $0x1BFF;
	s21 =	sshll.u32 s6, $0x1;
	s3 =	sadd.s32 s4, s19  }
0x9c: {  	s7 =	simm.s32 $0x0;
	s20 =	sshll.u32 s5, $0x1;
	s5 =	sadd.s32 s21, s3  }
0x9d: {  	[timem:s7], [sflag:s22] =	dma.local [hbm:s5], s20  }
0x9e: {  	_ =	swait.ge [sflag:s22], s20  }
0x9f: {  	s4 =	ssub.s32 $0x0, s20;
	[sflag:s22] =	ssyncset.done $0x0  }
0xa0: {  	[sflag:s22] =	ssyncadd.s32 s4;
	_ =	sdelay $0x1  }
0xa1: {  	s23 =	simm.s32 $0x1B8B  }
0xa2: {  	_ =	swait.ge [sflag:s23], $0x1  }
0xa3: {  	[sflag:s23] =	ssyncset.done $0x0  }
0xa4: {  	s25 =	simm.s32 $0x1B8E;
	s24 =	sld [smem:$0x3FFE];
	[sflag:s23] =	ssyncadd.s32 $0xFFFFFFFF  }
0xa5: {  	s26 =	simm.s32 $execute0_lowered;
	[smem:$0x3FD2] =	sst s25  }
0xa6: {  	s5 =	sshll.u32 s26, $0x1;
	_ =	strace $0x80000046;
	[dreg:$0x1] =	wrdreg $0xFFFFFFFF  }
0xa7: {  	s28 =	simm.s32 $_size_execute0_lowered;
	s3 =	sadd.s32 s3, s5;
	[dreg:$0x0] =	wrdreg $0x0  }
0xa8: {  	s5 =	sshll.u32 s28, $0x1;
	[dreg:$0x2] =	wrdreg s3  }
0xa9: {  	[dreg:$0x3] =	wrdreg s5  }
0xaa: {  	[dreg:$0x4] =	wrdreg $0xC0  }
0xab: {  	_ =	task [dreg:s7], $0x5FFFF  }
0xac: {  	[dreg:$0x1] =	wrdreg $0xFFFFFFFF  }
0xad: {  	[dreg:$0x0] =	wrdreg $0x60  }
0xae: {  	[dreg:$0x2] =	wrdreg s2  }
0xaf: {  	[dreg:$0x3] =	wrdreg s24  }
0xb0: {  	[dreg:$0x4] =	wrdreg $0x28800  }
0xb1: {  	[dreg:$0x5] =	wrdreg $0x9  }
0xb2: {  	_ =	task.clear_ibuf [dreg:s7], $0x6FFFF;
	_ =	strace $0x90000046  }
0xb3: {  	s29 =	simm.s32 $0x9;
	_ =	strace $0x80000048  }
0xb4: {  	_ =	swait.ge [sflag:s29], $0x1  }
0xb5: {  	[sflag:s29] =	ssyncadd.s32 $0xFFFFFFFF  }
0xb6: {  	_ =	strace $0x90000048  }
0xb7: {  	_ =	sfence  }
0xb8: {  	s30 =	sld [smem:$0x0];
	_ =	sdelay $0x2  }
0xb9: {  	s31 =	sshll.u32 s1, $0xD;
	s1 =	sshrl.u32 s1, $0x2  }
0xba: {  	s3 =	sand.u32 $0x4000, s31;
	s1 =	sadd.s32 s1, s30  }
0xbb: {  	s0 =	sor.u32 s3, s0;
	s1 =	sshll.u32 s1, $0x11  }
0xbc: {  	s0 =	sor.u32 s1, s0  }
0xbd: {  	s0 =	sadd.s32 $0x8F2B, s0  }
0xbe: {  	[sflag:s0] =	ssyncadd.remote.s32 $0x1  }
0xbf: {  	_ =	sfence.sel $0xFFFF  }
0xc0: {  	[dreg:$0x0] =	wrdreg $0xFFFFFFFF;
	(pc) =	sbr.abs _section_cstart, $3  }
0xc1: {  	[dreg:$0x1] =	wrdreg $0xFFFFFFFF  }
0xc2: {  	_ =	task.clear_ibuf [dreg:s7], $0x2FFFF;
	_ =	strace $0x9FFFFFFF  }
0xc3: {  	(tm) =	ssettm $0x7FFFFFFF  }
tec
execute0_lowered:
.L_overlay_start_1:
0x0: {  	(tag) =	ssettag $0x1  }
0x1: {  	s4 =	rddreg [dreg:$0x0]  }
0x2: {  	s5 =	rddreg [dreg:$0x1]  }
0x3: {  	s1 =	rddreg [dreg:$0x2]  }
0x4: {  	s0 =	rddreg [dreg:$0x3];
	s3 =	srdreg.scid  }
0x5: {  	s7 =	stileid.u32;
	s2 =	simm.s32 $0x0;
	s11 =	simm.s32 $0x2  }
0x6: {  	s12 =	simm.s32 $0x0;
	s6 =	sand.u32 $0x1, s3;
	s30 =	sshll.u32 s7, $0x1  }
0x7: {  	[smem:$0x7FF] =	sst s2;
	p0 =	sne.s32 s7, $0x0;
	s3 =	sor.u32 s6, s30  }
0x8: {  	_ =	strace $0x80000047;
	s8 =	ssub.s32 $0x2, s6;
	s6 =	sshll.u32 s6, $0x4  }
0x9: {  	s7 =	sshrl.u32 @!p0 s1, $0x3;
	s9 =	smul.u32 $0x500, s3;
	s10 =	sshrl.u32 s8, $0x1  }
0xa: {  	s3 =	sadd.s32 $0x2400, s5;
	s5 =	sadd.s32 s6, s5;
	s31 =	ssub.s32 s8, s10  }
0xb: {  	s5 =	sadd.s32 $0x2A00, s5;
	s8 =	simm.s32 $0x1;
	s10 =	simm.s32 $0x2800  }
0xc: {  	v0 =	vimm.f32 $1.000000000e+00;
	s4 =	sadd.s32 s4, s9;
	s6 =	smax.u32 s31, $0x1;
	s9 =	simm.s32 $0x7D  }
.LBB2_1:
0xd: {  	[tilespmem:$0x2800] =	vst v0  }
0xe: {  	[tilespmem:$0x2810] =	vst v0  }
0xf: {  	[tilespmem:$0x2820] =	vst v0  }
0x10: {  	[tilespmem:$0x2830] =	vst v0  }
0x11: {  	[tilespmem:$0x2840] =	vst v0  }
0x12: {  	[tilespmem:$0x2850] =	vst v0  }
0x13: {  	[tilespmem:$0x2860] =	vst v0  }
0x14: {  	[tilespmem:$0x2870] =	vst v0;
	s13 =	simm.s32 @!p0 $0x1C02  }
0x15: {  	[spmem:s7], [sflag:s13] =	dma.local @!p0 [hbm:s3], $0x4F0  }
0x16: {  	s13 =	simm.s32 @!p0 $0x2  }
0x17: {  	_ =	swait.ge @!p0 [sflag:s13], $0x4F0  }
0x18: {  	[sflag:s13] =	ssyncset.done @!p0 $0x0  }
0x19: {  	[sflag:s13] =	ssyncadd.s32 @!p0 $0xFFFFFB10  }
0x1a: {  	[tilespmem:s2], [sflag:$0x1] =	stream.linear.gather [hbm4b:s4+s2], $0x2800, $0x38;
	[tilespmem:$0x2AF8] =	vst v63  }
0x1b: {  	_ =	swait.ge [sflag:s8], $0x2800  }
0x1c: {  	[sflag:s8] =	ssyncset.done $0x0  }
0x1d: {  	[sflag:s8] =	ssyncadd.s32 $0xFFFFD800  }
0x1e: {  	s31 =	simm.s32 $0x0;
	[bflag:$0x0] =	sbarrier.arrive $0xFFFF  }
0x1f: {  	[spmem:s1] =	stream.indirect.scatter.add.f32 [tilespmem:s10], [sflag:$0x2], $0x1, s31, s9, $0xb8;
	[tilespmem:$0x2AF8] =	vst v63  }
0x20: {  	_ =	swait.ge [sflag:s11], $0x7D  }
0x21: {  	s13 =	simm.s32 $0x200;
	[sflag:s11] =	ssyncset.done $0x0  }
.LBB2_2:
0x22: {  	s14 =	sshra.s32 s13, $0x2;
	[sflag:s11] =	ssyncadd.s32 $0xFFFFFF83;
	p1 =	sne.s32 s13, $0x9E00  }
0x23: {  	[spmem:s1] =	stream.indirect.scatter.add.f32 [tilespmem:s10], [sflag:$0x2], $0x1, s14, s9, $0xb8;
	[tilespmem:$0x2AF8] =	vst v63  }
.Ltmp0:
0x24: {  	_ = 	snop;
	(pc) =	sbr.rel @p1 .LBB2_2-.Ltmp0, $4  }
0x25: {  	_ = 	snop  }
0x26: {  	s13 =	sadd.s32 $0x200, s13  }
0x27: {  	_ =	swait.ge [sflag:s11], $0x7D  }
0x28: {  	[sflag:s11] =	ssyncset.done $0x0  }
0x29: {  	[sflag:s11] =	ssyncadd.s32 $0xFFFFFF83;
	s13 =	simm.s32 @!p0 $0x1  }
0x2a: {  	s14 =	simm.s32 @!p0 $0x20;
	s15 =	simm.s32 @!p0 $0x10;
	s12 =	sadd.s32 $0x1, s12  }
0x2b: {  	s16 =	simm.s32 @!p0 $0x1C02;
	[bflag:$0x0] =	sbarrier.arrive $0xFFFF;
	p1 =	sne.s32 s12, s6  }
0x2c: {  	[hbm:s5@s14], [sflag:s16] =	dma.strided @!p0 [spmem:s7@s15], $0x4F0, s13, $0x10   }
.Ltmp1:
0x2d: {  	_ = 	snop;
	(pc) =	sbr.rel @p1 .LBB2_1-.Ltmp1, $4  }
0x2e: {  	s13 =	simm.s32 @!p0 $0x2  }
0x2f: {  	_ =	swait.ge @!p0 [sflag:s13], $0x4F0  }
0x30: {  	[sflag:s13] =	ssyncset.done @!p0 $0x0  }
0x31: {  	[sflag:s13] =	ssyncadd.s32 @!p0 $0xFFFFFB10  }
0x32: {  	_ =	sfence.sel $0x180000  }
0x33: {  	[bflag:$0x0] =	sbarrier.arrive $0xFFFF  }
0x34: {  	_ =	strace $0x90000047  }
0x35: {  	s0 =	sadd.s32 @!p0 $0x100000, s0;
	[bflag:$0x2] =	sbarrier.arrive $0xFFFF  }
0x36: {  	[sflag:s0] =	ssyncadd.tile.s32 @!p0 $0x1;
	_ =	shalt  }
.Lfunc_end2:
_tile_overlayer_lowered:
.L_overlay_start_2:
0x37: {  	(tag) =	ssettag $0x2  }
0x38: {  	s0 =	rddreg [dreg:$0x0];
	s2 =	stileid.u32  }
0x39: {  	s1 =	rddreg [dreg:$0x1];
	p0 =	sne.s32 s2, $0x0  }
0x3a: {  	s3 =	rddreg [dreg:$0x2];
	[bflag:$0x3] =	sbarrier.arrive $0xFFFF;
	s2 =	simm.s32 @!p0 $0x1C02  }
0x3b: {  	[timem:s3], [sflag:s2] =	dma.local @!p0 [hbm:s0], s1  }
0x3c: {  	s0 =	simm.s32 @!p0 $0x2  }
0x3d: {  	_ =	swait.ge @!p0 [sflag:s0], s1  }
0x3e: {  	s1 =	ssub.s32 @!p0 $0x0, s1;
	[sflag:s0] =	ssyncset.done @!p0 $0x0  }
0x3f: {  	[sflag:s0] =	ssyncadd.s32 @!p0 s1  }
0x40: {  	[bflag:$0x3] =	sbarrier.arrive $0xFFFF  }
0x41: {  	_ =	shalt  }

// kernel: kernel.13.cloned.1.call-start
scs
__scs_entry_jumppad:
0x0: {  	(pc) =	sbr.rel $0x88, $3  }
0x1: {  	(tag) =	ssettag $0x0;
	lr =	simm.s32 $0x1  }
0x2: {  	[smem:$0x3F97] =	sst lr;
	_ =	strace $0xD0000000  }
0x3: {  	_ = 	snop  }
0x4: {  	_ = 	snop  }
0x5: {  	_ = 	snop  }
0x6: {  	_ = 	snop  }
0x7: {  	_ = 	snop  }
__scs_overlays_trampoline_lowered:
0x8: {  	[smem:$0x3FA6] =	sst s0  }
0x9: {  	[smem:$0x3FA7] =	sst s1  }
0xa: {  	[smem:$0x3FA8] =	sst s2  }
0xb: {  	[smem:$0x3FA9] =	sst s3  }
0xc: {  	[smem:$0x3FAA] =	sst s4  }
0xd: {  	[smem:$0x3FAB] =	sst s5  }
0xe: {  	[smem:$0x3FAC] =	sst s6  }
0xf: {  	[smem:$0x3FAD] =	sst s7  }
0x10: {  	[smem:$0x3FAE] =	sst s8  }
0x11: {  	[smem:$0x3FAF] =	sst s9;
	s0 =	simm.s32 @!p0 $0x0  }
0x12: {  	s1 =	sld [smem:$0x3F95];
	s0 =	simm.s32 @p0 $0x1  }
0x13: {  	[smem:$0x3FB0] =	sst s0;
	s0 =	simm.s32 @!p1 $0x0  }
0x14: {  	s2 =	sld [smem:$0x3F94];
	s0 =	simm.s32 @p1 $0x1  }
0x15: {  	[smem:$0x3FB1] =	sst s0;
	s0 =	simm.s32 @!p2 $0x0  }
0x16: {  	s3 =	sld [smem:$0x3FDB];
	s0 =	simm.s32 @p2 $0x1  }
0x17: {  	s4 =	simm.s32 $0x1BF5;
	[smem:$0x3FB3] =	sst s0  }
0x18: {  	s0 =	sld [smem:$0x3F96];
	_ =	swait.ge [sflag:s4], $0x0  }
0x19: {  	s7 =	sld [smem:$0x3F97]  }
0x1a: {  	s8 =	sadd.s32 $0xFFFFE003, lr  }
0x1b: {  	s9 =	sadd.s32 $0xFFFFFEF7, lr;
	s5 =	simm.s32 $0xFFFFFFFF;
	p2 =	slt.u32 s8, $0xFFFFF086  }
0x1c: {  	p1 =	slt.u32 s9, $0xF7A;
	s5 =	simm.s32 @!p2 $0x0  }
0x1d: {  	s5 =	simm.s32 @p1 $0x1;
	p0 =	seq.s32 s7, s2  }
0x1e: {  	s7 =	smul.u32 @!p0 $0xF7A, s2;
	p2 =	seq.s32 @!p0 s5, $0x0  }
0x1f: {  	s9 =	smul.u32 $0xF7A, s1;
	s8 =	simm.s32 @!p0 $0x1BF5;
	p2 =	por !p2, p0  }
0x20: {  	[sflag:s8] =	ssyncset.s32 @!p0 $0xFFFFF086;
	s6 =	sadd.s32 @!p0 s3, s7;
	s7 =	simm.s32 @!p0 $0x108  }
0x21: {  	s3 =	sadd.s32 s3, s9;
	s6 =	sadd.s32 @!p0 $0x88, s6;
	s7 =	simm.s32 @p2 $0x1082  }
0x22: {  	[simem:s7], [sflag:s8] =	dma.local @!p0 [hbm:s6], $0xF7A  }
0x23: {  	s9 =	sor.u32 $0xD0000000, s2;
	s6 =	simm.s32 $0x108;
	_ =	swait.ge @!p0 [sflag:s8], $0x0  }
0x24: {  	s3 =	sadd.s32 $0x88, s3;
	s6 =	simm.s32 @!p1 $0x1082;
	[sflag:s4] =	ssyncset.s32 $0xFFFFF086  }
0x25: {  	[simem:s6], [sflag:s4] =	dma.local [hbm:s3], $0xF7A  }
0x26: {  	[smem:$0x3F97] =	sst s1;
	(tag) =	ssettag s2;
	_ =	strace s9  }
0x27: {  	s1 =	sld [smem:$0x3FA7]  }
0x28: {  	s2 =	sld [smem:$0x3FA8]  }
0x29: {  	s4 =	sld [smem:$0x3FAA]  }
0x2a: {  	p0 =	seq.s32 s5, $0x0;
	s5 =	sld [smem:$0x3FAB]  }
0x2b: {  	s6 =	sld [smem:$0x3FAC]  }
0x2c: {  	s7 =	sld [smem:$0x3FAD]  }
0x2d: {  	s3 =	simm.s32 $0x108;
	s8 =	sld [smem:$0x3FAE]  }
0x2e: {  	s3 =	simm.s32 @!p0 $0x1082;
	s9 =	sld [smem:$0x3FAF]  }
0x2f: {  	lr =	sadd.s32 s0, s3;
	s0 =	sld [smem:$0x3FA6]  }
0x30: {  	s3 =	sld [smem:$0x3FA9]  }
0x31: {  	[smem:$0x3FB2] =	sst s10  }
0x32: {  	s10 =	sld [smem:$0x3FB0];
	_ =	sdelay $0x3  }
0x33: {  	p0 =	seq.s32 s10, $0x1;
	s10 =	sld [smem:$0x3FB2];
	_ =	sdelay $0x3  }
0x34: {  	[smem:$0x3FB2] =	sst s10  }
0x35: {  	s10 =	sld [smem:$0x3FB1];
	_ =	sdelay $0x3  }
0x36: {  	p1 =	seq.s32 s10, $0x1;
	s10 =	sld [smem:$0x3FB2];
	_ =	sdelay $0x3  }
0x37: {  	[smem:$0x3FB2] =	sst s10  }
0x38: {  	s10 =	sld [smem:$0x3FB3]  }
0x39: {  	_ = 	snop;
	(pc) =	sbr.ind lr, $3  }
0x3a: {  	_ = 	snop  }
0x3b: {  	_ = 	snop  }
0x3c: {  	p2 =	seq.s32 s10, $0x1;
	s10 =	sld [smem:$0x3FB2]  }
0x3d: {  	_ =	shalt  }
0x3e: {  	_ =	shalt  }
0x3f: {  	_ =	shalt  }
0x40: {  	_ =	shalt  }
0x41: {  	_ =	shalt  }
0x42: {  	_ =	shalt  }
0x43: {  	_ =	shalt  }
0x44: {  	_ =	shalt  }
0x45: {  	_ =	shalt  }
0x46: {  	_ =	shalt  }
0x47: {  	_ =	shalt  }
0x48: {  	_ =	shalt  }
0x49: {  	_ =	shalt  }
0x4a: {  	_ =	shalt  }
0x4b: {  	_ =	shalt  }
0x4c: {  	_ =	shalt  }
0x4d: {  	_ =	shalt  }
0x4e: {  	_ =	shalt  }
0x4f: {  	_ =	shalt  }
0x50: {  	_ =	shalt  }
0x51: {  	_ =	shalt  }
0x52: {  	_ =	shalt  }
0x53: {  	_ =	shalt  }
0x54: {  	_ =	shalt  }
0x55: {  	_ =	shalt  }
0x56: {  	_ =	shalt  }
0x57: {  	_ =	shalt  }
0x58: {  	_ =	shalt  }
0x59: {  	_ =	shalt  }
0x5a: {  	_ =	shalt  }
0x5b: {  	_ =	shalt  }
0x5c: {  	_ =	shalt  }
0x5d: {  	_ =	shalt  }
0x5e: {  	_ =	shalt  }
0x5f: {  	_ =	shalt  }
0x60: {  	_ =	shalt  }
0x61: {  	_ =	shalt  }
0x62: {  	_ =	shalt  }
0x63: {  	_ =	shalt  }
0x64: {  	_ =	shalt  }
0x65: {  	_ =	shalt  }
0x66: {  	_ =	shalt  }
0x67: {  	_ =	shalt  }
0x68: {  	_ =	shalt  }
0x69: {  	_ =	shalt  }
0x6a: {  	_ =	shalt  }
0x6b: {  	_ =	shalt  }
0x6c: {  	_ =	shalt  }
0x6d: {  	_ =	shalt  }
0x6e: {  	_ =	shalt  }
0x6f: {  	_ =	shalt  }
0x70: {  	_ =	shalt  }
0x71: {  	_ =	shalt  }
0x72: {  	_ =	shalt  }
0x73: {  	_ =	shalt  }
0x74: {  	_ =	shalt  }
0x75: {  	_ =	shalt  }
0x76: {  	_ =	shalt  }
0x77: {  	_ =	shalt  }
0x78: {  	_ =	shalt  }
0x79: {  	_ =	shalt  }
0x7a: {  	_ =	shalt  }
0x7b: {  	_ =	shalt  }
0x7c: {  	_ =	shalt  }
0x7d: {  	_ =	shalt  }
0x7e: {  	_ =	shalt  }
0x7f: {  	_ =	shalt  }
0x80: {  	_ =	shalt  }
0x81: {  	_ =	shalt  }
0x82: {  	_ =	shalt  }
0x83: {  	_ =	shalt  }
0x84: {  	_ =	shalt  }
0x85: {  	_ =	shalt  }
0x86: {  	_ =	shalt  }
0x87: {  	_ =	shalt  }
.Lfunc_end0:
.L_simem_size_0:
called_computation.1_lowered:
.L_overlay_start_0:
0x88: {  	s2 =	sld [smem:$0x3FD9]  }
0x89: {  	s3 =	sld [smem:$0x3FFE];
	_ =	sdelay $0x1  }
0x8a: {  	s1 =	srdreg.scid  }
0x8b: {  	s0 =	sand.u32 $0x1, s1  }
0x8c: {  	s17 =	sshll.u32 s0, $0xA;
	s2 =	sadd.s32 s3, s2  }
0x8d: {  	s2 =	sadd.s32 s2, s17  }
0x8e: {  	[smem:$0x3FBE] =	sst s2  }
0x8f: {  	_ = 	snop  }
0x90: {  	s2 =	sld [smem:$0x3FD0];
	(tm) =	ssettm $0x1  }
0x91: {  	s18 =	sld [smem:$0x3FFB];
	_ =	sdelay $0x3  }
0x92: {  	_ =	strace s18  }
0x93: {  	s3 =	sld [smem:$0x3FFC];
	_ =	sdelay $0x3  }
0x94: {  	_ =	strace s3  }
0x95: {  	s3 =	sld [smem:$0x3FFD];
	_ =	sdelay $0x3  }
0x96: {  	_ =	strace s3  }
0x97: {  	_ =	strace $0x8FFFFFFF  }
0x98: {  	s19 =	sld [smem:$0x3FDB];
	_ =	sdelay $0x1  }
0x99: {  	s4 =	simm.s32 $_scs_section_size  }
0x9a: {  	s5 =	simm.s32 $_size__tile_overlayer_lowered;
	s6 =	simm.s32 $_tile_overlayer_lowered  }
0x9b: {  	s22 =	simm.s32 $0x1BFF;
	s21 =	sshll.u32 s6, $0x1;
	s3 =	sadd.s32 s4, s19  }
0x9c: {  	s7 =	simm.s32 $0x0;
	s20 =	sshll.u32 s5, $0x1;
	s5 =	sadd.s32 s21, s3  }
0x9d: {  	[timem:s7], [sflag:s22] =	dma.local [hbm:s5], s20  }
0x9e: {  	_ =	swait.ge [sflag:s22], s20  }
0x9f: {  	s4 =	ssub.s32 $0x0, s20;
	[sflag:s22] =	ssyncset.done $0x0  }
0xa0: {  	[sflag:s22] =	ssyncadd.s32 s4;
	_ =	sdelay $0x1  }
0xa1: {  	s23 =	simm.s32 $0x1B8B  }
0xa2: {  	_ =	swait.ge [sflag:s23], $0x1  }
0xa3: {  	[sflag:s23] =	ssyncset.done $0x0  }
0xa4: {  	s25 =	simm.s32 $0x1B8E;
	s24 =	sld [smem:$0x3FFE];
	[sflag:s23] =	ssyncadd.s32 $0xFFFFFFFF  }
0xa5: {  	s26 =	simm.s32 $execute0_lowered;
	[smem:$0x3FD2] =	sst s25  }
0xa6: {  	s5 =	sshll.u32 s26, $0x1;
	_ =	strace $0x80000049;
	[dreg:$0x1] =	wrdreg $0xFFFFFFFF  }
0xa7: {  	s28 =	simm.s32 $_size_execute0_lowered;
	s3 =	sadd.s32 s3, s5;
	[dreg:$0x0] =	wrdreg $0x0  }
0xa8: {  	s5 =	sshll.u32 s28, $0x1;
	[dreg:$0x2] =	wrdreg s3  }
0xa9: {  	[dreg:$0x3] =	wrdreg s5  }
0xaa: {  	[dreg:$0x4] =	wrdreg $0xC0  }
0xab: {  	_ =	task [dreg:s7], $0x5FFFF  }
0xac: {  	[dreg:$0x1] =	wrdreg $0xFFFFFFFF  }
0xad: {  	[dreg:$0x0] =	wrdreg $0x60  }
0xae: {  	[dreg:$0x2] =	wrdreg s2  }
0xaf: {  	[dreg:$0x3] =	wrdreg s24  }
0xb0: {  	[dreg:$0x4] =	wrdreg $0xCD000  }
0xb1: {  	[dreg:$0x5] =	wrdreg $0x9  }
0xb2: {  	_ =	task.clear_ibuf [dreg:s7], $0x6FFFF;
	_ =	strace $0x90000049  }
0xb3: {  	s29 =	simm.s32 $0x9;
	_ =	strace $0x8000004B  }
0xb4: {  	_ =	swait.ge [sflag:s29], $0x1  }
0xb5: {  	[sflag:s29] =	ssyncadd.s32 $0xFFFFFFFF  }
0xb6: {  	_ =	strace $0x9000004B  }
0xb7: {  	_ =	sfence  }
0xb8: {  	s30 =	sld [smem:$0x0];
	_ =	sdelay $0x2  }
0xb9: {  	s31 =	sshll.u32 s1, $0xD;
	s1 =	sshrl.u32 s1, $0x2  }
0xba: {  	s3 =	sand.u32 $0x4000, s31;
	s1 =	sadd.s32 s1, s30  }
0xbb: {  	s0 =	sor.u32 s3, s0;
	s1 =	sshll.u32 s1, $0x11  }
0xbc: {  	s0 =	sor.u32 s1, s0  }
0xbd: {  	s0 =	sadd.s32 $0x8F2B, s0  }
0xbe: {  	[sflag:s0] =	ssyncadd.remote.s32 $0x1  }
0xbf: {  	_ =	sfence.sel $0xFFFF  }
0xc0: {  	[dreg:$0x0] =	wrdreg $0xFFFFFFFF;
	(pc) =	sbr.abs _section_cstart, $3  }
0xc1: {  	[dreg:$0x1] =	wrdreg $0xFFFFFFFF  }
0xc2: {  	_ =	task.clear_ibuf [dreg:s7], $0x2FFFF;
	_ =	strace $0x9FFFFFFF  }
0xc3: {  	(tm) =	ssettm $0x7FFFFFFF  }
tec
execute0_lowered:
.L_overlay_start_1:
0x0: {  	(tag) =	ssettag $0x1  }
0x1: {  	s1 =	rddreg [dreg:$0x0]  }
0x2: {  	s0 =	rddreg [dreg:$0x1];
	s2 =	srdreg.scid  }
0x3: {  	s20 =	stileid.u32;
	s3 =	rddreg [dreg:$0x2];
	s4 =	simm.s32 $0x0  }
0x4: {  	s17 =	simm.s32 $0x1;
	s18 =	simm.s32 $0x5;
	s19 =	simm.s32 $0x2  }
0x5: {  	s21 =	simm.s32 $0x7D;
	s23 =	simm.s32 $0x6F40;
	s28 =	simm.s32 $0x8E80  }
0x6: {  	s29 =	simm.s32 $0xADC0;
	s30 =	simm.s32 $0x3;
	s31 =	simm.s32 $0x4  }
0x7: {  	s26 =	simm.s32 $0x4F80;
	s2 =	sand.u32 $0x1, s2;
	s6 =	smul.u32 $0x27100, s20  }
0x8: {  	s5 =	sshll.u32 s20, $0x1;
	[smem:$0x7FF] =	sst s4;
	s13 =	smul.u32 $0x13800, s20  }
0x9: {  	s5 =	sor.u32 s2, s5;
	s7 =	ssub.s32 $0x2, s2;
	s2 =	smul.u32 $0x138800, s2  }
0xa: {  	p0 =	seq.s32 s20, $0xF;
	_ =	strace $0x8000004A;
	s5 =	smul.u32 $0x500, s5  }
0xb: {  	s8 =	sshrl.u32 s7, $0x1;
	s6 =	sshrl.u32 s6, $0x2;
	s16 =	sshrl.u32 s13, $0x1  }
0xc: {  	s15 =	ssub.s32 s7, s8;
	s6 =	sadd.s32 s6, s3;
	s14 =	sadd.s32 s13, s2  }
0xd: {  	s2 =	sshrl.u32 s2, $0x4;
	s12 =	sadd.s32 s5, s0;
	s5 =	sadd.s32 $0x17400, s0  }
0xe: {  	s0 =	sadd.s32 $0x17800, s0;
	s7 =	sadd.s32 $0x1F40, s6;
	s8 =	sadd.s32 $0x3E80, s6  }
0xf: {  	s9 =	sadd.s32 $0x5DC0, s6;
	s10 =	sadd.s32 $0x7D00, s6;
	s14 =	sshrl.u32 s14, $0x4  }
0x10: {  	s15 =	smax.u32 s15, $0x1;
	s11 =	sadd.s32 $0xD400, s12;
	s12 =	sadd.s32 $0x3400, s12  }
0x11: {  	s2 =	sadd.s32 s0, s2;
	s13 =	sadd.s32 s0, s14;
	s0 =	sadd.s32 s16, s3  }
0x12: {  	s16 =	simm.s32 $0x5000;
	s14 =	sadd.s32 $0x12480, s2;
	s2 =	sadd.s32 $0x92400, s3  }
0x13: {  	s25 =	sshrl.u32 @!p0 s0, $0x3;
	s24 =	sshrl.u32 @p0 s2, $0x3;
	s2 =	simm.s32 $0x0  }
.LBB2_1:
0x14: {  	[tilespmem:s16], [sflag:$0x1] =	stream.linear.gather [hbm4b:s5+s4], $0x1F40, $0x38;
	[tilespmem:$0x16940] =	vst v63  }
0x15: {  	_ =	swait.ge [sflag:s17], $0x1F40  }
0x16: {  	[sflag:s17] =	ssyncset.done $0x0  }
0x17: {  	[sflag:s17] =	ssyncadd.s32 $0xFFFFE0C0  }
0x18: {  	[spmem:s6] =	stream.linear.scatter [tilespmem:s16], [sflag:$0x5], $0x1F40, $0x38;
	[tilespmem:$0x16940] =	vst v63  }
0x19: {  	_ =	swait.ge [sflag:s18], $0x1F40  }
0x1a: {  	[sflag:s18] =	ssyncset.done $0x0  }
0x1b: {  	[sflag:s18] =	ssyncadd.s32 $0xFFFFE0C0  }
0x1c: {  	[spmem:s7] =	stream.linear.scatter [tilespmem:s16], [sflag:$0x5], $0x1F40, $0x38;
	[tilespmem:$0x16940] =	vst v63  }
0x1d: {  	_ =	swait.ge [sflag:s18], $0x1F40  }
0x1e: {  	[sflag:s18] =	ssyncset.done $0x0  }
0x1f: {  	[sflag:s18] =	ssyncadd.s32 $0xFFFFE0C0  }
0x20: {  	[spmem:s8] =	stream.linear.scatter [tilespmem:s16], [sflag:$0x5], $0x1F40, $0x38;
	[tilespmem:$0x16940] =	vst v63  }
0x21: {  	_ =	swait.ge [sflag:s18], $0x1F40  }
0x22: {  	[sflag:s18] =	ssyncset.done $0x0  }
0x23: {  	[sflag:s18] =	ssyncadd.s32 $0xFFFFE0C0  }
0x24: {  	[spmem:s9] =	stream.linear.scatter [tilespmem:s16], [sflag:$0x5], $0x1F40, $0x38;
	[tilespmem:$0x16940] =	vst v63  }
0x25: {  	_ =	swait.ge [sflag:s18], $0x1F40  }
0x26: {  	[sflag:s18] =	ssyncset.done $0x0  }
0x27: {  	[sflag:s18] =	ssyncadd.s32 $0xFFFFE0C0  }
0x28: {  	[spmem:s10] =	stream.linear.scatter [tilespmem:s16], [sflag:$0x5], $0x1F40, $0x38;
	[tilespmem:$0x16940] =	vst v63  }
0x29: {  	_ =	swait.ge [sflag:s18], $0x1F40  }
0x2a: {  	[sflag:s18] =	ssyncset.done $0x0  }
0x2b: {  	[sflag:s18] =	ssyncadd.s32 $0xFFFFE0C0  }
0x2c: {  	[tilespmem:s4], [sflag:$0x2] =	stream.linear.gather [hbm4b:s11+s4], $0x2800, $0x38;
	[tilespmem:$0x16940] =	vst v63  }
0x2d: {  	_ =	swait.ge [sflag:s19], $0x2800  }
0x2e: {  	[sflag:s19] =	ssyncset.done $0x0  }
0x2f: {  	s0 =	simm.s32 $0x2800;
	[sflag:s19] =	ssyncadd.s32 $0xFFFFD800  }
0x30: {  	[tilespmem:s0], [sflag:$0x2] =	stream.linear.gather [hbm4b:s12+s4], $0x2800, $0x38;
	[tilespmem:$0x16940] =	vst v63  }
0x31: {  	_ =	swait.ge [sflag:s19], $0x2800  }
0x32: {  	[sflag:s19] =	ssyncset.done $0x0  }
0x33: {  	[sflag:s19] =	ssyncadd.s32 $0xFFFFD800  }
0x34: {  	[bflag:$0x0] =	sbarrier.arrive $0xFFFF  }
0x35: {  	[tilespmem:s16], [sflag:$0x1] =	stream.indirect.gather [hbm4b:s1+s21], $0x40, s4, s21, $0xb8;
	[tilespmem:$0x16940] =	vst v63  }
0x36: {  	s22 =	simm.s32 $0x80  }
0x37: {  	[tilespmem:s23], [sflag:$0x2] =	stream.indirect.gather [hbm4b:s1+s21], $0x40, s22, s21, $0xb8;
	[tilespmem:$0x16940] =	vst v63  }
0x38: {  	s20 =	simm.s32 $0x100  }
0x39: {  	[tilespmem:s28], [sflag:$0x3] =	stream.indirect.gather [hbm4b:s1+s21], $0x40, s20, s21, $0xb8;
	[tilespmem:$0x16940] =	vst v63  }
0x3a: {  	_ =	swait.ge [sflag:s17], $0x1F40  }
0x3b: {  	[sflag:s17] =	ssyncset.done $0x0  }
0x3c: {  	s22 =	simm.s32 $0x2800;
	[sflag:s17] =	ssyncadd.s32 $0xFFFFE0C0  }
0x3d: {  	[spmem:s3] =	stream.indirect.scatter.add.bf16 [tilespmem:s16], [sflag:$0x5], $0x40, s22, s21, $0xb8;
	[tilespmem:$0x16940] =	vst v63  }
0x3e: {  	_ =	swait.ge [sflag:s18], $0x1F40  }
0x3f: {  	[sflag:s18] =	ssyncset.done $0x0  }
0x40: {  	s20 =	simm.s32 $0x180;
	[sflag:s18] =	ssyncadd.s32 $0xFFFFE0C0  }
0x41: {  	[tilespmem:s29], [sflag:$0x4] =	stream.indirect.gather [hbm4b:s1+s21], $0x40, s20, s21, $0xb8;
	[tilespmem:$0x16940] =	vst v63  }
0x42: {  	_ =	swait.ge [sflag:s19], $0x1F40  }
0x43: {  	[sflag:s19] =	ssyncset.done $0x0  }
0x44: {  	s22 =	simm.s32 $0x2880;
	[sflag:s19] =	ssyncadd.s32 $0xFFFFE0C0  }
0x45: {  	[spmem:s3] =	stream.indirect.scatter.add.bf16 [tilespmem:s23], [sflag:$0x5], $0x40, s22, s21, $0xb8;
	[tilespmem:$0x16940] =	vst v63  }
0x46: {  	_ =	swait.ge [sflag:s18], $0x1F40  }
0x47: {  	[sflag:s18] =	ssyncset.done $0x0  }
0x48: {  	s20 =	simm.s32 $0x200;
	[sflag:s18] =	ssyncadd.s32 $0xFFFFE0C0  }
0x49: {  	[tilespmem:s16], [sflag:$0x1] =	stream.indirect.gather [hbm4b:s1+s21], $0x40, s20, s21, $0xb8;
	[tilespmem:$0x16940] =	vst v63  }
0x4a: {  	_ =	swait.ge [sflag:s30], $0x1F40  }
0x4b: {  	[sflag:s30] =	ssyncset.done $0x0  }
0x4c: {  	s22 =	simm.s32 $0x2900;
	[sflag:s30] =	ssyncadd.s32 $0xFFFFE0C0  }
0x4d: {  	[spmem:s3] =	stream.indirect.scatter.add.bf16 [tilespmem:s28], [sflag:$0x5], $0x40, s22, s21, $0xb8;
	[tilespmem:$0x16940] =	vst v63  }
0x4e: {  	_ =	swait.ge [sflag:s18], $0x1F40  }
0x4f: {  	[sflag:s18] =	ssyncset.done $0x0  }
0x50: {  	s20 =	simm.s32 $0x280;
	[sflag:s18] =	ssyncadd.s32 $0xFFFFE0C0  }
0x51: {  	[tilespmem:s23], [sflag:$0x2] =	stream.indirect.gather [hbm4b:s1+s21], $0x40, s20, s21, $0xb8;
	[tilespmem:$0x16940] =	vst v63  }
0x52: {  	_ =	swait.ge [sflag:s31], $0x1F40  }
0x53: {  	[sflag:s31] =	ssyncset.done $0x0  }
0x54: {  	s22 =	simm.s32 $0x2980;
	[sflag:s31] =	ssyncadd.s32 $0xFFFFE0C0  }
0x55: {  	[spmem:s3] =	stream.indirect.scatter.add.bf16 [tilespmem:s29], [sflag:$0x5], $0x40, s22, s21, $0xb8;
	[tilespmem:$0x16940] =	vst v63  }
0x56: {  	_ =	swait.ge [sflag:s18], $0x1F40  }
0x57: {  	[sflag:s18] =	ssyncset.done $0x0  }
0x58: {  	s0 =	simm.s32 $0x800;
	s20 =	simm.s32 $0x300;
	[sflag:s18] =	ssyncadd.s32 $0xFFFFE0C0  }
.LBB2_2:
0x59: {  	[tilespmem:s28], [sflag:$0x3] =	stream.indirect.gather [hbm4b:s1+s21], $0x40, s20, s21, $0xb8;
	[tilespmem:$0x16940] =	vst v63  }
0x5a: {  	s20 =	smov.u32 s0  }
0x5b: {  	p1 =	sne.s32 s0, $0x9000;
	s0 =	sadd.s32 $0x800, s0;
	_ =	swait.ge [sflag:s17], $0x1F40  }
0x5c: {  	s20 =	sshra.s32 s20, $0x2;
	[sflag:s17] =	ssyncset.done $0x0  }
0x5d: {  	s22 =	sadd.s32 $0x2800, s20;
	[sflag:s17] =	ssyncadd.s32 $0xFFFFE0C0  }
0x5e: {  	[spmem:s3] =	stream.indirect.scatter.add.bf16 [tilespmem:s16], [sflag:$0x5], $0x40, s22, s21, $0xb8;
	[tilespmem:$0x16940] =	vst v63  }
0x5f: {  	_ =	swait.ge [sflag:s18], $0x1F40  }
0x60: {  	[sflag:s18] =	ssyncset.done $0x0  }
0x61: {  	s22 =	sadd.s32 $0x180, s20;
	[sflag:s18] =	ssyncadd.s32 $0xFFFFE0C0  }
0x62: {  	[tilespmem:s29], [sflag:$0x4] =	stream.indirect.gather [hbm4b:s1+s21], $0x40, s22, s21, $0xb8;
	[tilespmem:$0x16940] =	vst v63  }
0x63: {  	_ =	swait.ge [sflag:s19], $0x1F40  }
0x64: {  	[sflag:s19] =	ssyncset.done $0x0  }
0x65: {  	s22 =	sadd.s32 $0x2880, s20;
	[sflag:s19] =	ssyncadd.s32 $0xFFFFE0C0  }
0x66: {  	[spmem:s3] =	stream.indirect.scatter.add.bf16 [tilespmem:s23], [sflag:$0x5], $0x40, s22, s21, $0xb8;
	[tilespmem:$0x16940] =	vst v63  }
0x67: {  	_ =	swait.ge [sflag:s18], $0x1F40  }
0x68: {  	[sflag:s18] =	ssyncset.done $0x0  }
0x69: {  	s22 =	sadd.s32 $0x200, s20;
	[sflag:s18] =	ssyncadd.s32 $0xFFFFE0C0  }
0x6a: {  	[tilespmem:s16], [sflag:$0x1] =	stream.indirect.gather [hbm4b:s1+s21], $0x40, s22, s21, $0xb8;
	[tilespmem:$0x16940] =	vst v63  }
0x6b: {  	_ =	swait.ge [sflag:s30], $0x1F40  }
0x6c: {  	[sflag:s30] =	ssyncset.done $0x0  }
0x6d: {  	s22 =	sadd.s32 $0x2900, s20;
	[sflag:s30] =	ssyncadd.s32 $0xFFFFE0C0  }
0x6e: {  	[spmem:s3] =	stream.indirect.scatter.add.bf16 [tilespmem:s28], [sflag:$0x5], $0x40, s22, s21, $0xb8;
	[tilespmem:$0x16940] =	vst v63  }
0x6f: {  	_ =	swait.ge [sflag:s18], $0x1F40  }
0x70: {  	[sflag:s18] =	ssyncset.done $0x0  }
0x71: {  	s22 =	sadd.s32 $0x280, s20;
	[sflag:s18] =	ssyncadd.s32 $0xFFFFE0C0  }
0x72: {  	[tilespmem:s23], [sflag:$0x2] =	stream.indirect.gather [hbm4b:s1+s21], $0x40, s22, s21, $0xb8;
	[tilespmem:$0x16940] =	vst v63  }
0x73: {  	_ =	swait.ge [sflag:s31], $0x1F40  }
0x74: {  	[sflag:s31] =	ssyncset.done $0x0  }
.Ltmp0:
0x75: {  	s22 =	sadd.s32 $0x2980, s20;
	[sflag:s31] =	ssyncadd.s32 $0xFFFFE0C0;
	(pc) =	sbr.rel @p1 .LBB2_2-.Ltmp0, $4  }
0x76: {  	[spmem:s3] =	stream.indirect.scatter.add.bf16 [tilespmem:s29], [sflag:$0x5], $0x40, s22, s21, $0xb8;
	[tilespmem:$0x16940] =	vst v63  }
0x77: {  	_ =	swait.ge [sflag:s18], $0x1F40  }
0x78: {  	[sflag:s18] =	ssyncset.done $0x0  }
0x79: {  	s20 =	sadd.s32 $0x300, s20;
	[sflag:s18] =	ssyncadd.s32 $0xFFFFE0C0  }
0x7a: {  	[tilespmem:s28], [sflag:$0x3] =	stream.indirect.gather [hbm4b:s1+s21], $0x40, s20, s21, $0xb8;
	[tilespmem:$0x16940] =	vst v63  }
0x7b: {  	_ =	swait.ge [sflag:s17], $0x1F40  }
0x7c: {  	[sflag:s17] =	ssyncset.done $0x0  }
0x7d: {  	s0 =	simm.s32 $0x4E00;
	[sflag:s17] =	ssyncadd.s32 $0xFFFFE0C0  }
0x7e: {  	[spmem:s3] =	stream.indirect.scatter.add.bf16 [tilespmem:s16], [sflag:$0x5], $0x40, s0, s21, $0xb8;
	[tilespmem:$0x16940] =	vst v63  }
0x7f: {  	_ =	swait.ge [sflag:s18], $0x1F40  }
0x80: {  	[sflag:s18] =	ssyncset.done $0x0  }
0x81: {  	s22 =	simm.s32 $0x2780;
	[sflag:s18] =	ssyncadd.s32 $0xFFFFE0C0  }
0x82: {  	[tilespmem:s29], [sflag:$0x4] =	stream.indirect.gather [hbm4b:s1+s21], $0x40, s22, s21, $0xb8;
	[tilespmem:$0x16940] =	vst v63  }
0x83: {  	_ =	swait.ge [sflag:s19], $0x1F40  }
0x84: {  	[sflag:s19] =	ssyncset.done $0x0  }
0x85: {  	s20 =	simm.s32 $0x4E80;
	[sflag:s19] =	ssyncadd.s32 $0xFFFFE0C0  }
0x86: {  	[spmem:s3] =	stream.indirect.scatter.add.bf16 [tilespmem:s23], [sflag:$0x5], $0x40, s20, s21, $0xb8;
	[tilespmem:$0x16940] =	vst v63  }
0x87: {  	_ =	swait.ge [sflag:s18], $0x1F40  }
0x88: {  	[sflag:s18] =	ssyncset.done $0x0  }
0x89: {  	[sflag:s18] =	ssyncadd.s32 $0xFFFFE0C0  }
0x8a: {  	_ =	swait.ge [sflag:s30], $0x1F40  }
0x8b: {  	[sflag:s30] =	ssyncset.done $0x0  }
0x8c: {  	s22 =	simm.s32 $0x4F00;
	[sflag:s30] =	ssyncadd.s32 $0xFFFFE0C0  }
0x8d: {  	[spmem:s3] =	stream.indirect.scatter.add.bf16 [tilespmem:s28], [sflag:$0x5], $0x40, s22, s21, $0xb8;
	[tilespmem:$0x16940] =	vst v63  }
0x8e: {  	_ =	swait.ge [sflag:s18], $0x1F40  }
0x8f: {  	[sflag:s18] =	ssyncset.done $0x0  }
0x90: {  	[sflag:s18] =	ssyncadd.s32 $0xFFFFE0C0  }
0x91: {  	_ =	swait.ge [sflag:s31], $0x1F40  }
0x92: {  	[sflag:s31] =	ssyncset.done $0x0  }
0x93: {  	[sflag:s31] =	ssyncadd.s32 $0xFFFFE0C0  }
0x94: {  	[spmem:s3] =	stream.indirect.scatter.add.bf16 [tilespmem:s29], [sflag:$0x5], $0x40, s26, s21, $0xb8;
	[tilespmem:$0x16940] =	vst v63  }
0x95: {  	_ =	swait.ge [sflag:s18], $0x1F40  }
0x96: {  	[sflag:s18] =	ssyncset.done $0x0  }
0x97: {  	[sflag:s18] =	ssyncadd.s32 $0xFFFFE0C0  }
0x98: {  	s0 =	simm.s32 @p0 $0x1FC5;
	[bflag:$0x0] =	sbarrier.arrive $0xFFFF  }
0x99: {  	[hbm:s14], [sflag:s0] =	dma.local @p0 [spmem:s24], $0x1400  }
0x9a: {  	s0 =	simm.s32 @p0 $0x5  }
0x9b: {  	s20 =	stileid.u32;
	_ =	swait.ge @p0 [sflag:s0], $0x1400  }
0x9c: {  	s2 =	sadd.s32 $0x1, s2;
	s20 =	sshll.u32 @!p0 s20, $0x6;
	[sflag:s0] =	ssyncset.done @p0 $0x0  }
0x9d: {  	p1 =	sne.s32 s2, s15;
	[sflag:s0] =	ssyncadd.s32 @p0 $0xFFFFEC00;
	s0 =	sor.u32 @!p0 $0x1C05, s20  }
0x9e: {  	[hbm:s13], [sflag:s0] =	dma.local @!p0 [spmem:s25], $0x1380  }
.Ltmp1:
0x9f: {  	_ = 	snop;
	(pc) =	sbr.rel @p1 .LBB2_1-.Ltmp1, $4  }
0xa0: {  	s0 =	simm.s32 @!p0 $0x5  }
0xa1: {  	_ =	swait.ge @!p0 [sflag:s0], $0x1380  }
0xa2: {  	[sflag:s0] =	ssyncset.done @!p0 $0x0  }
0xa3: {  	[sflag:s0] =	ssyncadd.s32 @!p0 $0xFFFFEC80  }
0xa4: {  	_ =	sfence.sel $0x180000  }
0xa5: {  	[bflag:$0x0] =	sbarrier.arrive $0xFFFF  }
0xa6: {  	_ =	strace $0x9000004A  }
0xa7: {  	s0 =	stileid.u32;
	[bflag:$0x2] =	sbarrier.arrive $0xFFFF  }
0xa8: {  	p0 =	sne.s32 s0, $0x0;
	s0 =	rddreg [dreg:$0x3]  }
0xa9: {  	s0 =	sadd.s32 @!p0 $0x100000, s0  }
0xaa: {  	[sflag:s0] =	ssyncadd.tile.s32 @!p0 $0x1;
	_ =	shalt  }
.Lfunc_end2:
_tile_overlayer_lowered:
.L_overlay_start_2:
0xab: {  	(tag) =	ssettag $0x2  }
0xac: {  	s0 =	rddreg [dreg:$0x0];
	s2 =	stileid.u32  }
0xad: {  	s1 =	rddreg [dreg:$0x1];
	p0 =	sne.s32 s2, $0x0  }
0xae: {  	s3 =	rddreg [dreg:$0x2];
	[bflag:$0x3] =	sbarrier.arrive $0xFFFF;
	s2 =	simm.s32 @!p0 $0x1C05  }
0xaf: {  	[timem:s3], [sflag:s2] =	dma.local @!p0 [hbm:s0], s1  }
0xb0: {  	s0 =	simm.s32 @!p0 $0x5  }
0xb1: {  	_ =	swait.ge @!p0 [sflag:s0], s1  }
0xb2: {  	s1 =	ssub.s32 @!p0 $0x0, s1;
	[sflag:s0] =	ssyncset.done @!p0 $0x0  }
0xb3: {  	[sflag:s0] =	ssyncadd.s32 @!p0 s1  }
0xb4: {  	[bflag:$0x3] =	sbarrier.arrive $0xFFFF  }
0xb5: {  	_ =	shalt  }

// kernel: kernel.16.cloned.1.call-start
scs
__scs_entry_jumppad:
0x0: {  	(pc) =	sbr.rel $0x88, $3  }
0x1: {  	(tag) =	ssettag $0x0;
	lr =	simm.s32 $0x1  }
0x2: {  	[smem:$0x3F97] =	sst lr;
	_ =	strace $0xD0000000  }
0x3: {  	_ = 	snop  }
0x4: {  	_ = 	snop  }
0x5: {  	_ = 	snop  }
0x6: {  	_ = 	snop  }
0x7: {  	_ = 	snop  }
__scs_overlays_trampoline_lowered:
0x8: {  	[smem:$0x3FA6] =	sst s0  }
0x9: {  	[smem:$0x3FA7] =	sst s1  }
0xa: {  	[smem:$0x3FA8] =	sst s2  }
0xb: {  	[smem:$0x3FA9] =	sst s3  }
0xc: {  	[smem:$0x3FAA] =	sst s4  }
0xd: {  	[smem:$0x3FAB] =	sst s5  }
0xe: {  	[smem:$0x3FAC] =	sst s6  }
0xf: {  	[smem:$0x3FAD] =	sst s7  }
0x10: {  	[smem:$0x3FAE] =	sst s8  }
0x11: {  	[smem:$0x3FAF] =	sst s9;
	s0 =	simm.s32 @!p0 $0x0  }
0x12: {  	s1 =	sld [smem:$0x3F95];
	s0 =	simm.s32 @p0 $0x1  }
0x13: {  	[smem:$0x3FB0] =	sst s0;
	s0 =	simm.s32 @!p1 $0x0  }
0x14: {  	s2 =	sld [smem:$0x3F94];
	s0 =	simm.s32 @p1 $0x1  }
0x15: {  	[smem:$0x3FB1] =	sst s0;
	s0 =	simm.s32 @!p2 $0x0  }
0x16: {  	s3 =	sld [smem:$0x3FDB];
	s0 =	simm.s32 @p2 $0x1  }
0x17: {  	s4 =	simm.s32 $0x1BF5;
	[smem:$0x3FB3] =	sst s0  }
0x18: {  	s0 =	sld [smem:$0x3F96];
	_ =	swait.ge [sflag:s4], $0x0  }
0x19: {  	s7 =	sld [smem:$0x3F97]  }
0x1a: {  	s8 =	sadd.s32 $0xFFFFE003, lr  }
0x1b: {  	s9 =	sadd.s32 $0xFFFFFEF7, lr;
	s5 =	simm.s32 $0xFFFFFFFF;
	p2 =	slt.u32 s8, $0xFFFFF086  }
0x1c: {  	p1 =	slt.u32 s9, $0xF7A;
	s5 =	simm.s32 @!p2 $0x0  }
0x1d: {  	s5 =	simm.s32 @p1 $0x1;
	p0 =	seq.s32 s7, s2  }
0x1e: {  	s7 =	smul.u32 @!p0 $0xF7A, s2;
	p2 =	seq.s32 @!p0 s5, $0x0  }
0x1f: {  	s9 =	smul.u32 $0xF7A, s1;
	s8 =	simm.s32 @!p0 $0x1BF5;
	p2 =	por !p2, p0  }
0x20: {  	[sflag:s8] =	ssyncset.s32 @!p0 $0xFFFFF086;
	s6 =	sadd.s32 @!p0 s3, s7;
	s7 =	simm.s32 @!p0 $0x108  }
0x21: {  	s3 =	sadd.s32 s3, s9;
	s6 =	sadd.s32 @!p0 $0x88, s6;
	s7 =	simm.s32 @p2 $0x1082  }
0x22: {  	[simem:s7], [sflag:s8] =	dma.local @!p0 [hbm:s6], $0xF7A  }
0x23: {  	s9 =	sor.u32 $0xD0000000, s2;
	s6 =	simm.s32 $0x108;
	_ =	swait.ge @!p0 [sflag:s8], $0x0  }
0x24: {  	s3 =	sadd.s32 $0x88, s3;
	s6 =	simm.s32 @!p1 $0x1082;
	[sflag:s4] =	ssyncset.s32 $0xFFFFF086  }
0x25: {  	[simem:s6], [sflag:s4] =	dma.local [hbm:s3], $0xF7A  }
0x26: {  	[smem:$0x3F97] =	sst s1;
	(tag) =	ssettag s2;
	_ =	strace s9  }
0x27: {  	s1 =	sld [smem:$0x3FA7]  }
0x28: {  	s2 =	sld [smem:$0x3FA8]  }
0x29: {  	s4 =	sld [smem:$0x3FAA]  }
0x2a: {  	p0 =	seq.s32 s5, $0x0;
	s5 =	sld [smem:$0x3FAB]  }
0x2b: {  	s6 =	sld [smem:$0x3FAC]  }
0x2c: {  	s7 =	sld [smem:$0x3FAD]  }
0x2d: {  	s3 =	simm.s32 $0x108;
	s8 =	sld [smem:$0x3FAE]  }
0x2e: {  	s3 =	simm.s32 @!p0 $0x1082;
	s9 =	sld [smem:$0x3FAF]  }
0x2f: {  	lr =	sadd.s32 s0, s3;
	s0 =	sld [smem:$0x3FA6]  }
0x30: {  	s3 =	sld [smem:$0x3FA9]  }
0x31: {  	[smem:$0x3FB2] =	sst s10  }
0x32: {  	s10 =	sld [smem:$0x3FB0];
	_ =	sdelay $0x3  }
0x33: {  	p0 =	seq.s32 s10, $0x1;
	s10 =	sld [smem:$0x3FB2];
	_ =	sdelay $0x3  }
0x34: {  	[smem:$0x3FB2] =	sst s10  }
0x35: {  	s10 =	sld [smem:$0x3FB1];
	_ =	sdelay $0x3  }
0x36: {  	p1 =	seq.s32 s10, $0x1;
	s10 =	sld [smem:$0x3FB2];
	_ =	sdelay $0x3  }
0x37: {  	[smem:$0x3FB2] =	sst s10  }
0x38: {  	s10 =	sld [smem:$0x3FB3]  }
0x39: {  	_ = 	snop;
	(pc) =	sbr.ind lr, $3  }
0x3a: {  	_ = 	snop  }
0x3b: {  	_ = 	snop  }
0x3c: {  	p2 =	seq.s32 s10, $0x1;
	s10 =	sld [smem:$0x3FB2]  }
0x3d: {  	_ =	shalt  }
0x3e: {  	_ =	shalt  }
0x3f: {  	_ =	shalt  }
0x40: {  	_ =	shalt  }
0x41: {  	_ =	shalt  }
0x42: {  	_ =	shalt  }
0x43: {  	_ =	shalt  }
0x44: {  	_ =	shalt  }
0x45: {  	_ =	shalt  }
0x46: {  	_ =	shalt  }
0x47: {  	_ =	shalt  }
0x48: {  	_ =	shalt  }
0x49: {  	_ =	shalt  }
0x4a: {  	_ =	shalt  }
0x4b: {  	_ =	shalt  }
0x4c: {  	_ =	shalt  }
0x4d: {  	_ =	shalt  }
0x4e: {  	_ =	shalt  }
0x4f: {  	_ =	shalt  }
0x50: {  	_ =	shalt  }
0x51: {  	_ =	shalt  }
0x52: {  	_ =	shalt  }
0x53: {  	_ =	shalt  }
0x54: {  	_ =	shalt  }
0x55: {  	_ =	shalt  }
0x56: {  	_ =	shalt  }
0x57: {  	_ =	shalt  }
0x58: {  	_ =	shalt  }
0x59: {  	_ =	shalt  }
0x5a: {  	_ =	shalt  }
0x5b: {  	_ =	shalt  }
0x5c: {  	_ =	shalt  }
0x5d: {  	_ =	shalt  }
0x5e: {  	_ =	shalt  }
0x5f: {  	_ =	shalt  }
0x60: {  	_ =	shalt  }
0x61: {  	_ =	shalt  }
0x62: {  	_ =	shalt  }
0x63: {  	_ =	shalt  }
0x64: {  	_ =	shalt  }
0x65: {  	_ =	shalt  }
0x66: {  	_ =	shalt  }
0x67: {  	_ =	shalt  }
0x68: {  	_ =	shalt  }
0x69: {  	_ =	shalt  }
0x6a: {  	_ =	shalt  }
0x6b: {  	_ =	shalt  }
0x6c: {  	_ =	shalt  }
0x6d: {  	_ =	shalt  }
0x6e: {  	_ =	shalt  }
0x6f: {  	_ =	shalt  }
0x70: {  	_ =	shalt  }
0x71: {  	_ =	shalt  }
0x72: {  	_ =	shalt  }
0x73: {  	_ =	shalt  }
0x74: {  	_ =	shalt  }
0x75: {  	_ =	shalt  }
0x76: {  	_ =	shalt  }
0x77: {  	_ =	shalt  }
0x78: {  	_ =	shalt  }
0x79: {  	_ =	shalt  }
0x7a: {  	_ =	shalt  }
0x7b: {  	_ =	shalt  }
0x7c: {  	_ =	shalt  }
0x7d: {  	_ =	shalt  }
0x7e: {  	_ =	shalt  }
0x7f: {  	_ =	shalt  }
0x80: {  	_ =	shalt  }
0x81: {  	_ =	shalt  }
0x82: {  	_ =	shalt  }
0x83: {  	_ =	shalt  }
0x84: {  	_ =	shalt  }
0x85: {  	_ =	shalt  }
0x86: {  	_ =	shalt  }
0x87: {  	_ =	shalt  }
.Lfunc_end0:
.L_simem_size_0:
called_computation.2_lowered:
.L_overlay_start_0:
0x88: {  	s2 =	sld [smem:$0x3FD9]  }
0x89: {  	s3 =	sld [smem:$0x3FFE];
	_ =	sdelay $0x1  }
0x8a: {  	s1 =	srdreg.scid  }
0x8b: {  	s0 =	sand.u32 $0x1, s1  }
0x8c: {  	s17 =	sshll.u32 s0, $0xA;
	s2 =	sadd.s32 s3, s2  }
0x8d: {  	s2 =	sadd.s32 s2, s17  }
0x8e: {  	[smem:$0x3FBE] =	sst s2  }
0x8f: {  	_ = 	snop  }
0x90: {  	s2 =	sld [smem:$0x3FD0];
	(tm) =	ssettm $0x1  }
0x91: {  	s18 =	sld [smem:$0x3FFB];
	_ =	sdelay $0x3  }
0x92: {  	_ =	strace s18  }
0x93: {  	s3 =	sld [smem:$0x3FFC];
	_ =	sdelay $0x3  }
0x94: {  	_ =	strace s3  }
0x95: {  	s3 =	sld [smem:$0x3FFD];
	_ =	sdelay $0x3  }
0x96: {  	_ =	strace s3  }
0x97: {  	_ =	strace $0x8FFFFFFF  }
0x98: {  	s19 =	sld [smem:$0x3FDB];
	_ =	sdelay $0x1  }
0x99: {  	s4 =	simm.s32 $_scs_section_size  }
0x9a: {  	s5 =	simm.s32 $_size__tile_overlayer_lowered;
	s6 =	simm.s32 $_tile_overlayer_lowered  }
0x9b: {  	s22 =	simm.s32 $0x1BFF;
	s21 =	sshll.u32 s6, $0x1;
	s3 =	sadd.s32 s4, s19  }
0x9c: {  	s7 =	simm.s32 $0x0;
	s20 =	sshll.u32 s5, $0x1;
	s5 =	sadd.s32 s21, s3  }
0x9d: {  	[timem:s7], [sflag:s22] =	dma.local [hbm:s5], s20  }
0x9e: {  	_ =	swait.ge [sflag:s22], s20  }
0x9f: {  	s4 =	ssub.s32 $0x0, s20;
	[sflag:s22] =	ssyncset.done $0x0  }
0xa0: {  	[sflag:s22] =	ssyncadd.s32 s4;
	_ =	sdelay $0x1  }
0xa1: {  	s23 =	simm.s32 $0x1B8B  }
0xa2: {  	_ =	swait.ge [sflag:s23], $0x1  }
0xa3: {  	[sflag:s23] =	ssyncset.done $0x0  }
0xa4: {  	s25 =	simm.s32 $0x1B8E;
	s24 =	sld [smem:$0x3FFE];
	[sflag:s23] =	ssyncadd.s32 $0xFFFFFFFF  }
0xa5: {  	s26 =	simm.s32 $execute0_lowered;
	[smem:$0x3FD2] =	sst s25  }
0xa6: {  	s5 =	sshll.u32 s26, $0x1;
	_ =	strace $0x8000004C;
	[dreg:$0x1] =	wrdreg $0xFFFFFFFF  }
0xa7: {  	s28 =	simm.s32 $_size_execute0_lowered;
	s3 =	sadd.s32 s3, s5;
	[dreg:$0x0] =	wrdreg $0x0  }
0xa8: {  	s5 =	sshll.u32 s28, $0x1;
	[dreg:$0x2] =	wrdreg s3  }
0xa9: {  	[dreg:$0x3] =	wrdreg s5  }
0xaa: {  	[dreg:$0x4] =	wrdreg $0xC0  }
0xab: {  	_ =	task [dreg:s7], $0x5FFFF  }
0xac: {  	[dreg:$0x1] =	wrdreg $0xFFFFFFFF  }
0xad: {  	[dreg:$0x0] =	wrdreg $0x60  }
0xae: {  	[dreg:$0x2] =	wrdreg s2  }
0xaf: {  	[dreg:$0x3] =	wrdreg s24  }
0xb0: {  	[dreg:$0x4] =	wrdreg $0xCD000  }
0xb1: {  	[dreg:$0x5] =	wrdreg $0x9  }
0xb2: {  	_ =	task.clear_ibuf [dreg:s7], $0x6FFFF;
	_ =	strace $0x9000004C  }
0xb3: {  	s29 =	simm.s32 $0x9;
	_ =	strace $0x8000004E  }
0xb4: {  	_ =	swait.ge [sflag:s29], $0x1  }
0xb5: {  	[sflag:s29] =	ssyncadd.s32 $0xFFFFFFFF  }
0xb6: {  	_ =	strace $0x9000004E  }
0xb7: {  	_ =	sfence  }
0xb8: {  	s30 =	sld [smem:$0x0];
	_ =	sdelay $0x2  }
0xb9: {  	s31 =	sshll.u32 s1, $0xD;
	s1 =	sshrl.u32 s1, $0x2  }
0xba: {  	s3 =	sand.u32 $0x4000, s31;
	s1 =	sadd.s32 s1, s30  }
0xbb: {  	s0 =	sor.u32 s3, s0;
	s1 =	sshll.u32 s1, $0x11  }
0xbc: {  	s0 =	sor.u32 s1, s0  }
0xbd: {  	s0 =	sadd.s32 $0x8F2B, s0  }
0xbe: {  	[sflag:s0] =	ssyncadd.remote.s32 $0x1  }
0xbf: {  	_ =	sfence.sel $0xFFFF  }
0xc0: {  	[dreg:$0x0] =	wrdreg $0xFFFFFFFF;
	(pc) =	sbr.abs _section_cstart, $3  }
0xc1: {  	[dreg:$0x1] =	wrdreg $0xFFFFFFFF  }
0xc2: {  	_ =	task.clear_ibuf [dreg:s7], $0x2FFFF;
	_ =	strace $0x9FFFFFFF  }
0xc3: {  	(tm) =	ssettm $0x7FFFFFFF  }
tec
execute0_lowered:
.L_overlay_start_1:
0x0: {  	(tag) =	ssettag $0x1  }
0x1: {  	s1 =	rddreg [dreg:$0x0]  }
0x2: {  	s0 =	rddreg [dreg:$0x1];
	s2 =	srdreg.scid  }
0x3: {  	s20 =	stileid.u32;
	s3 =	rddreg [dreg:$0x2];
	s4 =	simm.s32 $0x0  }
0x4: {  	s17 =	simm.s32 $0x1;
	s18 =	simm.s32 $0x5;
	s19 =	simm.s32 $0x2  }
0x5: {  	s21 =	simm.s32 $0x7D;
	s23 =	simm.s32 $0x6F40;
	s28 =	simm.s32 $0x8E80  }
0x6: {  	s29 =	simm.s32 $0xADC0;
	s30 =	simm.s32 $0x3;
	s31 =	simm.s32 $0x4  }
0x7: {  	s26 =	simm.s32 $0x4F80;
	s2 =	sand.u32 $0x1, s2;
	s6 =	smul.u32 $0x27100, s20  }
0x8: {  	s5 =	sshll.u32 s20, $0x1;
	[smem:$0x7FF] =	sst s4;
	s13 =	smul.u32 $0x13800, s20  }
0x9: {  	s5 =	sor.u32 s2, s5;
	s7 =	ssub.s32 $0x2, s2;
	s2 =	smul.u32 $0x138800, s2  }
0xa: {  	p0 =	seq.s32 s20, $0xF;
	_ =	strace $0x8000004D;
	s5 =	smul.u32 $0x500, s5  }
0xb: {  	s8 =	sshrl.u32 s7, $0x1;
	s6 =	sshrl.u32 s6, $0x2;
	s16 =	sshrl.u32 s13, $0x1  }
0xc: {  	s15 =	ssub.s32 s7, s8;
	s6 =	sadd.s32 s6, s3;
	s14 =	sadd.s32 s13, s2  }
0xd: {  	s2 =	sshrl.u32 s2, $0x4;
	s12 =	sadd.s32 s5, s0;
	s5 =	sadd.s32 $0x17400, s0  }
0xe: {  	s0 =	sadd.s32 $0x17800, s0;
	s7 =	sadd.s32 $0x1F40, s6;
	s8 =	sadd.s32 $0x3E80, s6  }
0xf: {  	s9 =	sadd.s32 $0x5DC0, s6;
	s10 =	sadd.s32 $0x7D00, s6;
	s14 =	sshrl.u32 s14, $0x4  }
0x10: {  	s15 =	smax.u32 s15, $0x1;
	s11 =	sadd.s32 $0xD400, s12;
	s12 =	sadd.s32 $0x3400, s12  }
0x11: {  	s2 =	sadd.s32 s0, s2;
	s13 =	sadd.s32 s0, s14;
	s0 =	sadd.s32 s16, s3  }
0x12: {  	s16 =	simm.s32 $0x5000;
	s14 =	sadd.s32 $0x12480, s2;
	s2 =	sadd.s32 $0x92400, s3  }
0x13: {  	s25 =	sshrl.u32 @!p0 s0, $0x3;
	s24 =	sshrl.u32 @p0 s2, $0x3;
	s2 =	simm.s32 $0x0  }
.LBB2_1:
0x14: {  	[tilespmem:s16], [sflag:$0x1] =	stream.linear.gather [hbm4b:s5+s4], $0x1F40, $0x38;
	[tilespmem:$0x16940] =	vst v63  }
0x15: {  	_ =	swait.ge [sflag:s17], $0x1F40  }
0x16: {  	[sflag:s17] =	ssyncset.done $0x0  }
0x17: {  	[sflag:s17] =	ssyncadd.s32 $0xFFFFE0C0  }
0x18: {  	[spmem:s6] =	stream.linear.scatter [tilespmem:s16], [sflag:$0x5], $0x1F40, $0x38;
	[tilespmem:$0x16940] =	vst v63  }
0x19: {  	_ =	swait.ge [sflag:s18], $0x1F40  }
0x1a: {  	[sflag:s18] =	ssyncset.done $0x0  }
0x1b: {  	[sflag:s18] =	ssyncadd.s32 $0xFFFFE0C0  }
0x1c: {  	[spmem:s7] =	stream.linear.scatter [tilespmem:s16], [sflag:$0x5], $0x1F40, $0x38;
	[tilespmem:$0x16940] =	vst v63  }
0x1d: {  	_ =	swait.ge [sflag:s18], $0x1F40  }
0x1e: {  	[sflag:s18] =	ssyncset.done $0x0  }
0x1f: {  	[sflag:s18] =	ssyncadd.s32 $0xFFFFE0C0  }
0x20: {  	[spmem:s8] =	stream.linear.scatter [tilespmem:s16], [sflag:$0x5], $0x1F40, $0x38;
	[tilespmem:$0x16940] =	vst v63  }
0x21: {  	_ =	swait.ge [sflag:s18], $0x1F40  }
0x22: {  	[sflag:s18] =	ssyncset.done $0x0  }
0x23: {  	[sflag:s18] =	ssyncadd.s32 $0xFFFFE0C0  }
0x24: {  	[spmem:s9] =	stream.linear.scatter [tilespmem:s16], [sflag:$0x5], $0x1F40, $0x38;
	[tilespmem:$0x16940] =	vst v63  }
0x25: {  	_ =	swait.ge [sflag:s18], $0x1F40  }
0x26: {  	[sflag:s18] =	ssyncset.done $0x0  }
0x27: {  	[sflag:s18] =	ssyncadd.s32 $0xFFFFE0C0  }
0x28: {  	[spmem:s10] =	stream.linear.scatter [tilespmem:s16], [sflag:$0x5], $0x1F40, $0x38;
	[tilespmem:$0x16940] =	vst v63  }
0x29: {  	_ =	swait.ge [sflag:s18], $0x1F40  }
0x2a: {  	[sflag:s18] =	ssyncset.done $0x0  }
0x2b: {  	[sflag:s18] =	ssyncadd.s32 $0xFFFFE0C0  }
0x2c: {  	[tilespmem:s4], [sflag:$0x2] =	stream.linear.gather [hbm4b:s11+s4], $0x2800, $0x38;
	[tilespmem:$0x16940] =	vst v63  }
0x2d: {  	_ =	swait.ge [sflag:s19], $0x2800  }
0x2e: {  	[sflag:s19] =	ssyncset.done $0x0  }
0x2f: {  	s0 =	simm.s32 $0x2800;
	[sflag:s19] =	ssyncadd.s32 $0xFFFFD800  }
0x30: {  	[tilespmem:s0], [sflag:$0x2] =	stream.linear.gather [hbm4b:s12+s4], $0x2800, $0x38;
	[tilespmem:$0x16940] =	vst v63  }
0x31: {  	_ =	swait.ge [sflag:s19], $0x2800  }
0x32: {  	[sflag:s19] =	ssyncset.done $0x0  }
0x33: {  	[sflag:s19] =	ssyncadd.s32 $0xFFFFD800  }
0x34: {  	[bflag:$0x0] =	sbarrier.arrive $0xFFFF  }
0x35: {  	[tilespmem:s16], [sflag:$0x1] =	stream.indirect.gather [hbm4b:s1+s21], $0x40, s4, s21, $0xb8;
	[tilespmem:$0x16940] =	vst v63  }
0x36: {  	s22 =	simm.s32 $0x80  }
0x37: {  	[tilespmem:s23], [sflag:$0x2] =	stream.indirect.gather [hbm4b:s1+s21], $0x40, s22, s21, $0xb8;
	[tilespmem:$0x16940] =	vst v63  }
0x38: {  	s20 =	simm.s32 $0x100  }
0x39: {  	[tilespmem:s28], [sflag:$0x3] =	stream.indirect.gather [hbm4b:s1+s21], $0x40, s20, s21, $0xb8;
	[tilespmem:$0x16940] =	vst v63  }
0x3a: {  	_ =	swait.ge [sflag:s17], $0x1F40  }
0x3b: {  	[sflag:s17] =	ssyncset.done $0x0  }
0x3c: {  	s22 =	simm.s32 $0x2800;
	[sflag:s17] =	ssyncadd.s32 $0xFFFFE0C0  }
0x3d: {  	[spmem:s3] =	stream.indirect.scatter.add.bf16 [tilespmem:s16], [sflag:$0x5], $0x40, s22, s21, $0xb8;
	[tilespmem:$0x16940] =	vst v63  }
0x3e: {  	_ =	swait.ge [sflag:s18], $0x1F40  }
0x3f: {  	[sflag:s18] =	ssyncset.done $0x0  }
0x40: {  	s20 =	simm.s32 $0x180;
	[sflag:s18] =	ssyncadd.s32 $0xFFFFE0C0  }
0x41: {  	[tilespmem:s29], [sflag:$0x4] =	stream.indirect.gather [hbm4b:s1+s21], $0x40, s20, s21, $0xb8;
	[tilespmem:$0x16940] =	vst v63  }
0x42: {  	_ =	swait.ge [sflag:s19], $0x1F40  }
0x43: {  	[sflag:s19] =	ssyncset.done $0x0  }
0x44: {  	s22 =	simm.s32 $0x2880;
	[sflag:s19] =	ssyncadd.s32 $0xFFFFE0C0  }
0x45: {  	[spmem:s3] =	stream.indirect.scatter.add.bf16 [tilespmem:s23], [sflag:$0x5], $0x40, s22, s21, $0xb8;
	[tilespmem:$0x16940] =	vst v63  }
0x46: {  	_ =	swait.ge [sflag:s18], $0x1F40  }
0x47: {  	[sflag:s18] =	ssyncset.done $0x0  }
0x48: {  	s20 =	simm.s32 $0x200;
	[sflag:s18] =	ssyncadd.s32 $0xFFFFE0C0  }
0x49: {  	[tilespmem:s16], [sflag:$0x1] =	stream.indirect.gather [hbm4b:s1+s21], $0x40, s20, s21, $0xb8;
	[tilespmem:$0x16940] =	vst v63  }
0x4a: {  	_ =	swait.ge [sflag:s30], $0x1F40  }
0x4b: {  	[sflag:s30] =	ssyncset.done $0x0  }
0x4c: {  	s22 =	simm.s32 $0x2900;
	[sflag:s30] =	ssyncadd.s32 $0xFFFFE0C0  }
0x4d: {  	[spmem:s3] =	stream.indirect.scatter.add.bf16 [tilespmem:s28], [sflag:$0x5], $0x40, s22, s21, $0xb8;
	[tilespmem:$0x16940] =	vst v63  }
0x4e: {  	_ =	swait.ge [sflag:s18], $0x1F40  }
0x4f: {  	[sflag:s18] =	ssyncset.done $0x0  }
0x50: {  	s20 =	simm.s32 $0x280;
	[sflag:s18] =	ssyncadd.s32 $0xFFFFE0C0  }
0x51: {  	[tilespmem:s23], [sflag:$0x2] =	stream.indirect.gather [hbm4b:s1+s21], $0x40, s20, s21, $0xb8;
	[tilespmem:$0x16940] =	vst v63  }
0x52: {  	_ =	swait.ge [sflag:s31], $0x1F40  }
0x53: {  	[sflag:s31] =	ssyncset.done $0x0  }
0x54: {  	s22 =	simm.s32 $0x2980;
	[sflag:s31] =	ssyncadd.s32 $0xFFFFE0C0  }
0x55: {  	[spmem:s3] =	stream.indirect.scatter.add.bf16 [tilespmem:s29], [sflag:$0x5], $0x40, s22, s21, $0xb8;
	[tilespmem:$0x16940] =	vst v63  }
0x56: {  	_ =	swait.ge [sflag:s18], $0x1F40  }
0x57: {  	[sflag:s18] =	ssyncset.done $0x0  }
0x58: {  	s0 =	simm.s32 $0x800;
	s20 =	simm.s32 $0x300;
	[sflag:s18] =	ssyncadd.s32 $0xFFFFE0C0  }
.LBB2_2:
0x59: {  	[tilespmem:s28], [sflag:$0x3] =	stream.indirect.gather [hbm4b:s1+s21], $0x40, s20, s21, $0xb8;
	[tilespmem:$0x16940] =	vst v63  }
0x5a: {  	s20 =	smov.u32 s0  }
0x5b: {  	p1 =	sne.s32 s0, $0x9000;
	s0 =	sadd.s32 $0x800, s0;
	_ =	swait.ge [sflag:s17], $0x1F40  }
0x5c: {  	s20 =	sshra.s32 s20, $0x2;
	[sflag:s17] =	ssyncset.done $0x0  }
0x5d: {  	s22 =	sadd.s32 $0x2800, s20;
	[sflag:s17] =	ssyncadd.s32 $0xFFFFE0C0  }
0x5e: {  	[spmem:s3] =	stream.indirect.scatter.add.bf16 [tilespmem:s16], [sflag:$0x5], $0x40, s22, s21, $0xb8;
	[tilespmem:$0x16940] =	vst v63  }
0x5f: {  	_ =	swait.ge [sflag:s18], $0x1F40  }
0x60: {  	[sflag:s18] =	ssyncset.done $0x0  }
0x61: {  	s22 =	sadd.s32 $0x180, s20;
	[sflag:s18] =	ssyncadd.s32 $0xFFFFE0C0  }
0x62: {  	[tilespmem:s29], [sflag:$0x4] =	stream.indirect.gather [hbm4b:s1+s21], $0x40, s22, s21, $0xb8;
	[tilespmem:$0x16940] =	vst v63  }
0x63: {  	_ =	swait.ge [sflag:s19], $0x1F40  }
0x64: {  	[sflag:s19] =	ssyncset.done $0x0  }
0x65: {  	s22 =	sadd.s32 $0x2880, s20;
	[sflag:s19] =	ssyncadd.s32 $0xFFFFE0C0  }
0x66: {  	[spmem:s3] =	stream.indirect.scatter.add.bf16 [tilespmem:s23], [sflag:$0x5], $0x40, s22, s21, $0xb8;
	[tilespmem:$0x16940] =	vst v63  }
0x67: {  	_ =	swait.ge [sflag:s18], $0x1F40  }
0x68: {  	[sflag:s18] =	ssyncset.done $0x0  }
0x69: {  	s22 =	sadd.s32 $0x200, s20;
	[sflag:s18] =	ssyncadd.s32 $0xFFFFE0C0  }
0x6a: {  	[tilespmem:s16], [sflag:$0x1] =	stream.indirect.gather [hbm4b:s1+s21], $0x40, s22, s21, $0xb8;
	[tilespmem:$0x16940] =	vst v63  }
0x6b: {  	_ =	swait.ge [sflag:s30], $0x1F40  }
0x6c: {  	[sflag:s30] =	ssyncset.done $0x0  }
0x6d: {  	s22 =	sadd.s32 $0x2900, s20;
	[sflag:s30] =	ssyncadd.s32 $0xFFFFE0C0  }
0x6e: {  	[spmem:s3] =	stream.indirect.scatter.add.bf16 [tilespmem:s28], [sflag:$0x5], $0x40, s22, s21, $0xb8;
	[tilespmem:$0x16940] =	vst v63  }
0x6f: {  	_ =	swait.ge [sflag:s18], $0x1F40  }
0x70: {  	[sflag:s18] =	ssyncset.done $0x0  }
0x71: {  	s22 =	sadd.s32 $0x280, s20;
	[sflag:s18] =	ssyncadd.s32 $0xFFFFE0C0  }
0x72: {  	[tilespmem:s23], [sflag:$0x2] =	stream.indirect.gather [hbm4b:s1+s21], $0x40, s22, s21, $0xb8;
	[tilespmem:$0x16940] =	vst v63  }
0x73: {  	_ =	swait.ge [sflag:s31], $0x1F40  }
0x74: {  	[sflag:s31] =	ssyncset.done $0x0  }
.Ltmp0:
0x75: {  	s22 =	sadd.s32 $0x2980, s20;
	[sflag:s31] =	ssyncadd.s32 $0xFFFFE0C0;
	(pc) =	sbr.rel @p1 .LBB2_2-.Ltmp0, $4  }
0x76: {  	[spmem:s3] =	stream.indirect.scatter.add.bf16 [tilespmem:s29], [sflag:$0x5], $0x40, s22, s21, $0xb8;
	[tilespmem:$0x16940] =	vst v63  }
0x77: {  	_ =	swait.ge [sflag:s18], $0x1F40  }
0x78: {  	[sflag:s18] =	ssyncset.done $0x0  }
0x79: {  	s20 =	sadd.s32 $0x300, s20;
	[sflag:s18] =	ssyncadd.s32 $0xFFFFE0C0  }
0x7a: {  	[tilespmem:s28], [sflag:$0x3] =	stream.indirect.gather [hbm4b:s1+s21], $0x40, s20, s21, $0xb8;
	[tilespmem:$0x16940] =	vst v63  }
0x7b: {  	_ =	swait.ge [sflag:s17], $0x1F40  }
0x7c: {  	[sflag:s17] =	ssyncset.done $0x0  }
0x7d: {  	s0 =	simm.s32 $0x4E00;
	[sflag:s17] =	ssyncadd.s32 $0xFFFFE0C0  }
0x7e: {  	[spmem:s3] =	stream.indirect.scatter.add.bf16 [tilespmem:s16], [sflag:$0x5], $0x40, s0, s21, $0xb8;
	[tilespmem:$0x16940] =	vst v63  }
0x7f: {  	_ =	swait.ge [sflag:s18], $0x1F40  }
0x80: {  	[sflag:s18] =	ssyncset.done $0x0  }
0x81: {  	s22 =	simm.s32 $0x2780;
	[sflag:s18] =	ssyncadd.s32 $0xFFFFE0C0  }
0x82: {  	[tilespmem:s29], [sflag:$0x4] =	stream.indirect.gather [hbm4b:s1+s21], $0x40, s22, s21, $0xb8;
	[tilespmem:$0x16940] =	vst v63  }
0x83: {  	_ =	swait.ge [sflag:s19], $0x1F40  }
0x84: {  	[sflag:s19] =	ssyncset.done $0x0  }
0x85: {  	s20 =	simm.s32 $0x4E80;
	[sflag:s19] =	ssyncadd.s32 $0xFFFFE0C0  }
0x86: {  	[spmem:s3] =	stream.indirect.scatter.add.bf16 [tilespmem:s23], [sflag:$0x5], $0x40, s20, s21, $0xb8;
	[tilespmem:$0x16940] =	vst v63  }
0x87: {  	_ =	swait.ge [sflag:s18], $0x1F40  }
0x88: {  	[sflag:s18] =	ssyncset.done $0x0  }
0x89: {  	[sflag:s18] =	ssyncadd.s32 $0xFFFFE0C0  }
0x8a: {  	_ =	swait.ge [sflag:s30], $0x1F40  }
0x8b: {  	[sflag:s30] =	ssyncset.done $0x0  }
0x8c: {  	s22 =	simm.s32 $0x4F00;
	[sflag:s30] =	ssyncadd.s32 $0xFFFFE0C0  }
0x8d: {  	[spmem:s3] =	stream.indirect.scatter.add.bf16 [tilespmem:s28], [sflag:$0x5], $0x40, s22, s21, $0xb8;
	[tilespmem:$0x16940] =	vst v63  }
0x8e: {  	_ =	swait.ge [sflag:s18], $0x1F40  }
0x8f: {  	[sflag:s18] =	ssyncset.done $0x0  }
0x90: {  	[sflag:s18] =	ssyncadd.s32 $0xFFFFE0C0  }
0x91: {  	_ =	swait.ge [sflag:s31], $0x1F40  }
0x92: {  	[sflag:s31] =	ssyncset.done $0x0  }
0x93: {  	[sflag:s31] =	ssyncadd.s32 $0xFFFFE0C0  }
0x94: {  	[spmem:s3] =	stream.indirect.scatter.add.bf16 [tilespmem:s29], [sflag:$0x5], $0x40, s26, s21, $0xb8;
	[tilespmem:$0x16940] =	vst v63  }
0x95: {  	_ =	swait.ge [sflag:s18], $0x1F40  }
0x96: {  	[sflag:s18] =	ssyncset.done $0x0  }
0x97: {  	[sflag:s18] =	ssyncadd.s32 $0xFFFFE0C0  }
0x98: {  	s0 =	simm.s32 @p0 $0x1FC5;
	[bflag:$0x0] =	sbarrier.arrive $0xFFFF  }
0x99: {  	[hbm:s14], [sflag:s0] =	dma.local @p0 [spmem:s24], $0x1400  }
0x9a: {  	s0 =	simm.s32 @p0 $0x5  }
0x9b: {  	s20 =	stileid.u32;
	_ =	swait.ge @p0 [sflag:s0], $0x1400  }
0x9c: {  	s2 =	sadd.s32 $0x1, s2;
	s20 =	sshll.u32 @!p0 s20, $0x6;
	[sflag:s0] =	ssyncset.done @p0 $0x0  }
0x9d: {  	p1 =	sne.s32 s2, s15;
	[sflag:s0] =	ssyncadd.s32 @p0 $0xFFFFEC00;
	s0 =	sor.u32 @!p0 $0x1C05, s20  }
0x9e: {  	[hbm:s13], [sflag:s0] =	dma.local @!p0 [spmem:s25], $0x1380  }
.Ltmp1:
0x9f: {  	_ = 	snop;
	(pc) =	sbr.rel @p1 .LBB2_1-.Ltmp1, $4  }
0xa0: {  	s0 =	simm.s32 @!p0 $0x5  }
0xa1: {  	_ =	swait.ge @!p0 [sflag:s0], $0x1380  }
0xa2: {  	[sflag:s0] =	ssyncset.done @!p0 $0x0  }
0xa3: {  	[sflag:s0] =	ssyncadd.s32 @!p0 $0xFFFFEC80  }
0xa4: {  	_ =	sfence.sel $0x180000  }
0xa5: {  	[bflag:$0x0] =	sbarrier.arrive $0xFFFF  }
0xa6: {  	_ =	strace $0x9000004D  }
0xa7: {  	s0 =	stileid.u32;
	[bflag:$0x2] =	sbarrier.arrive $0xFFFF  }
0xa8: {  	p0 =	sne.s32 s0, $0x0;
	s0 =	rddreg [dreg:$0x3]  }
0xa9: {  	s0 =	sadd.s32 @!p0 $0x100000, s0  }
0xaa: {  	[sflag:s0] =	ssyncadd.tile.s32 @!p0 $0x1;
	_ =	shalt  }
.Lfunc_end2:
_tile_overlayer_lowered:
.L_overlay_start_2:
0xab: {  	(tag) =	ssettag $0x2  }
0xac: {  	s0 =	rddreg [dreg:$0x0];
	s2 =	stileid.u32  }
0xad: {  	s1 =	rddreg [dreg:$0x1];
	p0 =	sne.s32 s2, $0x0  }
0xae: {  	s3 =	rddreg [dreg:$0x2];
	[bflag:$0x3] =	sbarrier.arrive $0xFFFF;
	s2 =	simm.s32 @!p0 $0x1C05  }
0xaf: {  	[timem:s3], [sflag:s2] =	dma.local @!p0 [hbm:s0], s1  }
0xb0: {  	s0 =	simm.s32 @!p0 $0x5  }
0xb1: {  	_ =	swait.ge @!p0 [sflag:s0], s1  }
0xb2: {  	s1 =	ssub.s32 @!p0 $0x0, s1;
	[sflag:s0] =	ssyncset.done @!p0 $0x0  }
0xb3: {  	[sflag:s0] =	ssyncadd.s32 @!p0 s1  }
0xb4: {  	[bflag:$0x3] =	sbarrier.arrive $0xFFFF  }
0xb5: {  	_ =	shalt  }

// kernel: kernel.19.cloned.1.call-start
scs
__scs_entry_jumppad:
0x0: {  	(pc) =	sbr.rel $0x88, $3  }
0x1: {  	(tag) =	ssettag $0x0;
	lr =	simm.s32 $0x1  }
0x2: {  	[smem:$0x3F97] =	sst lr;
	_ =	strace $0xD0000000  }
0x3: {  	_ = 	snop  }
0x4: {  	_ = 	snop  }
0x5: {  	_ = 	snop  }
0x6: {  	_ = 	snop  }
0x7: {  	_ = 	snop  }
__scs_overlays_trampoline_lowered:
0x8: {  	[smem:$0x3FA6] =	sst s0  }
0x9: {  	[smem:$0x3FA7] =	sst s1  }
0xa: {  	[smem:$0x3FA8] =	sst s2  }
0xb: {  	[smem:$0x3FA9] =	sst s3  }
0xc: {  	[smem:$0x3FAA] =	sst s4  }
0xd: {  	[smem:$0x3FAB] =	sst s5  }
0xe: {  	[smem:$0x3FAC] =	sst s6  }
0xf: {  	[smem:$0x3FAD] =	sst s7  }
0x10: {  	[smem:$0x3FAE] =	sst s8  }
0x11: {  	[smem:$0x3FAF] =	sst s9;
	s0 =	simm.s32 @!p0 $0x0  }
0x12: {  	s1 =	sld [smem:$0x3F95];
	s0 =	simm.s32 @p0 $0x1  }
0x13: {  	[smem:$0x3FB0] =	sst s0;
	s0 =	simm.s32 @!p1 $0x0  }
0x14: {  	s2 =	sld [smem:$0x3F94];
	s0 =	simm.s32 @p1 $0x1  }
0x15: {  	[smem:$0x3FB1] =	sst s0;
	s0 =	simm.s32 @!p2 $0x0  }
0x16: {  	s3 =	sld [smem:$0x3FDB];
	s0 =	simm.s32 @p2 $0x1  }
0x17: {  	s4 =	simm.s32 $0x1BF5;
	[smem:$0x3FB3] =	sst s0  }
0x18: {  	s0 =	sld [smem:$0x3F96];
	_ =	swait.ge [sflag:s4], $0x0  }
0x19: {  	s7 =	sld [smem:$0x3F97]  }
0x1a: {  	s8 =	sadd.s32 $0xFFFFE003, lr  }
0x1b: {  	s9 =	sadd.s32 $0xFFFFFEF7, lr;
	s5 =	simm.s32 $0xFFFFFFFF;
	p2 =	slt.u32 s8, $0xFFFFF086  }
0x1c: {  	p1 =	slt.u32 s9, $0xF7A;
	s5 =	simm.s32 @!p2 $0x0  }
0x1d: {  	s5 =	simm.s32 @p1 $0x1;
	p0 =	seq.s32 s7, s2  }
0x1e: {  	s7 =	smul.u32 @!p0 $0xF7A, s2;
	p2 =	seq.s32 @!p0 s5, $0x0  }
0x1f: {  	s9 =	smul.u32 $0xF7A, s1;
	s8 =	simm.s32 @!p0 $0x1BF5;
	p2 =	por !p2, p0  }
0x20: {  	[sflag:s8] =	ssyncset.s32 @!p0 $0xFFFFF086;
	s6 =	sadd.s32 @!p0 s3, s7;
	s7 =	simm.s32 @!p0 $0x108  }
0x21: {  	s3 =	sadd.s32 s3, s9;
	s6 =	sadd.s32 @!p0 $0x88, s6;
	s7 =	simm.s32 @p2 $0x1082  }
0x22: {  	[simem:s7], [sflag:s8] =	dma.local @!p0 [hbm:s6], $0xF7A  }
0x23: {  	s9 =	sor.u32 $0xD0000000, s2;
	s6 =	simm.s32 $0x108;
	_ =	swait.ge @!p0 [sflag:s8], $0x0  }
0x24: {  	s3 =	sadd.s32 $0x88, s3;
	s6 =	simm.s32 @!p1 $0x1082;
	[sflag:s4] =	ssyncset.s32 $0xFFFFF086  }
0x25: {  	[simem:s6], [sflag:s4] =	dma.local [hbm:s3], $0xF7A  }
0x26: {  	[smem:$0x3F97] =	sst s1;
	(tag) =	ssettag s2;
	_ =	strace s9  }
0x27: {  	s1 =	sld [smem:$0x3FA7]  }
0x28: {  	s2 =	sld [smem:$0x3FA8]  }
0x29: {  	s4 =	sld [smem:$0x3FAA]  }
0x2a: {  	p0 =	seq.s32 s5, $0x0;
	s5 =	sld [smem:$0x3FAB]  }
0x2b: {  	s6 =	sld [smem:$0x3FAC]  }
0x2c: {  	s7 =	sld [smem:$0x3FAD]  }
0x2d: {  	s3 =	simm.s32 $0x108;
	s8 =	sld [smem:$0x3FAE]  }
0x2e: {  	s3 =	simm.s32 @!p0 $0x1082;
	s9 =	sld [smem:$0x3FAF]  }
0x2f: {  	lr =	sadd.s32 s0, s3;
	s0 =	sld [smem:$0x3FA6]  }
0x30: {  	s3 =	sld [smem:$0x3FA9]  }
0x31: {  	[smem:$0x3FB2] =	sst s10  }
0x32: {  	s10 =	sld [smem:$0x3FB0];
	_ =	sdelay $0x3  }
0x33: {  	p0 =	seq.s32 s10, $0x1;
	s10 =	sld [smem:$0x3FB2];
	_ =	sdelay $0x3  }
0x34: {  	[smem:$0x3FB2] =	sst s10  }
0x35: {  	s10 =	sld [smem:$0x3FB1];
	_ =	sdelay $0x3  }
0x36: {  	p1 =	seq.s32 s10, $0x1;
	s10 =	sld [smem:$0x3FB2];
	_ =	sdelay $0x3  }
0x37: {  	[smem:$0x3FB2] =	sst s10  }
0x38: {  	s10 =	sld [smem:$0x3FB3]  }
0x39: {  	_ = 	snop;
	(pc) =	sbr.ind lr, $3  }
0x3a: {  	_ = 	snop  }
0x3b: {  	_ = 	snop  }
0x3c: {  	p2 =	seq.s32 s10, $0x1;
	s10 =	sld [smem:$0x3FB2]  }
0x3d: {  	_ =	shalt  }
0x3e: {  	_ =	shalt  }
0x3f: {  	_ =	shalt  }
0x40: {  	_ =	shalt  }
0x41: {  	_ =	shalt  }
0x42: {  	_ =	shalt  }
0x43: {  	_ =	shalt  }
0x44: {  	_ =	shalt  }
0x45: {  	_ =	shalt  }
0x46: {  	_ =	shalt  }
0x47: {  	_ =	shalt  }
0x48: {  	_ =	shalt  }
0x49: {  	_ =	shalt  }
0x4a: {  	_ =	shalt  }
0x4b: {  	_ =	shalt  }
0x4c: {  	_ =	shalt  }
0x4d: {  	_ =	shalt  }
0x4e: {  	_ =	shalt  }
0x4f: {  	_ =	shalt  }
0x50: {  	_ =	shalt  }
0x51: {  	_ =	shalt  }
0x52: {  	_ =	shalt  }
0x53: {  	_ =	shalt  }
0x54: {  	_ =	shalt  }
0x55: {  	_ =	shalt  }
0x56: {  	_ =	shalt  }
0x57: {  	_ =	shalt  }
0x58: {  	_ =	shalt  }
0x59: {  	_ =	shalt  }
0x5a: {  	_ =	shalt  }
0x5b: {  	_ =	shalt  }
0x5c: {  	_ =	shalt  }
0x5d: {  	_ =	shalt  }
0x5e: {  	_ =	shalt  }
0x5f: {  	_ =	shalt  }
0x60: {  	_ =	shalt  }
0x61: {  	_ =	shalt  }
0x62: {  	_ =	shalt  }
0x63: {  	_ =	shalt  }
0x64: {  	_ =	shalt  }
0x65: {  	_ =	shalt  }
0x66: {  	_ =	shalt  }
0x67: {  	_ =	shalt  }
0x68: {  	_ =	shalt  }
0x69: {  	_ =	shalt  }
0x6a: {  	_ =	shalt  }
0x6b: {  	_ =	shalt  }
0x6c: {  	_ =	shalt  }
0x6d: {  	_ =	shalt  }
0x6e: {  	_ =	shalt  }
0x6f: {  	_ =	shalt  }
0x70: {  	_ =	shalt  }
0x71: {  	_ =	shalt  }
0x72: {  	_ =	shalt  }
0x73: {  	_ =	shalt  }
0x74: {  	_ =	shalt  }
0x75: {  	_ =	shalt  }
0x76: {  	_ =	shalt  }
0x77: {  	_ =	shalt  }
0x78: {  	_ =	shalt  }
0x79: {  	_ =	shalt  }
0x7a: {  	_ =	shalt  }
0x7b: {  	_ =	shalt  }
0x7c: {  	_ =	shalt  }
0x7d: {  	_ =	shalt  }
0x7e: {  	_ =	shalt  }
0x7f: {  	_ =	shalt  }
0x80: {  	_ =	shalt  }
0x81: {  	_ =	shalt  }
0x82: {  	_ =	shalt  }
0x83: {  	_ =	shalt  }
0x84: {  	_ =	shalt  }
0x85: {  	_ =	shalt  }
0x86: {  	_ =	shalt  }
0x87: {  	_ =	shalt  }
.Lfunc_end0:
.L_simem_size_0:
called_computation.3_lowered:
.L_overlay_start_0:
0x88: {  	s2 =	sld [smem:$0x3FD9]  }
0x89: {  	s3 =	sld [smem:$0x3FFE];
	_ =	sdelay $0x1  }
0x8a: {  	s1 =	srdreg.scid  }
0x8b: {  	s0 =	sand.u32 $0x1, s1  }
0x8c: {  	s17 =	sshll.u32 s0, $0xA;
	s2 =	sadd.s32 s3, s2  }
0x8d: {  	s2 =	sadd.s32 s2, s17  }
0x8e: {  	[smem:$0x3FBE] =	sst s2  }
0x8f: {  	_ = 	snop  }
0x90: {  	s2 =	sld [smem:$0x3FD0];
	(tm) =	ssettm $0x1  }
0x91: {  	s18 =	sld [smem:$0x3FFB];
	_ =	sdelay $0x3  }
0x92: {  	_ =	strace s18  }
0x93: {  	s3 =	sld [smem:$0x3FFC];
	_ =	sdelay $0x3  }
0x94: {  	_ =	strace s3  }
0x95: {  	s3 =	sld [smem:$0x3FFD];
	_ =	sdelay $0x3  }
0x96: {  	_ =	strace s3  }
0x97: {  	_ =	strace $0x8FFFFFFF  }
0x98: {  	s19 =	sld [smem:$0x3FDB];
	_ =	sdelay $0x1  }
0x99: {  	s4 =	simm.s32 $_scs_section_size  }
0x9a: {  	s5 =	simm.s32 $_size__tile_overlayer_lowered;
	s6 =	simm.s32 $_tile_overlayer_lowered  }
0x9b: {  	s22 =	simm.s32 $0x1BFF;
	s21 =	sshll.u32 s6, $0x1;
	s3 =	sadd.s32 s4, s19  }
0x9c: {  	s7 =	simm.s32 $0x0;
	s20 =	sshll.u32 s5, $0x1;
	s5 =	sadd.s32 s21, s3  }
0x9d: {  	[timem:s7], [sflag:s22] =	dma.local [hbm:s5], s20  }
0x9e: {  	_ =	swait.ge [sflag:s22], s20  }
0x9f: {  	s4 =	ssub.s32 $0x0, s20;
	[sflag:s22] =	ssyncset.done $0x0  }
0xa0: {  	[sflag:s22] =	ssyncadd.s32 s4;
	_ =	sdelay $0x1  }
0xa1: {  	s23 =	simm.s32 $0x1B8B  }
0xa2: {  	_ =	swait.ge [sflag:s23], $0x1  }
0xa3: {  	[sflag:s23] =	ssyncset.done $0x0  }
0xa4: {  	s25 =	simm.s32 $0x1B8E;
	s24 =	sld [smem:$0x3FFE];
	[sflag:s23] =	ssyncadd.s32 $0xFFFFFFFF  }
0xa5: {  	s26 =	simm.s32 $execute0_lowered;
	[smem:$0x3FD2] =	sst s25  }
0xa6: {  	s5 =	sshll.u32 s26, $0x1;
	_ =	strace $0x8000004F;
	[dreg:$0x1] =	wrdreg $0xFFFFFFFF  }
0xa7: {  	s28 =	simm.s32 $_size_execute0_lowered;
	s3 =	sadd.s32 s3, s5;
	[dreg:$0x0] =	wrdreg $0x0  }
0xa8: {  	s5 =	sshll.u32 s28, $0x1;
	[dreg:$0x2] =	wrdreg s3  }
0xa9: {  	[dreg:$0x3] =	wrdreg s5  }
0xaa: {  	[dreg:$0x4] =	wrdreg $0xC0  }
0xab: {  	_ =	task [dreg:s7], $0x5FFFF  }
0xac: {  	[dreg:$0x1] =	wrdreg $0xFFFFFFFF  }
0xad: {  	[dreg:$0x0] =	wrdreg $0x60  }
0xae: {  	[dreg:$0x2] =	wrdreg s2  }
0xaf: {  	[dreg:$0x3] =	wrdreg s24  }
0xb0: {  	[dreg:$0x4] =	wrdreg $0xCD000  }
0xb1: {  	[dreg:$0x5] =	wrdreg $0x9  }
0xb2: {  	_ =	task.clear_ibuf [dreg:s7], $0x6FFFF;
	_ =	strace $0x9000004F  }
0xb3: {  	s29 =	simm.s32 $0x9;
	_ =	strace $0x80000051  }
0xb4: {  	_ =	swait.ge [sflag:s29], $0x1  }
0xb5: {  	[sflag:s29] =	ssyncadd.s32 $0xFFFFFFFF  }
0xb6: {  	_ =	strace $0x90000051  }
0xb7: {  	_ =	sfence  }
0xb8: {  	s30 =	sld [smem:$0x0];
	_ =	sdelay $0x2  }
0xb9: {  	s31 =	sshll.u32 s1, $0xD;
	s1 =	sshrl.u32 s1, $0x2  }
0xba: {  	s3 =	sand.u32 $0x4000, s31;
	s1 =	sadd.s32 s1, s30  }
0xbb: {  	s0 =	sor.u32 s3, s0;
	s1 =	sshll.u32 s1, $0x11  }
0xbc: {  	s0 =	sor.u32 s1, s0  }
0xbd: {  	s0 =	sadd.s32 $0x8F2B, s0  }
0xbe: {  	[sflag:s0] =	ssyncadd.remote.s32 $0x1  }
0xbf: {  	_ =	sfence.sel $0xFFFF  }
0xc0: {  	[dreg:$0x0] =	wrdreg $0xFFFFFFFF;
	(pc) =	sbr.abs _section_cstart, $3  }
0xc1: {  	[dreg:$0x1] =	wrdreg $0xFFFFFFFF  }
0xc2: {  	_ =	task.clear_ibuf [dreg:s7], $0x2FFFF;
	_ =	strace $0x9FFFFFFF  }
0xc3: {  	(tm) =	ssettm $0x7FFFFFFF  }
tec
execute0_lowered:
.L_overlay_start_1:
0x0: {  	(tag) =	ssettag $0x1  }
0x1: {  	s1 =	rddreg [dreg:$0x0]  }
0x2: {  	s0 =	rddreg [dreg:$0x1];
	s2 =	srdreg.scid  }
0x3: {  	s20 =	stileid.u32;
	s3 =	rddreg [dreg:$0x2];
	s4 =	simm.s32 $0x0  }
0x4: {  	s17 =	simm.s32 $0x1;
	s18 =	simm.s32 $0x5;
	s19 =	simm.s32 $0x2  }
0x5: {  	s21 =	simm.s32 $0x7D;
	s23 =	simm.s32 $0x6F40;
	s28 =	simm.s32 $0x8E80  }
0x6: {  	s29 =	simm.s32 $0xADC0;
	s30 =	simm.s32 $0x3;
	s31 =	simm.s32 $0x4  }
0x7: {  	s26 =	simm.s32 $0x4F80;
	s2 =	sand.u32 $0x1, s2;
	s6 =	smul.u32 $0x27100, s20  }
0x8: {  	s5 =	sshll.u32 s20, $0x1;
	[smem:$0x7FF] =	sst s4;
	s13 =	smul.u32 $0x13800, s20  }
0x9: {  	s5 =	sor.u32 s2, s5;
	s7 =	ssub.s32 $0x2, s2;
	s2 =	smul.u32 $0x138800, s2  }
0xa: {  	p0 =	seq.s32 s20, $0xF;
	_ =	strace $0x80000050;
	s5 =	smul.u32 $0x500, s5  }
0xb: {  	s8 =	sshrl.u32 s7, $0x1;
	s6 =	sshrl.u32 s6, $0x2;
	s16 =	sshrl.u32 s13, $0x1  }
0xc: {  	s15 =	ssub.s32 s7, s8;
	s6 =	sadd.s32 s6, s3;
	s14 =	sadd.s32 s13, s2  }
0xd: {  	s2 =	sshrl.u32 s2, $0x4;
	s12 =	sadd.s32 s5, s0;
	s5 =	sadd.s32 $0x17400, s0  }
0xe: {  	s0 =	sadd.s32 $0x17800, s0;
	s7 =	sadd.s32 $0x1F40, s6;
	s8 =	sadd.s32 $0x3E80, s6  }
0xf: {  	s9 =	sadd.s32 $0x5DC0, s6;
	s10 =	sadd.s32 $0x7D00, s6;
	s14 =	sshrl.u32 s14, $0x4  }
0x10: {  	s15 =	smax.u32 s15, $0x1;
	s11 =	sadd.s32 $0xD400, s12;
	s12 =	sadd.s32 $0x3400, s12  }
0x11: {  	s2 =	sadd.s32 s0, s2;
	s13 =	sadd.s32 s0, s14;
	s0 =	sadd.s32 s16, s3  }
0x12: {  	s16 =	simm.s32 $0x5000;
	s14 =	sadd.s32 $0x12480, s2;
	s2 =	sadd.s32 $0x92400, s3  }
0x13: {  	s25 =	sshrl.u32 @!p0 s0, $0x3;
	s24 =	sshrl.u32 @p0 s2, $0x3;
	s2 =	simm.s32 $0x0  }
.LBB2_1:
0x14: {  	[tilespmem:s16], [sflag:$0x1] =	stream.linear.gather [hbm4b:s5+s4], $0x1F40, $0x38;
	[tilespmem:$0x16940] =	vst v63  }
0x15: {  	_ =	swait.ge [sflag:s17], $0x1F40  }
0x16: {  	[sflag:s17] =	ssyncset.done $0x0  }
0x17: {  	[sflag:s17] =	ssyncadd.s32 $0xFFFFE0C0  }
0x18: {  	[spmem:s6] =	stream.linear.scatter [tilespmem:s16], [sflag:$0x5], $0x1F40, $0x38;
	[tilespmem:$0x16940] =	vst v63  }
0x19: {  	_ =	swait.ge [sflag:s18], $0x1F40  }
0x1a: {  	[sflag:s18] =	ssyncset.done $0x0  }
0x1b: {  	[sflag:s18] =	ssyncadd.s32 $0xFFFFE0C0  }
0x1c: {  	[spmem:s7] =	stream.linear.scatter [tilespmem:s16], [sflag:$0x5], $0x1F40, $0x38;
	[tilespmem:$0x16940] =	vst v63  }
0x1d: {  	_ =	swait.ge [sflag:s18], $0x1F40  }
0x1e: {  	[sflag:s18] =	ssyncset.done $0x0  }
0x1f: {  	[sflag:s18] =	ssyncadd.s32 $0xFFFFE0C0  }
0x20: {  	[spmem:s8] =	stream.linear.scatter [tilespmem:s16], [sflag:$0x5], $0x1F40, $0x38;
	[tilespmem:$0x16940] =	vst v63  }
0x21: {  	_ =	swait.ge [sflag:s18], $0x1F40  }
0x22: {  	[sflag:s18] =	ssyncset.done $0x0  }
0x23: {  	[sflag:s18] =	ssyncadd.s32 $0xFFFFE0C0  }
0x24: {  	[spmem:s9] =	stream.linear.scatter [tilespmem:s16], [sflag:$0x5], $0x1F40, $0x38;
	[tilespmem:$0x16940] =	vst v63  }
0x25: {  	_ =	swait.ge [sflag:s18], $0x1F40  }
0x26: {  	[sflag:s18] =	ssyncset.done $0x0  }
0x27: {  	[sflag:s18] =	ssyncadd.s32 $0xFFFFE0C0  }
0x28: {  	[spmem:s10] =	stream.linear.scatter [tilespmem:s16], [sflag:$0x5], $0x1F40, $0x38;
	[tilespmem:$0x16940] =	vst v63  }
0x29: {  	_ =	swait.ge [sflag:s18], $0x1F40  }
0x2a: {  	[sflag:s18] =	ssyncset.done $0x0  }
0x2b: {  	[sflag:s18] =	ssyncadd.s32 $0xFFFFE0C0  }
0x2c: {  	[tilespmem:s4], [sflag:$0x2] =	stream.linear.gather [hbm4b:s11+s4], $0x2800, $0x38;
	[tilespmem:$0x16940] =	vst v63  }
0x2d: {  	_ =	swait.ge [sflag:s19], $0x2800  }
0x2e: {  	[sflag:s19] =	ssyncset.done $0x0  }
0x2f: {  	s0 =	simm.s32 $0x2800;
	[sflag:s19] =	ssyncadd.s32 $0xFFFFD800  }
0x30: {  	[tilespmem:s0], [sflag:$0x2] =	stream.linear.gather [hbm4b:s12+s4], $0x2800, $0x38;
	[tilespmem:$0x16940] =	vst v63  }
0x31: {  	_ =	swait.ge [sflag:s19], $0x2800  }
0x32: {  	[sflag:s19] =	ssyncset.done $0x0  }
0x33: {  	[sflag:s19] =	ssyncadd.s32 $0xFFFFD800  }
0x34: {  	[bflag:$0x0] =	sbarrier.arrive $0xFFFF  }
0x35: {  	[tilespmem:s16], [sflag:$0x1] =	stream.indirect.gather [hbm4b:s1+s21], $0x40, s4, s21, $0xb8;
	[tilespmem:$0x16940] =	vst v63  }
0x36: {  	s22 =	simm.s32 $0x80  }
0x37: {  	[tilespmem:s23], [sflag:$0x2] =	stream.indirect.gather [hbm4b:s1+s21], $0x40, s22, s21, $0xb8;
	[tilespmem:$0x16940] =	vst v63  }
0x38: {  	s20 =	simm.s32 $0x100  }
0x39: {  	[tilespmem:s28], [sflag:$0x3] =	stream.indirect.gather [hbm4b:s1+s21], $0x40, s20, s21, $0xb8;
	[tilespmem:$0x16940] =	vst v63  }
0x3a: {  	_ =	swait.ge [sflag:s17], $0x1F40  }
0x3b: {  	[sflag:s17] =	ssyncset.done $0x0  }
0x3c: {  	s22 =	simm.s32 $0x2800;
	[sflag:s17] =	ssyncadd.s32 $0xFFFFE0C0  }
0x3d: {  	[spmem:s3] =	stream.indirect.scatter.add.bf16 [tilespmem:s16], [sflag:$0x5], $0x40, s22, s21, $0xb8;
	[tilespmem:$0x16940] =	vst v63  }
0x3e: {  	_ =	swait.ge [sflag:s18], $0x1F40  }
0x3f: {  	[sflag:s18] =	ssyncset.done $0x0  }
0x40: {  	s20 =	simm.s32 $0x180;
	[sflag:s18] =	ssyncadd.s32 $0xFFFFE0C0  }
0x41: {  	[tilespmem:s29], [sflag:$0x4] =	stream.indirect.gather [hbm4b:s1+s21], $0x40, s20, s21, $0xb8;
	[tilespmem:$0x16940] =	vst v63  }
0x42: {  	_ =	swait.ge [sflag:s19], $0x1F40  }
0x43: {  	[sflag:s19] =	ssyncset.done $0x0  }
0x44: {  	s22 =	simm.s32 $0x2880;
	[sflag:s19] =	ssyncadd.s32 $0xFFFFE0C0  }
0x45: {  	[spmem:s3] =	stream.indirect.scatter.add.bf16 [tilespmem:s23], [sflag:$0x5], $0x40, s22, s21, $0xb8;
	[tilespmem:$0x16940] =	vst v63  }
0x46: {  	_ =	swait.ge [sflag:s18], $0x1F40  }
0x47: {  	[sflag:s18] =	ssyncset.done $0x0  }
0x48: {  	s20 =	simm.s32 $0x200;
	[sflag:s18] =	ssyncadd.s32 $0xFFFFE0C0  }
0x49: {  	[tilespmem:s16], [sflag:$0x1] =	stream.indirect.gather [hbm4b:s1+s21], $0x40, s20, s21, $0xb8;
	[tilespmem:$0x16940] =	vst v63  }
0x4a: {  	_ =	swait.ge [sflag:s30], $0x1F40  }
0x4b: {  	[sflag:s30] =	ssyncset.done $0x0  }
0x4c: {  	s22 =	simm.s32 $0x2900;
	[sflag:s30] =	ssyncadd.s32 $0xFFFFE0C0  }
0x4d: {  	[spmem:s3] =	stream.indirect.scatter.add.bf16 [tilespmem:s28], [sflag:$0x5], $0x40, s22, s21, $0xb8;
	[tilespmem:$0x16940] =	vst v63  }
0x4e: {  	_ =	swait.ge [sflag:s18], $0x1F40  }
0x4f: {  	[sflag:s18] =	ssyncset.done $0x0  }
0x50: {  	s20 =	simm.s32 $0x280;
	[sflag:s18] =	ssyncadd.s32 $0xFFFFE0C0  }
0x51: {  	[tilespmem:s23], [sflag:$0x2] =	stream.indirect.gather [hbm4b:s1+s21], $0x40, s20, s21, $0xb8;
	[tilespmem:$0x16940] =	vst v63  }
0x52: {  	_ =	swait.ge [sflag:s31], $0x1F40  }
0x53: {  	[sflag:s31] =	ssyncset.done $0x0  }
0x54: {  	s22 =	simm.s32 $0x2980;
	[sflag:s31] =	ssyncadd.s32 $0xFFFFE0C0  }
0x55: {  	[spmem:s3] =	stream.indirect.scatter.add.bf16 [tilespmem:s29], [sflag:$0x5], $0x40, s22, s21, $0xb8;
	[tilespmem:$0x16940] =	vst v63  }
0x56: {  	_ =	swait.ge [sflag:s18], $0x1F40  }
0x57: {  	[sflag:s18] =	ssyncset.done $0x0  }
0x58: {  	s0 =	simm.s32 $0x800;
	s20 =	simm.s32 $0x300;
	[sflag:s18] =	ssyncadd.s32 $0xFFFFE0C0  }
.LBB2_2:
0x59: {  	[tilespmem:s28], [sflag:$0x3] =	stream.indirect.gather [hbm4b:s1+s21], $0x40, s20, s21, $0xb8;
	[tilespmem:$0x16940] =	vst v63  }
0x5a: {  	s20 =	smov.u32 s0  }
0x5b: {  	p1 =	sne.s32 s0, $0x9000;
	s0 =	sadd.s32 $0x800, s0;
	_ =	swait.ge [sflag:s17], $0x1F40  }
0x5c: {  	s20 =	sshra.s32 s20, $0x2;
	[sflag:s17] =	ssyncset.done $0x0  }
0x5d: {  	s22 =	sadd.s32 $0x2800, s20;
	[sflag:s17] =	ssyncadd.s32 $0xFFFFE0C0  }
0x5e: {  	[spmem:s3] =	stream.indirect.scatter.add.bf16 [tilespmem:s16], [sflag:$0x5], $0x40, s22, s21, $0xb8;
	[tilespmem:$0x16940] =	vst v63  }
0x5f: {  	_ =	swait.ge [sflag:s18], $0x1F40  }
0x60: {  	[sflag:s18] =	ssyncset.done $0x0  }
0x61: {  	s22 =	sadd.s32 $0x180, s20;
	[sflag:s18] =	ssyncadd.s32 $0xFFFFE0C0  }
0x62: {  	[tilespmem:s29], [sflag:$0x4] =	stream.indirect.gather [hbm4b:s1+s21], $0x40, s22, s21, $0xb8;
	[tilespmem:$0x16940] =	vst v63  }
0x63: {  	_ =	swait.ge [sflag:s19], $0x1F40  }
0x64: {  	[sflag:s19] =	ssyncset.done $0x0  }
0x65: {  	s22 =	sadd.s32 $0x2880, s20;
	[sflag:s19] =	ssyncadd.s32 $0xFFFFE0C0  }
0x66: {  	[spmem:s3] =	stream.indirect.scatter.add.bf16 [tilespmem:s23], [sflag:$0x5], $0x40, s22, s21, $0xb8;
	[tilespmem:$0x16940] =	vst v63  }
0x67: {  	_ =	swait.ge [sflag:s18], $0x1F40  }
0x68: {  	[sflag:s18] =	ssyncset.done $0x0  }
0x69: {  	s22 =	sadd.s32 $0x200, s20;
	[sflag:s18] =	ssyncadd.s32 $0xFFFFE0C0  }
0x6a: {  	[tilespmem:s16], [sflag:$0x1] =	stream.indirect.gather [hbm4b:s1+s21], $0x40, s22, s21, $0xb8;
	[tilespmem:$0x16940] =	vst v63  }
0x6b: {  	_ =	swait.ge [sflag:s30], $0x1F40  }
0x6c: {  	[sflag:s30] =	ssyncset.done $0x0  }
0x6d: {  	s22 =	sadd.s32 $0x2900, s20;
	[sflag:s30] =	ssyncadd.s32 $0xFFFFE0C0  }
0x6e: {  	[spmem:s3] =	stream.indirect.scatter.add.bf16 [tilespmem:s28], [sflag:$0x5], $0x40, s22, s21, $0xb8;
	[tilespmem:$0x16940] =	vst v63  }
0x6f: {  	_ =	swait.ge [sflag:s18], $0x1F40  }
0x70: {  	[sflag:s18] =	ssyncset.done $0x0  }
0x71: {  	s22 =	sadd.s32 $0x280, s20;
	[sflag:s18] =	ssyncadd.s32 $0xFFFFE0C0  }
0x72: {  	[tilespmem:s23], [sflag:$0x2] =	stream.indirect.gather [hbm4b:s1+s21], $0x40, s22, s21, $0xb8;
	[tilespmem:$0x16940] =	vst v63  }
0x73: {  	_ =	swait.ge [sflag:s31], $0x1F40  }
0x74: {  	[sflag:s31] =	ssyncset.done $0x0  }
.Ltmp0:
0x75: {  	s22 =	sadd.s32 $0x2980, s20;
	[sflag:s31] =	ssyncadd.s32 $0xFFFFE0C0;
	(pc) =	sbr.rel @p1 .LBB2_2-.Ltmp0, $4  }
0x76: {  	[spmem:s3] =	stream.indirect.scatter.add.bf16 [tilespmem:s29], [sflag:$0x5], $0x40, s22, s21, $0xb8;
	[tilespmem:$0x16940] =	vst v63  }
0x77: {  	_ =	swait.ge [sflag:s18], $0x1F40  }
0x78: {  	[sflag:s18] =	ssyncset.done $0x0  }
0x79: {  	s20 =	sadd.s32 $0x300, s20;
	[sflag:s18] =	ssyncadd.s32 $0xFFFFE0C0  }
0x7a: {  	[tilespmem:s28], [sflag:$0x3] =	stream.indirect.gather [hbm4b:s1+s21], $0x40, s20, s21, $0xb8;
	[tilespmem:$0x16940] =	vst v63  }
0x7b: {  	_ =	swait.ge [sflag:s17], $0x1F40  }
0x7c: {  	[sflag:s17] =	ssyncset.done $0x0  }
0x7d: {  	s0 =	simm.s32 $0x4E00;
	[sflag:s17] =	ssyncadd.s32 $0xFFFFE0C0  }
0x7e: {  	[spmem:s3] =	stream.indirect.scatter.add.bf16 [tilespmem:s16], [sflag:$0x5], $0x40, s0, s21, $0xb8;
	[tilespmem:$0x16940] =	vst v63  }
0x7f: {  	_ =	swait.ge [sflag:s18], $0x1F40  }
0x80: {  	[sflag:s18] =	ssyncset.done $0x0  }
0x81: {  	s22 =	simm.s32 $0x2780;
	[sflag:s18] =	ssyncadd.s32 $0xFFFFE0C0  }
0x82: {  	[tilespmem:s29], [sflag:$0x4] =	stream.indirect.gather [hbm4b:s1+s21], $0x40, s22, s21, $0xb8;
	[tilespmem:$0x16940] =	vst v63  }
0x83: {  	_ =	swait.ge [sflag:s19], $0x1F40  }
0x84: {  	[sflag:s19] =	ssyncset.done $0x0  }
0x85: {  	s20 =	simm.s32 $0x4E80;
	[sflag:s19] =	ssyncadd.s32 $0xFFFFE0C0  }
0x86: {  	[spmem:s3] =	stream.indirect.scatter.add.bf16 [tilespmem:s23], [sflag:$0x5], $0x40, s20, s21, $0xb8;
	[tilespmem:$0x16940] =	vst v63  }
0x87: {  	_ =	swait.ge [sflag:s18], $0x1F40  }
0x88: {  	[sflag:s18] =	ssyncset.done $0x0  }
0x89: {  	[sflag:s18] =	ssyncadd.s32 $0xFFFFE0C0  }
0x8a: {  	_ =	swait.ge [sflag:s30], $0x1F40  }
0x8b: {  	[sflag:s30] =	ssyncset.done $0x0  }
0x8c: {  	s22 =	simm.s32 $0x4F00;
	[sflag:s30] =	ssyncadd.s32 $0xFFFFE0C0  }
0x8d: {  	[spmem:s3] =	stream.indirect.scatter.add.bf16 [tilespmem:s28], [sflag:$0x5], $0x40, s22, s21, $0xb8;
	[tilespmem:$0x16940] =	vst v63  }
0x8e: {  	_ =	swait.ge [sflag:s18], $0x1F40  }
0x8f: {  	[sflag:s18] =	ssyncset.done $0x0  }
0x90: {  	[sflag:s18] =	ssyncadd.s32 $0xFFFFE0C0  }
0x91: {  	_ =	swait.ge [sflag:s31], $0x1F40  }
0x92: {  	[sflag:s31] =	ssyncset.done $0x0  }
0x93: {  	[sflag:s31] =	ssyncadd.s32 $0xFFFFE0C0  }
0x94: {  	[spmem:s3] =	stream.indirect.scatter.add.bf16 [tilespmem:s29], [sflag:$0x5], $0x40, s26, s21, $0xb8;
	[tilespmem:$0x16940] =	vst v63  }
0x95: {  	_ =	swait.ge [sflag:s18], $0x1F40  }
0x96: {  	[sflag:s18] =	ssyncset.done $0x0  }
0x97: {  	[sflag:s18] =	ssyncadd.s32 $0xFFFFE0C0  }
0x98: {  	s0 =	simm.s32 @p0 $0x1FC5;
	[bflag:$0x0] =	sbarrier.arrive $0xFFFF  }
0x99: {  	[hbm:s14], [sflag:s0] =	dma.local @p0 [spmem:s24], $0x1400  }
0x9a: {  	s0 =	simm.s32 @p0 $0x5  }
0x9b: {  	s20 =	stileid.u32;
	_ =	swait.ge @p0 [sflag:s0], $0x1400  }
0x9c: {  	s2 =	sadd.s32 $0x1, s2;
	s20 =	sshll.u32 @!p0 s20, $0x6;
	[sflag:s0] =	ssyncset.done @p0 $0x0  }
0x9d: {  	p1 =	sne.s32 s2, s15;
	[sflag:s0] =	ssyncadd.s32 @p0 $0xFFFFEC00;
	s0 =	sor.u32 @!p0 $0x1C05, s20  }
0x9e: {  	[hbm:s13], [sflag:s0] =	dma.local @!p0 [spmem:s25], $0x1380  }
.Ltmp1:
0x9f: {  	_ = 	snop;
	(pc) =	sbr.rel @p1 .LBB2_1-.Ltmp1, $4  }
0xa0: {  	s0 =	simm.s32 @!p0 $0x5  }
0xa1: {  	_ =	swait.ge @!p0 [sflag:s0], $0x1380  }
0xa2: {  	[sflag:s0] =	ssyncset.done @!p0 $0x0  }
0xa3: {  	[sflag:s0] =	ssyncadd.s32 @!p0 $0xFFFFEC80  }
0xa4: {  	_ =	sfence.sel $0x180000  }
0xa5: {  	[bflag:$0x0] =	sbarrier.arrive $0xFFFF  }
0xa6: {  	_ =	strace $0x90000050  }
0xa7: {  	s0 =	stileid.u32;
	[bflag:$0x2] =	sbarrier.arrive $0xFFFF  }
0xa8: {  	p0 =	sne.s32 s0, $0x0;
	s0 =	rddreg [dreg:$0x3]  }
0xa9: {  	s0 =	sadd.s32 @!p0 $0x100000, s0  }
0xaa: {  	[sflag:s0] =	ssyncadd.tile.s32 @!p0 $0x1;
	_ =	shalt  }
.Lfunc_end2:
_tile_overlayer_lowered:
.L_overlay_start_2:
0xab: {  	(tag) =	ssettag $0x2  }
0xac: {  	s0 =	rddreg [dreg:$0x0];
	s2 =	stileid.u32  }
0xad: {  	s1 =	rddreg [dreg:$0x1];
	p0 =	sne.s32 s2, $0x0  }
0xae: {  	s3 =	rddreg [dreg:$0x2];
	[bflag:$0x3] =	sbarrier.arrive $0xFFFF;
	s2 =	simm.s32 @!p0 $0x1C05  }
0xaf: {  	[timem:s3], [sflag:s2] =	dma.local @!p0 [hbm:s0], s1  }
0xb0: {  	s0 =	simm.s32 @!p0 $0x5  }
0xb1: {  	_ =	swait.ge @!p0 [sflag:s0], s1  }
0xb2: {  	s1 =	ssub.s32 @!p0 $0x0, s1;
	[sflag:s0] =	ssyncset.done @!p0 $0x0  }
0xb3: {  	[sflag:s0] =	ssyncadd.s32 @!p0 s1  }
0xb4: {  	[bflag:$0x3] =	sbarrier.arrive $0xFFFF  }
0xb5: {  	_ =	shalt  }

</sc_bundles>
